<compile_context>
chip_gen: v7x
topology: tpu7x:2x2x1
jax: 0.10.2.dev20260603
libtpu: 0.0.44.dev20260713+nightly
codegen_flags: <defaults>
</compile_context>

<pallas_src>
import functools
import math

import numpy as np
import jax
import jax.numpy as jnp
from jax.experimental import pallas as pl
from jax.experimental.pallas import tpu as pltpu

_N = 2
_C = 256
_A = 3
_IMG = 512
_STRIDES = [4, 8, 16, 32, 64]
_SIZES = [32.0, 64.0, 128.0, 256.0, 512.0]
_RATIOS = [0.5, 1.0, 2.0]
_HWS = [(_IMG // s, _IMG // s) for s in _STRIDES]
_PRE_NMS_TOPK = 6000
_POST_NMS_TOPK = 1000
_NMS_THRESH = 0.7
_SCALE_CLAMP = math.log(1000.0 / 16)
_B = 128
_INTERPRET = False


def _cell_anchors_np(size):
    out = []
    area = size * size
    for r in _RATIOS:
        w = math.sqrt(area / r)
        h = w * r
        out.append([-w / 2.0, -h / 2.0, w / 2.0, h / 2.0])
    return np.asarray(out, dtype=np.float32)


def _grid_anchors_np():
    anchors = []
    for (H, W), stride, size in zip(_HWS, _STRIDES, _SIZES):
        ca = _cell_anchors_np(size)
        sx = np.arange(W, dtype=np.float32) * stride
        sy = np.arange(H, dtype=np.float32) * stride
        yy, xx = np.meshgrid(sy, sx, indexing='ij')
        shifts = np.stack([xx.ravel(), yy.ravel(), xx.ravel(), yy.ravel()], axis=1)
        anchors.append((shifts[:, None, :] + ca[None, :, :]).reshape(-1, 4))
    return anchors


def _conv(x, w, b, pad):
    y = jax.lax.conv_general_dilated(x, w, (1, 1), pad,
                                     dimension_numbers=('NCHW', 'OIHW', 'NCHW'))
    return y + b[None, :, None, None]


def _decode(anchors, deltas):
    widths = anchors[:, 2] - anchors[:, 0]
    heights = anchors[:, 3] - anchors[:, 1]
    ctr_x = anchors[:, 0] + 0.5 * widths
    ctr_y = anchors[:, 1] + 0.5 * heights
    dx, dy, dw, dh = deltas[:, 0], deltas[:, 1], deltas[:, 2], deltas[:, 3]
    dw = jnp.minimum(dw, _SCALE_CLAMP)
    dh = jnp.minimum(dh, _SCALE_CLAMP)
    pcx = dx * widths + ctr_x
    pcy = dy * heights + ctr_y
    pw = jnp.exp(dw) * widths
    ph = jnp.exp(dh) * heights
    return jnp.stack([pcx - 0.5 * pw, pcy - 0.5 * ph, pcx + 0.5 * pw, pcy + 0.5 * ph], axis=1)


def _nms_kernel_fn(boxes_ref, bT_ref, keep_ref, cnt_ref, *, nb):
    M = bT_ref.shape[2]
    x1 = bT_ref[0, 0:1, :]
    y1 = bT_ref[0, 1:2, :]
    x2 = bT_ref[0, 2:3, :]
    y2 = bT_ref[0, 3:4, :]
    area = (x2 - x1) * (y2 - y1)
    colidx = jax.lax.broadcasted_iota(jnp.int32, (1, M), 1)
    r0 = jax.lax.broadcasted_iota(jnp.int32, (_B, _B), 0)
    r1 = jax.lax.broadcasted_iota(jnp.int32, (_B, _B), 1)
    lt = r1 < r0
    ut = r0 < r1
    eye = (r0 == r1).astype(jnp.float32)

    def body(st):
        i, kept_cnt = st
        base = i * _B
        blk = boxes_ref[0, pl.ds(base, _B), :]
        bx1 = blk[:, 0:1]
        by1 = blk[:, 1:2]
        bx2 = blk[:, 2:3]
        by2 = blk[:, 3:4]
        barea = (bx2 - bx1) * (by2 - by1)
        xx1 = jnp.maximum(bx1, x1)
        yy1 = jnp.maximum(by1, y1)
        xx2 = jnp.minimum(bx2, x2)
        yy2 = jnp.minimum(by2, y2)
        inter = jnp.maximum(xx2 - xx1, 0.0) * jnp.maximum(yy2 - yy1, 0.0)
        iou = inter / (barea + area - inter + 1e-9)
        keep_now = keep_ref[0, 0:1, :] > 0.5
        se = (iou > _NMS_THRESH) & (colidx < base) & keep_now
        s_col = jnp.any(se, axis=1, keepdims=True)
        x1b = bT_ref[0, 0:1, pl.ds(base, _B)]
        y1b = bT_ref[0, 1:2, pl.ds(base, _B)]
        x2b = bT_ref[0, 2:3, pl.ds(base, _B)]
        y2b = bT_ref[0, 3:4, pl.ds(base, _B)]
        areab = (x2b - x1b) * (y2b - y1b)
        xx1b = jnp.maximum(bx1, x1b)
        yy1b = jnp.maximum(by1, y1b)
        xx2b = jnp.minimum(bx2, x2b)
        yy2b = jnp.minimum(by2, y2b)
        interb = jnp.maximum(xx2b - xx1b, 0.0) * jnp.maximum(yy2b - yy1b, 0.0)
        ioub = interb / (barea + areab - interb + 1e-9)
        pblk = ioub > _NMS_THRESH
        sf = jnp.where(s_col, 1.0, 0.0)
        ok_col_f = 1.0 - sf
        ok_row_f = jax.lax.dot_general(ok_col_f, eye, (((0,), (0,)), ((), ())),
                                       preferred_element_type=jnp.float32)

        def cond(st):
            return st[2] > 0.0

        def fix(st):
            k_row_f, k_col_f, _ = st
            k_row = k_row_f > 0.5
            k_col = k_col_f > 0.5
            sup_col = jnp.any(pblk & lt & k_row, axis=1, keepdims=True)
            sup_row = jnp.any(pblk & ut & k_col, axis=0, keepdims=True)
            k_col_n = jnp.where(sup_col, 0.0, ok_col_f)
            k_row_n = jnp.where(sup_row, 0.0, ok_row_f)
            changed = jnp.sum(jnp.abs(k_row_n - k_row_f))
            return k_row_n, k_col_n, changed

        k_row_f, k_col_f, _ = jax.lax.while_loop(
            cond, fix, (ok_row_f, ok_col_f, jnp.float32(1.0)))
        keep_ref[0, 0:1, pl.ds(base, _B)] = k_row_f
        return i + 1, kept_cnt + jnp.sum(k_row_f)

    _, cnt = jax.lax.while_loop(
        lambda st: (st[0] < nb) & (st[1] < float(_POST_NMS_TOPK)),
        body, (jnp.int32(0), jnp.float32(0.0)))
    cnt_ref[0, 0, 0] = cnt


def _nms_keep(boxes_nms):
    n, M, _ = boxes_nms.shape
    bT = jnp.transpose(boxes_nms, (0, 2, 1))
    fn = functools.partial(_nms_kernel_fn, nb=M // _B)
    keep, cnt = pl.pallas_call(
        fn,
        out_shape=(jax.ShapeDtypeStruct((n, 1, M), jnp.float32),
                   jax.ShapeDtypeStruct((n, 1, 1), jnp.float32)),
        grid=(n,),
        in_specs=[
            pl.BlockSpec((1, M, 4), lambda i: (i, 0, 0)),
            pl.BlockSpec((1, 4, M), lambda i: (i, 0, 0)),
        ],
        out_specs=(pl.BlockSpec((1, 1, M), lambda i: (i, 0, 0)),
                   pl.BlockSpec((1, 1, 1), lambda i: (i, 0, 0),
                                memory_space=pltpu.SMEM)),
        compiler_params=pltpu.CompilerParams(
            dimension_semantics=("parallel",)),
        interpret=_INTERPRET,
    )(boxes_nms, bT)
    return keep[:, 0, :], cnt[:, 0, 0]


def _round_up(x, m):
    return (x + m - 1) // m * m


def _level_proposals(logits, deltas, anc, lvl, k):
    n = logits.shape[0]
    topv, topi = jax.lax.top_k(logits, k)
    dsel = jnp.take_along_axis(deltas, topi[:, :, None], axis=1)
    asel = anc[topi]
    boxes = jax.vmap(_decode)(asel, dsel)
    boxes = jnp.clip(boxes, 0.0, float(_IMG))
    kp = _round_up(k, _B)
    if kp != k:
        boxes = jnp.pad(boxes, ((0, 0), (0, kp - k), (0, 0)))
        topv = jnp.pad(topv, ((0, 0), (0, kp - k)), constant_values=-jnp.inf)
    offs = jnp.full((kp,), float(lvl), jnp.float32) * (_IMG + 1.0)
    keep, cnt = _nms_keep(boxes + offs[None, :, None])
    masked = jnp.where(keep > 0.5, topv, -jnp.inf)
    return boxes, masked, cnt


def kernel(features_p2, features_p3, features_p4, features_p5, features_p6,
           conv_w, conv_b, obj_w, obj_b, delta_w, delta_b):
    feats = [features_p2, features_p3, features_p4, features_p5, features_p6]
    anchors = _grid_anchors_np()
    all_boxes, all_scores = [], []
    for lvl, f in enumerate(feats):
        t = jax.nn.relu(_conv(f, conv_w, conv_b, 'SAME'))
        logits = _conv(t, obj_w, obj_b, 'VALID')
        deltas = _conv(t, delta_w, delta_b, 'VALID')
        n, _, H, W = logits.shape
        logits = jnp.transpose(logits, (0, 2, 3, 1)).reshape(n, -1)
        deltas = jnp.transpose(deltas.reshape(n, _A, 4, H, W),
                               (0, 3, 4, 1, 2)).reshape(n, -1, 4)
        anc = jnp.asarray(anchors[lvl])
        k = min(_PRE_NMS_TOPK, int(anc.shape[0]))
        k_fast = k
        if k <= k_fast:
            boxes, masked, _ = _level_proposals(logits, deltas, anc, lvl, k)
        else:
            boxes_f, masked_f, cnt_f = _level_proposals(
                logits, deltas, anc, lvl, k_fast)
            kp = _round_up(k, _B)
            pad = kp - k_fast

            def _fast(_):
                return (jnp.pad(boxes_f, ((0, 0), (0, pad), (0, 0))),
                        jnp.pad(masked_f, ((0, 0), (0, pad)),
                                constant_values=-jnp.inf))

            def _full(_):
                b, m, _c = _level_proposals(logits, deltas, anc, lvl, k)
                return b, m

            boxes, masked = jax.lax.cond(
                jnp.all(cnt_f >= float(_POST_NMS_TOPK)), _fast, _full, None)
        all_boxes.append(boxes)
        all_scores.append(masked)
    boxes = jnp.concatenate(all_boxes, axis=1)
    scores = jnp.concatenate(all_scores, axis=1)
    out_s, topi = jax.lax.top_k(scores, _POST_NMS_TOPK)
    out_b = jnp.take_along_axis(boxes, topi[:, :, None], axis=1)
    return out_b, out_s

# --- scband reference (transcript-rebuilt; emitter-appended) ---
"""Pipeline reference for scband-rpn-75926431858962 (READ-ONLY COPY).

The authoritative reference and input builder live on the scoring server;
editing this copy changes nothing except your own understanding.
"""

import jax, jax.numpy as jnp
import numpy as np
import math

N = 2
C = 256
A = 3
IMG = 512
STRIDES = [4, 8, 16, 32, 64]
SIZES = [32.0, 64.0, 128.0, 256.0, 512.0]
RATIOS = [0.5, 1.0, 2.0]
HWS = [(IMG // s, IMG // s) for s in STRIDES]
PRE_NMS_TOPK = 6000
POST_NMS_TOPK = 1000
NMS_THRESH = 0.7
SCALE_CLAMP = math.log(1000.0 / 16)


def _cell_anchors(size):
    out = []
    area = size * size
    for r in RATIOS:
        w = math.sqrt(area / r)
        h = w * r
        out.append([-w / 2.0, -h / 2.0, w / 2.0, h / 2.0])
    return np.asarray(out, dtype=np.float32)


def _grid_anchors():
    anchors = []
    for (H, W), stride, size in zip(HWS, STRIDES, SIZES):
        ca = _cell_anchors(size)
        sx = np.arange(W, dtype=np.float32) * stride
        sy = np.arange(H, dtype=np.float32) * stride
        yy, xx = np.meshgrid(sy, sx, indexing='ij')
        shifts = np.stack([xx.ravel(), yy.ravel(), xx.ravel(), yy.ravel()], axis=1)
        anchors.append((shifts[:, None, :] + ca[None, :, :]).reshape(-1, 4))
    return anchors


def setup_inputs(seed: int = 0):
    key = jax.random.key(seed)
    ks = jax.random.split(key, 16)
    inp = {}
    for i, (H, W) in enumerate(HWS):
        inp['features_p%d' % (i + 2)] = jax.random.normal(ks[i], (N, C, H, W), dtype=jnp.float32)
    inp['conv_w'] = 0.01 * jax.random.normal(ks[5], (C, C, 3, 3), dtype=jnp.float32)
    inp['conv_b'] = jnp.zeros((C,), dtype=jnp.float32)
    inp['obj_w'] = 0.01 * jax.random.normal(ks[6], (A, C, 1, 1), dtype=jnp.float32)
    inp['obj_b'] = jnp.zeros((A,), dtype=jnp.float32)
    inp['delta_w'] = 0.01 * jax.random.normal(ks[7], (A * 4, C, 1, 1), dtype=jnp.float32)
    inp['delta_b'] = jnp.zeros((A * 4,), dtype=jnp.float32)
    return inp


def _conv(x, w, b, pad):
    y = jax.lax.conv_general_dilated(x, w, (1, 1), pad, dimension_numbers=('NCHW', 'OIHW', 'NCHW'))
    return y + b[None, :, None, None]


def _decode(anchors, deltas):
    widths = anchors[:, 2] - anchors[:, 0]
    heights = anchors[:, 3] - anchors[:, 1]
    ctr_x = anchors[:, 0] + 0.5 * widths
    ctr_y = anchors[:, 1] + 0.5 * heights
    dx, dy, dw, dh = deltas[:, 0], deltas[:, 1], deltas[:, 2], deltas[:, 3]
    dw = jnp.minimum(dw, SCALE_CLAMP)
    dh = jnp.minimum(dh, SCALE_CLAMP)
    pcx = dx * widths + ctr_x
    pcy = dy * heights + ctr_y
    pw = jnp.exp(dw) * widths
    ph = jnp.exp(dh) * heights
    return jnp.stack([pcx - 0.5 * pw, pcy - 0.5 * ph, pcx + 0.5 * pw, pcy + 0.5 * ph], axis=1)


def _nms(boxes_nms, boxes, scores, thresh, max_out):
    order = jnp.argsort(-scores)
    bn = boxes_nms[order]
    bo = boxes[order]
    sc = scores[order]
    M = bn.shape[0]
    area = (bn[:, 2] - bn[:, 0]) * (bn[:, 3] - bn[:, 1])
    idxs = jnp.arange(M)

    def body(i, keep):
        bi = bn[i]
        xx1 = jnp.maximum(bi[0], bn[:, 0])
        yy1 = jnp.maximum(bi[1], bn[:, 1])
        xx2 = jnp.minimum(bi[2], bn[:, 2])
        yy2 = jnp.minimum(bi[3], bn[:, 3])
        inter = jnp.maximum(xx2 - xx1, 0.0) * jnp.maximum(yy2 - yy1, 0.0)
        ai = (bi[2] - bi[0]) * (bi[3] - bi[1])
        iou = inter / (ai + area - inter + 1e-9)
        suppress = (iou > thresh) & (idxs > i) & keep[i]
        return keep & (~suppress)

    keep = jax.lax.fori_loop(0, M, body, jnp.ones((M,), dtype=bool))
    masked = jnp.where(keep, sc, -jnp.inf)
    topv, topi = jax.lax.top_k(masked, max_out)
    return bo[topi], topv


def reference(features_p2, features_p3, features_p4, features_p5, features_p6,
              conv_w, conv_b, obj_w, obj_b, delta_w, delta_b):
    feats = [features_p2, features_p3, features_p4, features_p5, features_p6]
    anchors = _grid_anchors()
    lvl_boxes, lvl_scores, lvl_ids = [], [], []
    for lvl, f in enumerate(feats):
        t = jax.nn.relu(_conv(f, conv_w, conv_b, 'SAME'))
        logits = _conv(t, obj_w, obj_b, 'VALID')
        deltas = _conv(t, delta_w, delta_b, 'VALID')
        n, _, H, W = logits.shape
        logits = jnp.transpose(logits, (0, 2, 3, 1)).reshape(n, -1)
        deltas = jnp.transpose(deltas.reshape(n, A, 4, H, W), (0, 3, 4, 1, 2)).reshape(n, -1, 4)
        anc = jnp.asarray(anchors[lvl])
        boxes = jax.vmap(lambda d: _decode(anc, d))(deltas)
        k = min(PRE_NMS_TOPK, int(anc.shape[0]))
        topv, topi = jax.lax.top_k(logits, k)
        boxes = jnp.take_along_axis(boxes, topi[:, :, None], axis=1)
        lvl_boxes.append(boxes)
        lvl_scores.append(topv)
        lvl_ids.append(jnp.full((k,), float(lvl), dtype=jnp.float32))
    boxes = jnp.concatenate(lvl_boxes, axis=1)
    scores = jnp.concatenate(lvl_scores, axis=1)
    ids = jnp.concatenate(lvl_ids)
    boxes = jnp.clip(boxes, 0.0, float(IMG))
    boxes_nms = boxes + ids[None, :, None] * (IMG + 1.0)
    out_b, out_s = [], []
    for i in range(boxes.shape[0]):
        b, s = _nms(boxes_nms[i], boxes[i], scores[i], NMS_THRESH, POST_NMS_TOPK)
        out_b.append(b)
        out_s.append(s)
    return jnp.stack(out_b), jnp.stack(out_s)

if __name__ == "__main__":
    import jax
    _d = setup_inputs()
    print(jax.jit(kernel)(*tuple(_d.values())))

</pallas_src>

<mosaic_0001>
module attributes {stable_mosaic.version = 14 : i64} {
  func.func @_nms_kernel_fn(%arg0: i32, %arg1: memref<1x256x4xf32, #tpu.memory_space<vmem>>, %arg2: memref<1x4x256xf32, #tpu.memory_space<vmem>>, %arg3: memref<1x1x256xf32, #tpu.memory_space<vmem>>, %arg4: memref<1x1x1xf32, #tpu.memory_space<smem>>) attributes {dimension_semantics = [#tpu.dimension_semantics<parallel>], iteration_bounds = array<i64: 2>, scalar_prefetch = 0 : i64, scratch_operands = 0 : i64, tpu.core_type = #tpu.core_type<tc>, window_params = [{transform_indices = @transform_0, window_bounds = array<i64: 1, 256, 4>}, {transform_indices = @transform_1, window_bounds = array<i64: 1, 4, 256>}, {transform_indices = @transform_2, window_bounds = array<i64: 1, 1, 256>}, {transform_indices = @transform_3, window_bounds = array<i64: 1, 1, 1>}]} {
    %get3A = arith.constant 0 : index
    %get3A_0 = arith.constant 0 : index
    %get3A_1 = arith.constant 0 : index
    %get3A_2 = vector.load %arg2[%get3A, %get3A_0, %get3A_1] : memref<1x4x256xf32, #tpu.memory_space<vmem>>, vector<1x1x256xf32>
    %get3A_3 = vector.shape_cast %get3A_2 : vector<1x1x256xf32> to vector<1x256xf32>
    %get3A_4 = arith.constant 0 : index
    %get3A_5 = arith.constant 1 : index
    %get3A_6 = arith.constant 0 : index
    %get3A_7 = vector.load %arg2[%get3A_4, %get3A_5, %get3A_6] : memref<1x4x256xf32, #tpu.memory_space<vmem>>, vector<1x1x256xf32>
    %get3A_8 = vector.shape_cast %get3A_7 : vector<1x1x256xf32> to vector<1x256xf32>
    %get3A_9 = arith.constant 0 : index
    %get3A_10 = arith.constant 2 : index
    %get3A_11 = arith.constant 0 : index
    %get3A_12 = vector.load %arg2[%get3A_9, %get3A_10, %get3A_11] : memref<1x4x256xf32, #tpu.memory_space<vmem>>, vector<1x1x256xf32>
    %get3A_13 = vector.shape_cast %get3A_12 : vector<1x1x256xf32> to vector<1x256xf32>
    %get3A_14 = arith.constant 0 : index
    %get3A_15 = arith.constant 3 : index
    %get3A_16 = arith.constant 0 : index
    %get3A_17 = vector.load %arg2[%get3A_14, %get3A_15, %get3A_16] : memref<1x4x256xf32, #tpu.memory_space<vmem>>, vector<1x1x256xf32>
    %get3A_18 = vector.shape_cast %get3A_17 : vector<1x1x256xf32> to vector<1x256xf32>
    %sub3A = arith.subf %get3A_13, %get3A_3 : vector<1x256xf32>
    %sub3A_19 = arith.subf %get3A_18, %get3A_8 : vector<1x256xf32>
    %mul3A = arith.mulf %sub3A, %sub3A_19 : vector<1x256xf32>
    %iota3A = tpu.iota {dimensions = array<i32: 1>} : vector<1x256xi32>
    %iota3A_20 = tpu.iota {dimensions = array<i32: 0>} : vector<128x128xi32>
    %iota3A_21 = tpu.iota {dimensions = array<i32: 1>} : vector<128x128xi32>
    %lt3A = arith.cmpi slt, %iota3A_21, %iota3A_20 : vector<128x128xi32>
    %lt3A_22 = arith.cmpi slt, %iota3A_20, %iota3A_21 : vector<128x128xi32>
    %eq3A = arith.cmpi eq, %iota3A_20, %iota3A_21 : vector<128x128xi32>
    %convert_element_type3A = arith.extui %eq3A : vector<128x128xi1> to vector<128x128xi32>
    %convert_element_type3A_23 = arith.sitofp %convert_element_type3A : vector<128x128xi32> to vector<128x128xf32>
    %while3A = arith.constant 0 : i32
    %while3A_24 = arith.constant 0.000000e+00 : f32
    %while3A_25:2 = scf.while (%while3A_29 = %while3A, %while3A_30 = %while3A_24) : (i32, f32) -> (i32, f32) {
      %lt3A_31 = arith.constant 2 : i32
      %lt3A_32 = arith.cmpi slt, %while3A_29, %lt3A_31 : i32
      %lt3A_33 = arith.constant 1.000000e+03 : f32
      %lt3A_34 = arith.cmpf olt, %while3A_30, %lt3A_33 : f32
      %and3A = arith.andi %lt3A_32, %lt3A_34 : i1
      scf.condition(%and3A) %while3A_29, %while3A_30 : i32, f32
    } do {
    ^bb0(%while3A_29: i32, %while3A_30: f32):
      %mul3A_31 = arith.constant 128 : i32
      %mul3A_32 = arith.muli %while3A_29, %mul3A_31 : i32
      %get3A_33 = arith.constant 0 : index
      %get3A_34 = arith.index_cast %mul3A_32 : i32 to index
      %get3A_35 = arith.constant 0 : index
      %get3A_36 = vector.load %arg1[%get3A_33, %get3A_34, %get3A_35] : memref<1x256x4xf32, #tpu.memory_space<vmem>>, vector<1x128x4xf32>
      %get3A_37 = vector.shape_cast %get3A_36 : vector<1x128x4xf32> to vector<128x4xf32>
      %slice3A = vector.extract_strided_slice %get3A_37 {offsets = [0, 0], sizes = [128, 1], strides = [1, 1]} : vector<128x4xf32> to vector<128x1xf32>
      %slice3A_38 = vector.extract_strided_slice %get3A_37 {offsets = [0, 1], sizes = [128, 1], strides = [1, 1]} : vector<128x4xf32> to vector<128x1xf32>
      %slice3A_39 = vector.extract_strided_slice %get3A_37 {offsets = [0, 2], sizes = [128, 1], strides = [1, 1]} : vector<128x4xf32> to vector<128x1xf32>
      %slice3A_40 = vector.extract_strided_slice %get3A_37 {offsets = [0, 3], sizes = [128, 1], strides = [1, 1]} : vector<128x4xf32> to vector<128x1xf32>
      %sub3A_41 = arith.subf %slice3A_39, %slice3A : vector<128x1xf32>
      %sub3A_42 = arith.subf %slice3A_40, %slice3A_38 : vector<128x1xf32>
      %mul3A_43 = arith.mulf %sub3A_41, %sub3A_42 : vector<128x1xf32>
      %max3A = vector.broadcast %slice3A : vector<128x1xf32> to vector<128x256xf32>
      %max3A_44 = vector.broadcast %get3A_3 : vector<1x256xf32> to vector<128x256xf32>
      %max3A_45 = arith.maximumf %max3A, %max3A_44 : vector<128x256xf32>
      %max3A_46 = vector.broadcast %slice3A_38 : vector<128x1xf32> to vector<128x256xf32>
      %max3A_47 = vector.broadcast %get3A_8 : vector<1x256xf32> to vector<128x256xf32>
      %max3A_48 = arith.maximumf %max3A_46, %max3A_47 : vector<128x256xf32>
      %min3A = vector.broadcast %slice3A_39 : vector<128x1xf32> to vector<128x256xf32>
      %min3A_49 = vector.broadcast %get3A_13 : vector<1x256xf32> to vector<128x256xf32>
      %min3A_50 = arith.minimumf %min3A, %min3A_49 : vector<128x256xf32>
      %min3A_51 = vector.broadcast %slice3A_40 : vector<128x1xf32> to vector<128x256xf32>
      %min3A_52 = vector.broadcast %get3A_18 : vector<1x256xf32> to vector<128x256xf32>
      %min3A_53 = arith.minimumf %min3A_51, %min3A_52 : vector<128x256xf32>
      %sub3A_54 = arith.subf %min3A_50, %max3A_45 : vector<128x256xf32>
      %max3A_55 = arith.constant 0.000000e+00 : f32
      %max3A_56 = vector.broadcast %max3A_55 : f32 to vector<128x256xf32>
      %max3A_57 = arith.maximumf %sub3A_54, %max3A_56 : vector<128x256xf32>
      %sub3A_58 = arith.subf %min3A_53, %max3A_48 : vector<128x256xf32>
      %max3A_59 = arith.constant 0.000000e+00 : f32
      %max3A_60 = vector.broadcast %max3A_59 : f32 to vector<128x256xf32>
      %max3A_61 = arith.maximumf %sub3A_58, %max3A_60 : vector<128x256xf32>
      %mul3A_62 = arith.mulf %max3A_57, %max3A_61 : vector<128x256xf32>
      %add3A = vector.broadcast %mul3A_43 : vector<128x1xf32> to vector<128x256xf32>
      %add3A_63 = vector.broadcast %mul3A : vector<1x256xf32> to vector<128x256xf32>
      %add3A_64 = arith.addf %add3A, %add3A_63 : vector<128x256xf32>
      %sub3A_65 = arith.subf %add3A_64, %mul3A_62 : vector<128x256xf32>
      %add3A_66 = arith.constant 9.99999971E-10 : f32
      %add3A_67 = vector.broadcast %add3A_66 : f32 to vector<128x256xf32>
      %add3A_68 = arith.addf %sub3A_65, %add3A_67 : vector<128x256xf32>
      %div3A = arith.divf %mul3A_62, %add3A_68 : vector<128x256xf32>
      %get3A_69 = arith.constant 0 : index
      %get3A_70 = arith.constant 0 : index
      %get3A_71 = arith.constant 0 : index
      %get3A_72 = vector.load %arg3[%get3A_69, %get3A_70, %get3A_71] : memref<1x1x256xf32, #tpu.memory_space<vmem>>, vector<1x1x256xf32>
      %get3A_73 = vector.shape_cast %get3A_72 : vector<1x1x256xf32> to vector<1x256xf32>
      %gt3A = arith.constant 5.000000e-01 : f32
      %gt3A_74 = vector.broadcast %gt3A : f32 to vector<1x256xf32>
      %gt3A_75 = arith.cmpf ogt, %get3A_73, %gt3A_74 : vector<1x256xf32>
      %gt3A_76 = arith.constant 0.699999988 : f32
      %gt3A_77 = vector.broadcast %gt3A_76 : f32 to vector<128x256xf32>
      %gt3A_78 = arith.cmpf ogt, %div3A, %gt3A_77 : vector<128x256xf32>
      %lt3A_79 = vector.broadcast %mul3A_32 : i32 to vector<1x256xi32>
      %lt3A_80 = arith.cmpi slt, %iota3A, %lt3A_79 : vector<1x256xi32>
      %and3A = vector.broadcast %lt3A_80 : vector<1x256xi1> to vector<128x256xi1>
      %and3A_81 = arith.andi %gt3A_78, %and3A : vector<128x256xi1>
      %and3A_82 = vector.broadcast %gt3A_75 : vector<1x256xi1> to vector<128x256xi1>
      %and3A_83 = arith.andi %and3A_81, %and3A_82 : vector<128x256xi1>
      %reduce_or3A = arith.constant 1.000000e+00 : f32
      %reduce_or3A_84 = arith.constant 0.000000e+00 : f32
      %reduce_or3A_85 = vector.broadcast %reduce_or3A : f32 to vector<128x256xf32>
      %reduce_or3A_86 = vector.broadcast %reduce_or3A_84 : f32 to vector<128x256xf32>
      %reduce_or3A_87 = arith.select %and3A_83, %reduce_or3A_85, %reduce_or3A_86 : vector<128x256xi1>, vector<128x256xf32>
      %reduce_or3A_88 = arith.constant dense<0xFF800000> : vector<128xf32>
      %reduce_or3A_89 = vector.multi_reduction <maximumf>, %reduce_or3A_87, %reduce_or3A_88 [1] : vector<128x256xf32> to vector<128xf32>
      %reduce_or3A_90 = arith.constant 0.000000e+00 : f32
      %reduce_or3A_91 = vector.broadcast %reduce_or3A_90 : f32 to vector<128xf32>
      %reduce_or3A_92 = arith.cmpf ogt, %reduce_or3A_89, %reduce_or3A_91 : vector<128xf32>
      %broadcast_in_dim3A = vector.shape_cast %reduce_or3A_92 : vector<128xi1> to vector<128x1xi1>
      %get3A_93 = arith.constant 0 : index
      %get3A_94 = arith.constant 0 : index
      %get3A_95 = arith.index_cast %mul3A_32 : i32 to index
      %get3A_96 = vector.load %arg2[%get3A_93, %get3A_94, %get3A_95] : memref<1x4x256xf32, #tpu.memory_space<vmem>>, vector<1x1x128xf32>
      %get3A_97 = vector.shape_cast %get3A_96 : vector<1x1x128xf32> to vector<1x128xf32>
      %get3A_98 = arith.constant 0 : index
      %get3A_99 = arith.constant 1 : index
      %get3A_100 = arith.index_cast %mul3A_32 : i32 to index
      %get3A_101 = vector.load %arg2[%get3A_98, %get3A_99, %get3A_100] : memref<1x4x256xf32, #tpu.memory_space<vmem>>, vector<1x1x128xf32>
      %get3A_102 = vector.shape_cast %get3A_101 : vector<1x1x128xf32> to vector<1x128xf32>
      %get3A_103 = arith.constant 0 : index
      %get3A_104 = arith.constant 2 : index
      %get3A_105 = arith.index_cast %mul3A_32 : i32 to index
      %get3A_106 = vector.load %arg2[%get3A_103, %get3A_104, %get3A_105] : memref<1x4x256xf32, #tpu.memory_space<vmem>>, vector<1x1x128xf32>
      %get3A_107 = vector.shape_cast %get3A_106 : vector<1x1x128xf32> to vector<1x128xf32>
      %get3A_108 = arith.constant 0 : index
      %get3A_109 = arith.constant 3 : index
      %get3A_110 = arith.index_cast %mul3A_32 : i32 to index
      %get3A_111 = vector.load %arg2[%get3A_108, %get3A_109, %get3A_110] : memref<1x4x256xf32, #tpu.memory_space<vmem>>, vector<1x1x128xf32>
      %get3A_112 = vector.shape_cast %get3A_111 : vector<1x1x128xf32> to vector<1x128xf32>
      %sub3A_113 = arith.subf %get3A_107, %get3A_97 : vector<1x128xf32>
      %sub3A_114 = arith.subf %get3A_112, %get3A_102 : vector<1x128xf32>
      %mul3A_115 = arith.mulf %sub3A_113, %sub3A_114 : vector<1x128xf32>
      %max3A_116 = vector.broadcast %slice3A : vector<128x1xf32> to vector<128x128xf32>
      %max3A_117 = vector.broadcast %get3A_97 : vector<1x128xf32> to vector<128x128xf32>
      %max3A_118 = arith.maximumf %max3A_116, %max3A_117 : vector<128x128xf32>
      %max3A_119 = vector.broadcast %slice3A_38 : vector<128x1xf32> to vector<128x128xf32>
      %max3A_120 = vector.broadcast %get3A_102 : vector<1x128xf32> to vector<128x128xf32>
      %max3A_121 = arith.maximumf %max3A_119, %max3A_120 : vector<128x128xf32>
      %min3A_122 = vector.broadcast %slice3A_39 : vector<128x1xf32> to vector<128x128xf32>
      %min3A_123 = vector.broadcast %get3A_107 : vector<1x128xf32> to vector<128x128xf32>
      %min3A_124 = arith.minimumf %min3A_122, %min3A_123 : vector<128x128xf32>
      %min3A_125 = vector.broadcast %slice3A_40 : vector<128x1xf32> to vector<128x128xf32>
      %min3A_126 = vector.broadcast %get3A_112 : vector<1x128xf32> to vector<128x128xf32>
      %min3A_127 = arith.minimumf %min3A_125, %min3A_126 : vector<128x128xf32>
      %sub3A_128 = arith.subf %min3A_124, %max3A_118 : vector<128x128xf32>
      %max3A_129 = arith.constant 0.000000e+00 : f32
      %max3A_130 = vector.broadcast %max3A_129 : f32 to vector<128x128xf32>
      %max3A_131 = arith.maximumf %sub3A_128, %max3A_130 : vector<128x128xf32>
      %sub3A_132 = arith.subf %min3A_127, %max3A_121 : vector<128x128xf32>
      %max3A_133 = arith.constant 0.000000e+00 : f32
      %max3A_134 = vector.broadcast %max3A_133 : f32 to vector<128x128xf32>
      %max3A_135 = arith.maximumf %sub3A_132, %max3A_134 : vector<128x128xf32>
      %mul3A_136 = arith.mulf %max3A_131, %max3A_135 : vector<128x128xf32>
      %add3A_137 = vector.broadcast %mul3A_43 : vector<128x1xf32> to vector<128x128xf32>
      %add3A_138 = vector.broadcast %mul3A_115 : vector<1x128xf32> to vector<128x128xf32>
      %add3A_139 = arith.addf %add3A_137, %add3A_138 : vector<128x128xf32>
      %sub3A_140 = arith.subf %add3A_139, %mul3A_136 : vector<128x128xf32>
      %add3A_141 = arith.constant 9.99999971E-10 : f32
      %add3A_142 = vector.broadcast %add3A_141 : f32 to vector<128x128xf32>
      %add3A_143 = arith.addf %sub3A_140, %add3A_142 : vector<128x128xf32>
      %div3A_144 = arith.divf %mul3A_136, %add3A_143 : vector<128x128xf32>
      %gt3A_145 = arith.constant 0.699999988 : f32
      %gt3A_146 = vector.broadcast %gt3A_145 : f32 to vector<128x128xf32>
      %gt3A_147 = arith.cmpf ogt, %div3A_144, %gt3A_146 : vector<128x128xf32>
      %jit3A = arith.constant 1.000000e+00 : f32
      %jit3A_148 = arith.constant 0.000000e+00 : f32
      %broadcast_in_dim3A_149 = vector.broadcast %jit3A : f32 to vector<128x1xf32>
      %broadcast_in_dim3A_150 = vector.broadcast %jit3A_148 : f32 to vector<128x1xf32>
      %select_n3A = arith.select %broadcast_in_dim3A, %broadcast_in_dim3A_149, %broadcast_in_dim3A_150 : vector<128x1xi1>, vector<128x1xf32>
      %sub3A_151 = arith.constant 1.000000e+00 : f32
      %sub3A_152 = vector.broadcast %sub3A_151 : f32 to vector<128x1xf32>
      %sub3A_153 = arith.subf %sub3A_152, %select_n3A : vector<128x1xf32>
      %dot_general3A = arith.constant dense<0.000000e+00> : vector<1x128xf32>
      %dot_general3A_154 = tpu.matmul %sub3A_153, %convert_element_type3A_23, %dot_general3A {dimension_numbers = #tpu.dot_dimension_numbers<[0], [0], [1], [1], [0, 1, 1, 1], [], []>, transpose_lhs_hint = false} : vector<128x1xf32>, vector<128x128xf32>, vector<1x128xf32> -> vector<1x128xf32>
      %while3A_155 = arith.constant 1.000000e+00 : f32
      %while3A_156:3 = scf.while (%while3A_170 = %dot_general3A_154, %while3A_171 = %sub3A_153, %while3A_172 = %while3A_155) : (vector<1x128xf32>, vector<128x1xf32>, f32) -> (vector<1x128xf32>, vector<128x1xf32>, f32) {
        %gt3A_173 = arith.constant 0.000000e+00 : f32
        %gt3A_174 = arith.cmpf ogt, %while3A_172, %gt3A_173 : f32
        scf.condition(%gt3A_174) %while3A_170, %while3A_171, %while3A_172 : vector<1x128xf32>, vector<128x1xf32>, f32
      } do {
      ^bb0(%while3A_170: vector<1x128xf32>, %while3A_171: vector<128x1xf32>, %while3A_172: f32):
        %gt3A_173 = arith.constant 5.000000e-01 : f32
        %gt3A_174 = vector.broadcast %gt3A_173 : f32 to vector<1x128xf32>
        %gt3A_175 = arith.cmpf ogt, %while3A_170, %gt3A_174 : vector<1x128xf32>
        %gt3A_176 = arith.constant 5.000000e-01 : f32
        %gt3A_177 = vector.broadcast %gt3A_176 : f32 to vector<128x1xf32>
        %gt3A_178 = arith.cmpf ogt, %while3A_171, %gt3A_177 : vector<128x1xf32>
        %and3A_179 = arith.andi %gt3A_147, %lt3A : vector<128x128xi1>
        %and3A_180 = vector.broadcast %gt3A_175 : vector<1x128xi1> to vector<128x128xi1>
        %and3A_181 = arith.andi %and3A_179, %and3A_180 : vector<128x128xi1>
        %reduce_or3A_182 = arith.constant 1.000000e+00 : f32
        %reduce_or3A_183 = arith.constant 0.000000e+00 : f32
        %reduce_or3A_184 = vector.broadcast %reduce_or3A_182 : f32 to vector<128x128xf32>
        %reduce_or3A_185 = vector.broadcast %reduce_or3A_183 : f32 to vector<128x128xf32>
        %reduce_or3A_186 = arith.select %and3A_181, %reduce_or3A_184, %reduce_or3A_185 : vector<128x128xi1>, vector<128x128xf32>
        %reduce_or3A_187 = arith.constant dense<0xFF800000> : vector<128xf32>
        %reduce_or3A_188 = vector.multi_reduction <maximumf>, %reduce_or3A_186, %reduce_or3A_187 [1] : vector<128x128xf32> to vector<128xf32>
        %reduce_or3A_189 = arith.constant 0.000000e+00 : f32
        %reduce_or3A_190 = vector.broadcast %reduce_or3A_189 : f32 to vector<128xf32>
        %reduce_or3A_191 = arith.cmpf ogt, %reduce_or3A_188, %reduce_or3A_190 : vector<128xf32>
        %broadcast_in_dim3A_192 = vector.shape_cast %reduce_or3A_191 : vector<128xi1> to vector<128x1xi1>
        %and3A_193 = arith.andi %gt3A_147, %lt3A_22 : vector<128x128xi1>
        %and3A_194 = vector.broadcast %gt3A_178 : vector<128x1xi1> to vector<128x128xi1>
        %and3A_195 = arith.andi %and3A_193, %and3A_194 : vector<128x128xi1>
        %reduce_or3A_196 = arith.constant 1.000000e+00 : f32
        %reduce_or3A_197 = arith.constant 0.000000e+00 : f32
        %reduce_or3A_198 = vector.broadcast %reduce_or3A_196 : f32 to vector<128x128xf32>
        %reduce_or3A_199 = vector.broadcast %reduce_or3A_197 : f32 to vector<128x128xf32>
        %reduce_or3A_200 = arith.select %and3A_195, %reduce_or3A_198, %reduce_or3A_199 : vector<128x128xi1>, vector<128x128xf32>
        %reduce_or3A_201 = arith.constant dense<0xFF800000> : vector<128xf32>
        %reduce_or3A_202 = vector.multi_reduction <maximumf>, %reduce_or3A_200, %reduce_or3A_201 [0] : vector<128x128xf32> to vector<128xf32>
        %reduce_or3A_203 = arith.constant 0.000000e+00 : f32
        %reduce_or3A_204 = vector.broadcast %reduce_or3A_203 : f32 to vector<128xf32>
        %reduce_or3A_205 = arith.cmpf ogt, %reduce_or3A_202, %reduce_or3A_204 : vector<128xf32>
        %broadcast_in_dim3A_206 = vector.shape_cast %reduce_or3A_205 : vector<128xi1> to vector<1x128xi1>
        %jit3A_207 = arith.constant 0.000000e+00 : f32
        %broadcast_in_dim3A_208 = vector.broadcast %jit3A_207 : f32 to vector<128x1xf32>
        %select_n3A_209 = arith.select %broadcast_in_dim3A_192, %broadcast_in_dim3A_208, %sub3A_153 : vector<128x1xi1>, vector<128x1xf32>
        %jit3A_210 = arith.constant 0.000000e+00 : f32
        %broadcast_in_dim3A_211 = vector.broadcast %jit3A_210 : f32 to vector<1x128xf32>
        %select_n3A_212 = arith.select %broadcast_in_dim3A_206, %broadcast_in_dim3A_211, %dot_general3A_154 : vector<1x128xi1>, vector<1x128xf32>
        %sub3A_213 = arith.subf %select_n3A_212, %while3A_170 : vector<1x128xf32>
        %abs3A = math.absf %sub3A_213 : vector<1x128xf32>
        %reduce_sum3A_214 = vector.shape_cast %abs3A : vector<1x128xf32> to vector<1x1x128xf32>
        %reduce_sum3A_215 = arith.constant dense<0.000000e+00> : vector<1xf32>
        %reduce_sum3A_216 = vector.multi_reduction <add>, %reduce_sum3A_214, %reduce_sum3A_215 [1, 2] : vector<1x1x128xf32> to vector<1xf32>
        %reduce_sum3A_217 = vector.shape_cast %reduce_sum3A_216 : vector<1xf32> to vector<1x1x1xf32>
        %reduce_sum3A_218 = vector.extract %reduce_sum3A_217[0, 0, 0] : f32 from vector<1x1x1xf32>
        scf.yield %select_n3A_212, %select_n3A_209, %reduce_sum3A_218 : vector<1x128xf32>, vector<128x1xf32>, f32
      }
      %swap3A_157 = arith.constant 0 : index
      %swap3A_158 = arith.constant 0 : index
      %swap3A_159 = arith.index_cast %mul3A_32 : i32 to index
      %swap3A_160 = vector.load %arg3[%swap3A_157, %swap3A_158, %swap3A_159] : memref<1x1x256xf32, #tpu.memory_space<vmem>>, vector<1x1x128xf32>
      %swap3A_161 = vector.shape_cast %swap3A_160 : vector<1x1x128xf32> to vector<1x128xf32>
      %swap3A_162 = vector.shape_cast %while3A_156#0 : vector<1x128xf32> to vector<1x1x128xf32>
      tpu.vector_store %arg3[%swap3A_157, %swap3A_158, %swap3A_159], %swap3A_162 {strides = array<i32>} : memref<1x1x256xf32, #tpu.memory_space<vmem>>, vector<1x1x128xf32>,
      %add3A_163 = arith.constant 1 : i32
      %add3A_164 = arith.addi %while3A_29, %add3A_163 : i32
      %reduce_sum3A = vector.shape_cast %while3A_156#0 : vector<1x128xf32> to vector<1x1x128xf32>
      %reduce_sum3A_165 = arith.constant dense<0.000000e+00> : vector<1xf32>
      %reduce_sum3A_166 = vector.multi_reduction <add>, %reduce_sum3A, %reduce_sum3A_165 [1, 2] : vector<1x1x128xf32> to vector<1xf32>
      %reduce_sum3A_167 = vector.shape_cast %reduce_sum3A_166 : vector<1xf32> to vector<1x1x1xf32>
      %reduce_sum3A_168 = vector.extract %reduce_sum3A_167[0, 0, 0] : f32 from vector<1x1x1xf32>
      %add3A_169 = arith.addf %while3A_30, %reduce_sum3A_168 : f32
      scf.yield %add3A_164, %add3A_169 : i32, f32
    }
    %swap3A = arith.constant 0 : index
    %swap3A_26 = arith.constant 0 : index
    %swap3A_27 = arith.constant 0 : index
    %swap3A_28 = memref.load %arg4[%swap3A, %swap3A_26, %swap3A_27] : memref<1x1x1xf32, #tpu.memory_space<smem>>
    memref.store %while3A_25#1, %arg4[%swap3A, %swap3A_26, %swap3A_27] : memref<1x1x1xf32, #tpu.memory_space<smem>>
    return
  }
  func.func @transform_0(%arg0: i32) -> (i32, i32, i32) {
    %c0_i32 = arith.constant 0 : i32
    %c0_i32_0 = arith.constant 0 : i32
    %c0_i32_1 = arith.constant 0 : i32
    return %arg0, %c0_i32, %c0_i32_0 : i32, i32, i32
  }
  func.func @transform_1(%arg0: i32) -> (i32, i32, i32) {
    %c0_i32 = arith.constant 0 : i32
    %c0_i32_0 = arith.constant 0 : i32
    %c0_i32_1 = arith.constant 0 : i32
    return %arg0, %c0_i32, %c0_i32_0 : i32, i32, i32
  }
  func.func @transform_2(%arg0: i32) -> (i32, i32, i32) {
    %c0_i32 = arith.constant 0 : i32
    %c0_i32_0 = arith.constant 0 : i32
    %c0_i32_1 = arith.constant 0 : i32
    return %arg0, %c0_i32, %c0_i32_0 : i32, i32, i32
  }
  func.func @transform_3(%arg0: i32) -> (i32, i32, i32) {
    %c0_i32 = arith.constant 0 : i32
    %c0_i32_0 = arith.constant 0 : i32
    %c0_i32_1 = arith.constant 0 : i32
    return %arg0, %c0_i32, %c0_i32_0 : i32, i32, i32
  }
}

module attributes {stable_mosaic.version = 14 : i64} {
  func.func @_nms_kernel_fn(%arg0: i32, %arg1: memref<1x768x4xf32, #tpu.memory_space<vmem>>, %arg2: memref<1x4x768xf32, #tpu.memory_space<vmem>>, %arg3: memref<1x1x768xf32, #tpu.memory_space<vmem>>, %arg4: memref<1x1x1xf32, #tpu.memory_space<smem>>) attributes {dimension_semantics = [#tpu.dimension_semantics<parallel>], iteration_bounds = array<i64: 2>, scalar_prefetch = 0 : i64, scratch_operands = 0 : i64, tpu.core_type = #tpu.core_type<tc>, window_params = [{transform_indices = @transform_0, window_bounds = array<i64: 1, 768, 4>}, {transform_indices = @transform_1, window_bounds = array<i64: 1, 4, 768>}, {transform_indices = @transform_2, window_bounds = array<i64: 1, 1, 768>}, {transform_indices = @transform_3, window_bounds = array<i64: 1, 1, 1>}]} {
    %get3A = arith.constant 0 : index
    %get3A_0 = arith.constant 0 : index
    %get3A_1 = arith.constant 0 : index
    %get3A_2 = vector.load %arg2[%get3A, %get3A_0, %get3A_1] : memref<1x4x768xf32, #tpu.memory_space<vmem>>, vector<1x1x768xf32>
    %get3A_3 = vector.shape_cast %get3A_2 : vector<1x1x768xf32> to vector<1x768xf32>
    %get3A_4 = arith.constant 0 : index
    %get3A_5 = arith.constant 1 : index
    %get3A_6 = arith.constant 0 : index
    %get3A_7 = vector.load %arg2[%get3A_4, %get3A_5, %get3A_6] : memref<1x4x768xf32, #tpu.memory_space<vmem>>, vector<1x1x768xf32>
    %get3A_8 = vector.shape_cast %get3A_7 : vector<1x1x768xf32> to vector<1x768xf32>
    %get3A_9 = arith.constant 0 : index
    %get3A_10 = arith.constant 2 : index
    %get3A_11 = arith.constant 0 : index
    %get3A_12 = vector.load %arg2[%get3A_9, %get3A_10, %get3A_11] : memref<1x4x768xf32, #tpu.memory_space<vmem>>, vector<1x1x768xf32>
    %get3A_13 = vector.shape_cast %get3A_12 : vector<1x1x768xf32> to vector<1x768xf32>
    %get3A_14 = arith.constant 0 : index
    %get3A_15 = arith.constant 3 : index
    %get3A_16 = arith.constant 0 : index
    %get3A_17 = vector.load %arg2[%get3A_14, %get3A_15, %get3A_16] : memref<1x4x768xf32, #tpu.memory_space<vmem>>, vector<1x1x768xf32>
    %get3A_18 = vector.shape_cast %get3A_17 : vector<1x1x768xf32> to vector<1x768xf32>
    %sub3A = arith.subf %get3A_13, %get3A_3 : vector<1x768xf32>
    %sub3A_19 = arith.subf %get3A_18, %get3A_8 : vector<1x768xf32>
    %mul3A = arith.mulf %sub3A, %sub3A_19 : vector<1x768xf32>
    %iota3A = tpu.iota {dimensions = array<i32: 1>} : vector<1x768xi32>
    %iota3A_20 = tpu.iota {dimensions = array<i32: 0>} : vector<128x128xi32>
    %iota3A_21 = tpu.iota {dimensions = array<i32: 1>} : vector<128x128xi32>
    %lt3A = arith.cmpi slt, %iota3A_21, %iota3A_20 : vector<128x128xi32>
    %lt3A_22 = arith.cmpi slt, %iota3A_20, %iota3A_21 : vector<128x128xi32>
    %eq3A = arith.cmpi eq, %iota3A_20, %iota3A_21 : vector<128x128xi32>
    %convert_element_type3A = arith.extui %eq3A : vector<128x128xi1> to vector<128x128xi32>
    %convert_element_type3A_23 = arith.sitofp %convert_element_type3A : vector<128x128xi32> to vector<128x128xf32>
    %while3A = arith.constant 0 : i32
    %while3A_24 = arith.constant 0.000000e+00 : f32
    %while3A_25:2 = scf.while (%while3A_29 = %while3A, %while3A_30 = %while3A_24) : (i32, f32) -> (i32, f32) {
      %lt3A_31 = arith.constant 6 : i32
      %lt3A_32 = arith.cmpi slt, %while3A_29, %lt3A_31 : i32
      %lt3A_33 = arith.constant 1.000000e+03 : f32
      %lt3A_34 = arith.cmpf olt, %while3A_30, %lt3A_33 : f32
      %and3A = arith.andi %lt3A_32, %lt3A_34 : i1
      scf.condition(%and3A) %while3A_29, %while3A_30 : i32, f32
    } do {
    ^bb0(%while3A_29: i32, %while3A_30: f32):
      %mul3A_31 = arith.constant 128 : i32
      %mul3A_32 = arith.muli %while3A_29, %mul3A_31 : i32
      %get3A_33 = arith.constant 0 : index
      %get3A_34 = arith.index_cast %mul3A_32 : i32 to index
      %get3A_35 = arith.constant 0 : index
      %get3A_36 = vector.load %arg1[%get3A_33, %get3A_34, %get3A_35] : memref<1x768x4xf32, #tpu.memory_space<vmem>>, vector<1x128x4xf32>
      %get3A_37 = vector.shape_cast %get3A_36 : vector<1x128x4xf32> to vector<128x4xf32>
      %slice3A = vector.extract_strided_slice %get3A_37 {offsets = [0, 0], sizes = [128, 1], strides = [1, 1]} : vector<128x4xf32> to vector<128x1xf32>
      %slice3A_38 = vector.extract_strided_slice %get3A_37 {offsets = [0, 1], sizes = [128, 1], strides = [1, 1]} : vector<128x4xf32> to vector<128x1xf32>
      %slice3A_39 = vector.extract_strided_slice %get3A_37 {offsets = [0, 2], sizes = [128, 1], strides = [1, 1]} : vector<128x4xf32> to vector<128x1xf32>
      %slice3A_40 = vector.extract_strided_slice %get3A_37 {offsets = [0, 3], sizes = [128, 1], strides = [1, 1]} : vector<128x4xf32> to vector<128x1xf32>
      %sub3A_41 = arith.subf %slice3A_39, %slice3A : vector<128x1xf32>
      %sub3A_42 = arith.subf %slice3A_40, %slice3A_38 : vector<128x1xf32>
      %mul3A_43 = arith.mulf %sub3A_41, %sub3A_42 : vector<128x1xf32>
      %max3A = vector.broadcast %slice3A : vector<128x1xf32> to vector<128x768xf32>
      %max3A_44 = vector.broadcast %get3A_3 : vector<1x768xf32> to vector<128x768xf32>
      %max3A_45 = arith.maximumf %max3A, %max3A_44 : vector<128x768xf32>
      %max3A_46 = vector.broadcast %slice3A_38 : vector<128x1xf32> to vector<128x768xf32>
      %max3A_47 = vector.broadcast %get3A_8 : vector<1x768xf32> to vector<128x768xf32>
      %max3A_48 = arith.maximumf %max3A_46, %max3A_47 : vector<128x768xf32>
      %min3A = vector.broadcast %slice3A_39 : vector<128x1xf32> to vector<128x768xf32>
      %min3A_49 = vector.broadcast %get3A_13 : vector<1x768xf32> to vector<128x768xf32>
      %min3A_50 = arith.minimumf %min3A, %min3A_49 : vector<128x768xf32>
      %min3A_51 = vector.broadcast %slice3A_40 : vector<128x1xf32> to vector<128x768xf32>
      %min3A_52 = vector.broadcast %get3A_18 : vector<1x768xf32> to vector<128x768xf32>
      %min3A_53 = arith.minimumf %min3A_51, %min3A_52 : vector<128x768xf32>
      %sub3A_54 = arith.subf %min3A_50, %max3A_45 : vector<128x768xf32>
      %max3A_55 = arith.constant 0.000000e+00 : f32
      %max3A_56 = vector.broadcast %max3A_55 : f32 to vector<128x768xf32>
      %max3A_57 = arith.maximumf %sub3A_54, %max3A_56 : vector<128x768xf32>
      %sub3A_58 = arith.subf %min3A_53, %max3A_48 : vector<128x768xf32>
      %max3A_59 = arith.constant 0.000000e+00 : f32
      %max3A_60 = vector.broadcast %max3A_59 : f32 to vector<128x768xf32>
      %max3A_61 = arith.maximumf %sub3A_58, %max3A_60 : vector<128x768xf32>
      %mul3A_62 = arith.mulf %max3A_57, %max3A_61 : vector<128x768xf32>
      %add3A = vector.broadcast %mul3A_43 : vector<128x1xf32> to vector<128x768xf32>
      %add3A_63 = vector.broadcast %mul3A : vector<1x768xf32> to vector<128x768xf32>
      %add3A_64 = arith.addf %add3A, %add3A_63 : vector<128x768xf32>
      %sub3A_65 = arith.subf %add3A_64, %mul3A_62 : vector<128x768xf32>
      %add3A_66 = arith.constant 9.99999971E-10 : f32
      %add3A_67 = vector.broadcast %add3A_66 : f32 to vector<128x768xf32>
      %add3A_68 = arith.addf %sub3A_65, %add3A_67 : vector<128x768xf32>
      %div3A = arith.divf %mul3A_62, %add3A_68 : vector<128x768xf32>
      %get3A_69 = arith.constant 0 : index
      %get3A_70 = arith.constant 0 : index
      %get3A_71 = arith.constant 0 : index
      %get3A_72 = vector.load %arg3[%get3A_69, %get3A_70, %get3A_71] : memref<1x1x768xf32, #tpu.memory_space<vmem>>, vector<1x1x768xf32>
      %get3A_73 = vector.shape_cast %get3A_72 : vector<1x1x768xf32> to vector<1x768xf32>
      %gt3A = arith.constant 5.000000e-01 : f32
      %gt3A_74 = vector.broadcast %gt3A : f32 to vector<1x768xf32>
      %gt3A_75 = arith.cmpf ogt, %get3A_73, %gt3A_74 : vector<1x768xf32>
      %gt3A_76 = arith.constant 0.699999988 : f32
      %gt3A_77 = vector.broadcast %gt3A_76 : f32 to vector<128x768xf32>
      %gt3A_78 = arith.cmpf ogt, %div3A, %gt3A_77 : vector<128x768xf32>
      %lt3A_79 = vector.broadcast %mul3A_32 : i32 to vector<1x768xi32>
      %lt3A_80 = arith.cmpi slt, %iota3A, %lt3A_79 : vector<1x768xi32>
      %and3A = vector.broadcast %lt3A_80 : vector<1x768xi1> to vector<128x768xi1>
      %and3A_81 = arith.andi %gt3A_78, %and3A : vector<128x768xi1>
      %and3A_82 = vector.broadcast %gt3A_75 : vector<1x768xi1> to vector<128x768xi1>
      %and3A_83 = arith.andi %and3A_81, %and3A_82 : vector<128x768xi1>
      %reduce_or3A = arith.constant 1.000000e+00 : f32
      %reduce_or3A_84 = arith.constant 0.000000e+00 : f32
      %reduce_or3A_85 = vector.broadcast %reduce_or3A : f32 to vector<128x768xf32>
      %reduce_or3A_86 = vector.broadcast %reduce_or3A_84 : f32 to vector<128x768xf32>
      %reduce_or3A_87 = arith.select %and3A_83, %reduce_or3A_85, %reduce_or3A_86 : vector<128x768xi1>, vector<128x768xf32>
      %reduce_or3A_88 = arith.constant dense<0xFF800000> : vector<128xf32>
      %reduce_or3A_89 = vector.multi_reduction <maximumf>, %reduce_or3A_87, %reduce_or3A_88 [1] : vector<128x768xf32> to vector<128xf32>
      %reduce_or3A_90 = arith.constant 0.000000e+00 : f32
      %reduce_or3A_91 = vector.broadcast %reduce_or3A_90 : f32 to vector<128xf32>
      %reduce_or3A_92 = arith.cmpf ogt, %reduce_or3A_89, %reduce_or3A_91 : vector<128xf32>
      %broadcast_in_dim3A = vector.shape_cast %reduce_or3A_92 : vector<128xi1> to vector<128x1xi1>
      %get3A_93 = arith.constant 0 : index
      %get3A_94 = arith.constant 0 : index
      %get3A_95 = arith.index_cast %mul3A_32 : i32 to index
      %get3A_96 = vector.load %arg2[%get3A_93, %get3A_94, %get3A_95] : memref<1x4x768xf32, #tpu.memory_space<vmem>>, vector<1x1x128xf32>
      %get3A_97 = vector.shape_cast %get3A_96 : vector<1x1x128xf32> to vector<1x128xf32>
      %get3A_98 = arith.constant 0 : index
      %get3A_99 = arith.constant 1 : index
      %get3A_100 = arith.index_cast %mul3A_32 : i32 to index
      %get3A_101 = vector.load %arg2[%get3A_98, %get3A_99, %get3A_100] : memref<1x4x768xf32, #tpu.memory_space<vmem>>, vector<1x1x128xf32>
      %get3A_102 = vector.shape_cast %get3A_101 : vector<1x1x128xf32> to vector<1x128xf32>
      %get3A_103 = arith.constant 0 : index
      %get3A_104 = arith.constant 2 : index
      %get3A_105 = arith.index_cast %mul3A_32 : i32 to index
      %get3A_106 = vector.load %arg2[%get3A_103, %get3A_104, %get3A_105] : memref<1x4x768xf32, #tpu.memory_space<vmem>>, vector<1x1x128xf32>
      %get3A_107 = vector.shape_cast %get3A_106 : vector<1x1x128xf32> to vector<1x128xf32>
      %get3A_108 = arith.constant 0 : index
      %get3A_109 = arith.constant 3 : index
      %get3A_110 = arith.index_cast %mul3A_32 : i32 to index
      %get3A_111 = vector.load %arg2[%get3A_108, %get3A_109, %get3A_110] : memref<1x4x768xf32, #tpu.memory_space<vmem>>, vector<1x1x128xf32>
      %get3A_112 = vector.shape_cast %get3A_111 : vector<1x1x128xf32> to vector<1x128xf32>
      %sub3A_113 = arith.subf %get3A_107, %get3A_97 : vector<1x128xf32>
      %sub3A_114 = arith.subf %get3A_112, %get3A_102 : vector<1x128xf32>
      %mul3A_115 = arith.mulf %sub3A_113, %sub3A_114 : vector<1x128xf32>
      %max3A_116 = vector.broadcast %slice3A : vector<128x1xf32> to vector<128x128xf32>
      %max3A_117 = vector.broadcast %get3A_97 : vector<1x128xf32> to vector<128x128xf32>
      %max3A_118 = arith.maximumf %max3A_116, %max3A_117 : vector<128x128xf32>
      %max3A_119 = vector.broadcast %slice3A_38 : vector<128x1xf32> to vector<128x128xf32>
      %max3A_120 = vector.broadcast %get3A_102 : vector<1x128xf32> to vector<128x128xf32>
      %max3A_121 = arith.maximumf %max3A_119, %max3A_120 : vector<128x128xf32>
      %min3A_122 = vector.broadcast %slice3A_39 : vector<128x1xf32> to vector<128x128xf32>
      %min3A_123 = vector.broadcast %get3A_107 : vector<1x128xf32> to vector<128x128xf32>
      %min3A_124 = arith.minimumf %min3A_122, %min3A_123 : vector<128x128xf32>
      %min3A_125 = vector.broadcast %slice3A_40 : vector<128x1xf32> to vector<128x128xf32>
      %min3A_126 = vector.broadcast %get3A_112 : vector<1x128xf32> to vector<128x128xf32>
      %min3A_127 = arith.minimumf %min3A_125, %min3A_126 : vector<128x128xf32>
      %sub3A_128 = arith.subf %min3A_124, %max3A_118 : vector<128x128xf32>
      %max3A_129 = arith.constant 0.000000e+00 : f32
      %max3A_130 = vector.broadcast %max3A_129 : f32 to vector<128x128xf32>
      %max3A_131 = arith.maximumf %sub3A_128, %max3A_130 : vector<128x128xf32>
      %sub3A_132 = arith.subf %min3A_127, %max3A_121 : vector<128x128xf32>
      %max3A_133 = arith.constant 0.000000e+00 : f32
      %max3A_134 = vector.broadcast %max3A_133 : f32 to vector<128x128xf32>
      %max3A_135 = arith.maximumf %sub3A_132, %max3A_134 : vector<128x128xf32>
      %mul3A_136 = arith.mulf %max3A_131, %max3A_135 : vector<128x128xf32>
      %add3A_137 = vector.broadcast %mul3A_43 : vector<128x1xf32> to vector<128x128xf32>
      %add3A_138 = vector.broadcast %mul3A_115 : vector<1x128xf32> to vector<128x128xf32>
      %add3A_139 = arith.addf %add3A_137, %add3A_138 : vector<128x128xf32>
      %sub3A_140 = arith.subf %add3A_139, %mul3A_136 : vector<128x128xf32>
      %add3A_141 = arith.constant 9.99999971E-10 : f32
      %add3A_142 = vector.broadcast %add3A_141 : f32 to vector<128x128xf32>
      %add3A_143 = arith.addf %sub3A_140, %add3A_142 : vector<128x128xf32>
      %div3A_144 = arith.divf %mul3A_136, %add3A_143 : vector<128x128xf32>
      %gt3A_145 = arith.constant 0.699999988 : f32
      %gt3A_146 = vector.broadcast %gt3A_145 : f32 to vector<128x128xf32>
      %gt3A_147 = arith.cmpf ogt, %div3A_144, %gt3A_146 : vector<128x128xf32>
      %jit3A = arith.constant 1.000000e+00 : f32
      %jit3A_148 = arith.constant 0.000000e+00 : f32
      %broadcast_in_dim3A_149 = vector.broadcast %jit3A : f32 to vector<128x1xf32>
      %broadcast_in_dim3A_150 = vector.broadcast %jit3A_148 : f32 to vector<128x1xf32>
      %select_n3A = arith.select %broadcast_in_dim3A, %broadcast_in_dim3A_149, %broadcast_in_dim3A_150 : vector<128x1xi1>, vector<128x1xf32>
      %sub3A_151 = arith.constant 1.000000e+00 : f32
      %sub3A_152 = vector.broadcast %sub3A_151 : f32 to vector<128x1xf32>
      %sub3A_153 = arith.subf %sub3A_152, %select_n3A : vector<128x1xf32>
      %dot_general3A = arith.constant dense<0.000000e+00> : vector<1x128xf32>
      %dot_general3A_154 = tpu.matmul %sub3A_153, %convert_element_type3A_23, %dot_general3A {dimension_numbers = #tpu.dot_dimension_numbers<[0], [0], [1], [1], [0, 1, 1, 1], [], []>, transpose_lhs_hint = false} : vector<128x1xf32>, vector<128x128xf32>, vector<1x128xf32> -> vector<1x128xf32>
      %while3A_155 = arith.constant 1.000000e+00 : f32
      %while3A_156:3 = scf.while (%while3A_170 = %dot_general3A_154, %while3A_171 = %sub3A_153, %while3A_172 = %while3A_155) : (vector<1x128xf32>, vector<128x1xf32>, f32) -> (vector<1x128xf32>, vector<128x1xf32>, f32) {
        %gt3A_173 = arith.constant 0.000000e+00 : f32
        %gt3A_174 = arith.cmpf ogt, %while3A_172, %gt3A_173 : f32
        scf.condition(%gt3A_174) %while3A_170, %while3A_171, %while3A_172 : vector<1x128xf32>, vector<128x1xf32>, f32
      } do {
      ^bb0(%while3A_170: vector<1x128xf32>, %while3A_171: vector<128x1xf32>, %while3A_172: f32):
        %gt3A_173 = arith.constant 5.000000e-01 : f32
        %gt3A_174 = vector.broadcast %gt3A_173 : f32 to vector<1x128xf32>
        %gt3A_175 = arith.cmpf ogt, %while3A_170, %gt3A_174 : vector<1x128xf32>
        %gt3A_176 = arith.constant 5.000000e-01 : f32
        %gt3A_177 = vector.broadcast %gt3A_176 : f32 to vector<128x1xf32>
        %gt3A_178 = arith.cmpf ogt, %while3A_171, %gt3A_177 : vector<128x1xf32>
        %and3A_179 = arith.andi %gt3A_147, %lt3A : vector<128x128xi1>
        %and3A_180 = vector.broadcast %gt3A_175 : vector<1x128xi1> to vector<128x128xi1>
        %and3A_181 = arith.andi %and3A_179, %and3A_180 : vector<128x128xi1>
        %reduce_or3A_182 = arith.constant 1.000000e+00 : f32
        %reduce_or3A_183 = arith.constant 0.000000e+00 : f32
        %reduce_or3A_184 = vector.broadcast %reduce_or3A_182 : f32 to vector<128x128xf32>
        %reduce_or3A_185 = vector.broadcast %reduce_or3A_183 : f32 to vector<128x128xf32>
        %reduce_or3A_186 = arith.select %and3A_181, %reduce_or3A_184, %reduce_or3A_185 : vector<128x128xi1>, vector<128x128xf32>
        %reduce_or3A_187 = arith.constant dense<0xFF800000> : vector<128xf32>
        %reduce_or3A_188 = vector.multi_reduction <maximumf>, %reduce_or3A_186, %reduce_or3A_187 [1] : vector<128x128xf32> to vector<128xf32>
        %reduce_or3A_189 = arith.constant 0.000000e+00 : f32
        %reduce_or3A_190 = vector.broadcast %reduce_or3A_189 : f32 to vector<128xf32>
        %reduce_or3A_191 = arith.cmpf ogt, %reduce_or3A_188, %reduce_or3A_190 : vector<128xf32>
        %broadcast_in_dim3A_192 = vector.shape_cast %reduce_or3A_191 : vector<128xi1> to vector<128x1xi1>
        %and3A_193 = arith.andi %gt3A_147, %lt3A_22 : vector<128x128xi1>
        %and3A_194 = vector.broadcast %gt3A_178 : vector<128x1xi1> to vector<128x128xi1>
        %and3A_195 = arith.andi %and3A_193, %and3A_194 : vector<128x128xi1>
        %reduce_or3A_196 = arith.constant 1.000000e+00 : f32
        %reduce_or3A_197 = arith.constant 0.000000e+00 : f32
        %reduce_or3A_198 = vector.broadcast %reduce_or3A_196 : f32 to vector<128x128xf32>
        %reduce_or3A_199 = vector.broadcast %reduce_or3A_197 : f32 to vector<128x128xf32>
        %reduce_or3A_200 = arith.select %and3A_195, %reduce_or3A_198, %reduce_or3A_199 : vector<128x128xi1>, vector<128x128xf32>
        %reduce_or3A_201 = arith.constant dense<0xFF800000> : vector<128xf32>
        %reduce_or3A_202 = vector.multi_reduction <maximumf>, %reduce_or3A_200, %reduce_or3A_201 [0] : vector<128x128xf32> to vector<128xf32>
        %reduce_or3A_203 = arith.constant 0.000000e+00 : f32
        %reduce_or3A_204 = vector.broadcast %reduce_or3A_203 : f32 to vector<128xf32>
        %reduce_or3A_205 = arith.cmpf ogt, %reduce_or3A_202, %reduce_or3A_204 : vector<128xf32>
        %broadcast_in_dim3A_206 = vector.shape_cast %reduce_or3A_205 : vector<128xi1> to vector<1x128xi1>
        %jit3A_207 = arith.constant 0.000000e+00 : f32
        %broadcast_in_dim3A_208 = vector.broadcast %jit3A_207 : f32 to vector<128x1xf32>
        %select_n3A_209 = arith.select %broadcast_in_dim3A_192, %broadcast_in_dim3A_208, %sub3A_153 : vector<128x1xi1>, vector<128x1xf32>
        %jit3A_210 = arith.constant 0.000000e+00 : f32
        %broadcast_in_dim3A_211 = vector.broadcast %jit3A_210 : f32 to vector<1x128xf32>
        %select_n3A_212 = arith.select %broadcast_in_dim3A_206, %broadcast_in_dim3A_211, %dot_general3A_154 : vector<1x128xi1>, vector<1x128xf32>
        %sub3A_213 = arith.subf %select_n3A_212, %while3A_170 : vector<1x128xf32>
        %abs3A = math.absf %sub3A_213 : vector<1x128xf32>
        %reduce_sum3A_214 = vector.shape_cast %abs3A : vector<1x128xf32> to vector<1x1x128xf32>
        %reduce_sum3A_215 = arith.constant dense<0.000000e+00> : vector<1xf32>
        %reduce_sum3A_216 = vector.multi_reduction <add>, %reduce_sum3A_214, %reduce_sum3A_215 [1, 2] : vector<1x1x128xf32> to vector<1xf32>
        %reduce_sum3A_217 = vector.shape_cast %reduce_sum3A_216 : vector<1xf32> to vector<1x1x1xf32>
        %reduce_sum3A_218 = vector.extract %reduce_sum3A_217[0, 0, 0] : f32 from vector<1x1x1xf32>
        scf.yield %select_n3A_212, %select_n3A_209, %reduce_sum3A_218 : vector<1x128xf32>, vector<128x1xf32>, f32
      }
      %swap3A_157 = arith.constant 0 : index
      %swap3A_158 = arith.constant 0 : index
      %swap3A_159 = arith.index_cast %mul3A_32 : i32 to index
      %swap3A_160 = vector.load %arg3[%swap3A_157, %swap3A_158, %swap3A_159] : memref<1x1x768xf32, #tpu.memory_space<vmem>>, vector<1x1x128xf32>
      %swap3A_161 = vector.shape_cast %swap3A_160 : vector<1x1x128xf32> to vector<1x128xf32>
      %swap3A_162 = vector.shape_cast %while3A_156#0 : vector<1x128xf32> to vector<1x1x128xf32>
      tpu.vector_store %arg3[%swap3A_157, %swap3A_158, %swap3A_159], %swap3A_162 {strides = array<i32>} : memref<1x1x768xf32, #tpu.memory_space<vmem>>, vector<1x1x128xf32>,
      %add3A_163 = arith.constant 1 : i32
      %add3A_164 = arith.addi %while3A_29, %add3A_163 : i32
      %reduce_sum3A = vector.shape_cast %while3A_156#0 : vector<1x128xf32> to vector<1x1x128xf32>
      %reduce_sum3A_165 = arith.constant dense<0.000000e+00> : vector<1xf32>
      %reduce_sum3A_166 = vector.multi_reduction <add>, %reduce_sum3A, %reduce_sum3A_165 [1, 2] : vector<1x1x128xf32> to vector<1xf32>
      %reduce_sum3A_167 = vector.shape_cast %reduce_sum3A_166 : vector<1xf32> to vector<1x1x1xf32>
      %reduce_sum3A_168 = vector.extract %reduce_sum3A_167[0, 0, 0] : f32 from vector<1x1x1xf32>
      %add3A_169 = arith.addf %while3A_30, %reduce_sum3A_168 : f32
      scf.yield %add3A_164, %add3A_169 : i32, f32
    }
    %swap3A = arith.constant 0 : index
    %swap3A_26 = arith.constant 0 : index
    %swap3A_27 = arith.constant 0 : index
    %swap3A_28 = memref.load %arg4[%swap3A, %swap3A_26, %swap3A_27] : memref<1x1x1xf32, #tpu.memory_space<smem>>
    memref.store %while3A_25#1, %arg4[%swap3A, %swap3A_26, %swap3A_27] : memref<1x1x1xf32, #tpu.memory_space<smem>>
    return
  }
  func.func @transform_0(%arg0: i32) -> (i32, i32, i32) {
    %c0_i32 = arith.constant 0 : i32
    %c0_i32_0 = arith.constant 0 : i32
    %c0_i32_1 = arith.constant 0 : i32
    return %arg0, %c0_i32, %c0_i32_0 : i32, i32, i32
  }
  func.func @transform_1(%arg0: i32) -> (i32, i32, i32) {
    %c0_i32 = arith.constant 0 : i32
    %c0_i32_0 = arith.constant 0 : i32
    %c0_i32_1 = arith.constant 0 : i32
    return %arg0, %c0_i32, %c0_i32_0 : i32, i32, i32
  }
  func.func @transform_2(%arg0: i32) -> (i32, i32, i32) {
    %c0_i32 = arith.constant 0 : i32
    %c0_i32_0 = arith.constant 0 : i32
    %c0_i32_1 = arith.constant 0 : i32
    return %arg0, %c0_i32, %c0_i32_0 : i32, i32, i32
  }
  func.func @transform_3(%arg0: i32) -> (i32, i32, i32) {
    %c0_i32 = arith.constant 0 : i32
    %c0_i32_0 = arith.constant 0 : i32
    %c0_i32_1 = arith.constant 0 : i32
    return %arg0, %c0_i32, %c0_i32_0 : i32, i32, i32
  }
}

module attributes {stable_mosaic.version = 14 : i64} {
  func.func @_nms_kernel_fn(%arg0: i32, %arg1: memref<1x3072x4xf32, #tpu.memory_space<vmem>>, %arg2: memref<1x4x3072xf32, #tpu.memory_space<vmem>>, %arg3: memref<1x1x3072xf32, #tpu.memory_space<vmem>>, %arg4: memref<1x1x1xf32, #tpu.memory_space<smem>>) attributes {dimension_semantics = [#tpu.dimension_semantics<parallel>], iteration_bounds = array<i64: 2>, scalar_prefetch = 0 : i64, scratch_operands = 0 : i64, tpu.core_type = #tpu.core_type<tc>, window_params = [{transform_indices = @transform_0, window_bounds = array<i64: 1, 3072, 4>}, {transform_indices = @transform_1, window_bounds = array<i64: 1, 4, 3072>}, {transform_indices = @transform_2, window_bounds = array<i64: 1, 1, 3072>}, {transform_indices = @transform_3, window_bounds = array<i64: 1, 1, 1>}]} {
    %get3A = arith.constant 0 : index
    %get3A_0 = arith.constant 0 : index
    %get3A_1 = arith.constant 0 : index
    %get3A_2 = vector.load %arg2[%get3A, %get3A_0, %get3A_1] : memref<1x4x3072xf32, #tpu.memory_space<vmem>>, vector<1x1x3072xf32>
    %get3A_3 = vector.shape_cast %get3A_2 : vector<1x1x3072xf32> to vector<1x3072xf32>
    %get3A_4 = arith.constant 0 : index
    %get3A_5 = arith.constant 1 : index
    %get3A_6 = arith.constant 0 : index
    %get3A_7 = vector.load %arg2[%get3A_4, %get3A_5, %get3A_6] : memref<1x4x3072xf32, #tpu.memory_space<vmem>>, vector<1x1x3072xf32>
    %get3A_8 = vector.shape_cast %get3A_7 : vector<1x1x3072xf32> to vector<1x3072xf32>
    %get3A_9 = arith.constant 0 : index
    %get3A_10 = arith.constant 2 : index
    %get3A_11 = arith.constant 0 : index
    %get3A_12 = vector.load %arg2[%get3A_9, %get3A_10, %get3A_11] : memref<1x4x3072xf32, #tpu.memory_space<vmem>>, vector<1x1x3072xf32>
    %get3A_13 = vector.shape_cast %get3A_12 : vector<1x1x3072xf32> to vector<1x3072xf32>
    %get3A_14 = arith.constant 0 : index
    %get3A_15 = arith.constant 3 : index
    %get3A_16 = arith.constant 0 : index
    %get3A_17 = vector.load %arg2[%get3A_14, %get3A_15, %get3A_16] : memref<1x4x3072xf32, #tpu.memory_space<vmem>>, vector<1x1x3072xf32>
    %get3A_18 = vector.shape_cast %get3A_17 : vector<1x1x3072xf32> to vector<1x3072xf32>
    %sub3A = arith.subf %get3A_13, %get3A_3 : vector<1x3072xf32>
    %sub3A_19 = arith.subf %get3A_18, %get3A_8 : vector<1x3072xf32>
    %mul3A = arith.mulf %sub3A, %sub3A_19 : vector<1x3072xf32>
    %iota3A = tpu.iota {dimensions = array<i32: 1>} : vector<1x3072xi32>
    %iota3A_20 = tpu.iota {dimensions = array<i32: 0>} : vector<128x128xi32>
    %iota3A_21 = tpu.iota {dimensions = array<i32: 1>} : vector<128x128xi32>
    %lt3A = arith.cmpi slt, %iota3A_21, %iota3A_20 : vector<128x128xi32>
    %lt3A_22 = arith.cmpi slt, %iota3A_20, %iota3A_21 : vector<128x128xi32>
    %eq3A = arith.cmpi eq, %iota3A_20, %iota3A_21 : vector<128x128xi32>
    %convert_element_type3A = arith.extui %eq3A : vector<128x128xi1> to vector<128x128xi32>
    %convert_element_type3A_23 = arith.sitofp %convert_element_type3A : vector<128x128xi32> to vector<128x128xf32>
    %while3A = arith.constant 0 : i32
    %while3A_24 = arith.constant 0.000000e+00 : f32
    %while3A_25:2 = scf.while (%while3A_29 = %while3A, %while3A_30 = %while3A_24) : (i32, f32) -> (i32, f32) {
      %lt3A_31 = arith.constant 24 : i32
      %lt3A_32 = arith.cmpi slt, %while3A_29, %lt3A_31 : i32
      %lt3A_33 = arith.constant 1.000000e+03 : f32
      %lt3A_34 = arith.cmpf olt, %while3A_30, %lt3A_33 : f32
      %and3A = arith.andi %lt3A_32, %lt3A_34 : i1
      scf.condition(%and3A) %while3A_29, %while3A_30 : i32, f32
    } do {
    ^bb0(%while3A_29: i32, %while3A_30: f32):
      %mul3A_31 = arith.constant 128 : i32
      %mul3A_32 = arith.muli %while3A_29, %mul3A_31 : i32
      %get3A_33 = arith.constant 0 : index
      %get3A_34 = arith.index_cast %mul3A_32 : i32 to index
      %get3A_35 = arith.constant 0 : index
      %get3A_36 = vector.load %arg1[%get3A_33, %get3A_34, %get3A_35] : memref<1x3072x4xf32, #tpu.memory_space<vmem>>, vector<1x128x4xf32>
      %get3A_37 = vector.shape_cast %get3A_36 : vector<1x128x4xf32> to vector<128x4xf32>
      %slice3A = vector.extract_strided_slice %get3A_37 {offsets = [0, 0], sizes = [128, 1], strides = [1, 1]} : vector<128x4xf32> to vector<128x1xf32>
      %slice3A_38 = vector.extract_strided_slice %get3A_37 {offsets = [0, 1], sizes = [128, 1], strides = [1, 1]} : vector<128x4xf32> to vector<128x1xf32>
      %slice3A_39 = vector.extract_strided_slice %get3A_37 {offsets = [0, 2], sizes = [128, 1], strides = [1, 1]} : vector<128x4xf32> to vector<128x1xf32>
      %slice3A_40 = vector.extract_strided_slice %get3A_37 {offsets = [0, 3], sizes = [128, 1], strides = [1, 1]} : vector<128x4xf32> to vector<128x1xf32>
      %sub3A_41 = arith.subf %slice3A_39, %slice3A : vector<128x1xf32>
      %sub3A_42 = arith.subf %slice3A_40, %slice3A_38 : vector<128x1xf32>
      %mul3A_43 = arith.mulf %sub3A_41, %sub3A_42 : vector<128x1xf32>
      %max3A = vector.broadcast %slice3A : vector<128x1xf32> to vector<128x3072xf32>
      %max3A_44 = vector.broadcast %get3A_3 : vector<1x3072xf32> to vector<128x3072xf32>
      %max3A_45 = arith.maximumf %max3A, %max3A_44 : vector<128x3072xf32>
      %max3A_46 = vector.broadcast %slice3A_38 : vector<128x1xf32> to vector<128x3072xf32>
      %max3A_47 = vector.broadcast %get3A_8 : vector<1x3072xf32> to vector<128x3072xf32>
      %max3A_48 = arith.maximumf %max3A_46, %max3A_47 : vector<128x3072xf32>
      %min3A = vector.broadcast %slice3A_39 : vector<128x1xf32> to vector<128x3072xf32>
      %min3A_49 = vector.broadcast %get3A_13 : vector<1x3072xf32> to vector<128x3072xf32>
      %min3A_50 = arith.minimumf %min3A, %min3A_49 : vector<128x3072xf32>
      %min3A_51 = vector.broadcast %slice3A_40 : vector<128x1xf32> to vector<128x3072xf32>
      %min3A_52 = vector.broadcast %get3A_18 : vector<1x3072xf32> to vector<128x3072xf32>
      %min3A_53 = arith.minimumf %min3A_51, %min3A_52 : vector<128x3072xf32>
      %sub3A_54 = arith.subf %min3A_50, %max3A_45 : vector<128x3072xf32>
      %max3A_55 = arith.constant 0.000000e+00 : f32
      %max3A_56 = vector.broadcast %max3A_55 : f32 to vector<128x3072xf32>
      %max3A_57 = arith.maximumf %sub3A_54, %max3A_56 : vector<128x3072xf32>
      %sub3A_58 = arith.subf %min3A_53, %max3A_48 : vector<128x3072xf32>
      %max3A_59 = arith.constant 0.000000e+00 : f32
      %max3A_60 = vector.broadcast %max3A_59 : f32 to vector<128x3072xf32>
      %max3A_61 = arith.maximumf %sub3A_58, %max3A_60 : vector<128x3072xf32>
      %mul3A_62 = arith.mulf %max3A_57, %max3A_61 : vector<128x3072xf32>
      %add3A = vector.broadcast %mul3A_43 : vector<128x1xf32> to vector<128x3072xf32>
      %add3A_63 = vector.broadcast %mul3A : vector<1x3072xf32> to vector<128x3072xf32>
      %add3A_64 = arith.addf %add3A, %add3A_63 : vector<128x3072xf32>
      %sub3A_65 = arith.subf %add3A_64, %mul3A_62 : vector<128x3072xf32>
      %add3A_66 = arith.constant 9.99999971E-10 : f32
      %add3A_67 = vector.broadcast %add3A_66 : f32 to vector<128x3072xf32>
      %add3A_68 = arith.addf %sub3A_65, %add3A_67 : vector<128x3072xf32>
      %div3A = arith.divf %mul3A_62, %add3A_68 : vector<128x3072xf32>
      %get3A_69 = arith.constant 0 : index
      %get3A_70 = arith.constant 0 : index
      %get3A_71 = arith.constant 0 : index
      %get3A_72 = vector.load %arg3[%get3A_69, %get3A_70, %get3A_71] : memref<1x1x3072xf32, #tpu.memory_space<vmem>>, vector<1x1x3072xf32>
      %get3A_73 = vector.shape_cast %get3A_72 : vector<1x1x3072xf32> to vector<1x3072xf32>
      %gt3A = arith.constant 5.000000e-01 : f32
      %gt3A_74 = vector.broadcast %gt3A : f32 to vector<1x3072xf32>
      %gt3A_75 = arith.cmpf ogt, %get3A_73, %gt3A_74 : vector<1x3072xf32>
      %gt3A_76 = arith.constant 0.699999988 : f32
      %gt3A_77 = vector.broadcast %gt3A_76 : f32 to vector<128x3072xf32>
      %gt3A_78 = arith.cmpf ogt, %div3A, %gt3A_77 : vector<128x3072xf32>
      %lt3A_79 = vector.broadcast %mul3A_32 : i32 to vector<1x3072xi32>
      %lt3A_80 = arith.cmpi slt, %iota3A, %lt3A_79 : vector<1x3072xi32>
      %and3A = vector.broadcast %lt3A_80 : vector<1x3072xi1> to vector<128x3072xi1>
      %and3A_81 = arith.andi %gt3A_78, %and3A : vector<128x3072xi1>
      %and3A_82 = vector.broadcast %gt3A_75 : vector<1x3072xi1> to vector<128x3072xi1>
      %and3A_83 = arith.andi %and3A_81, %and3A_82 : vector<128x3072xi1>
      %reduce_or3A = arith.constant 1.000000e+00 : f32
      %reduce_or3A_84 = arith.constant 0.000000e+00 : f32
      %reduce_or3A_85 = vector.broadcast %reduce_or3A : f32 to vector<128x3072xf32>
      %reduce_or3A_86 = vector.broadcast %reduce_or3A_84 : f32 to vector<128x3072xf32>
      %reduce_or3A_87 = arith.select %and3A_83, %reduce_or3A_85, %reduce_or3A_86 : vector<128x3072xi1>, vector<128x3072xf32>
      %reduce_or3A_88 = arith.constant dense<0xFF800000> : vector<128xf32>
      %reduce_or3A_89 = vector.multi_reduction <maximumf>, %reduce_or3A_87, %reduce_or3A_88 [1] : vector<128x3072xf32> to vector<128xf32>
      %reduce_or3A_90 = arith.constant 0.000000e+00 : f32
      %reduce_or3A_91 = vector.broadcast %reduce_or3A_90 : f32 to vector<128xf32>
      %reduce_or3A_92 = arith.cmpf ogt, %reduce_or3A_89, %reduce_or3A_91 : vector<128xf32>
      %broadcast_in_dim3A = vector.shape_cast %reduce_or3A_92 : vector<128xi1> to vector<128x1xi1>
      %get3A_93 = arith.constant 0 : index
      %get3A_94 = arith.constant 0 : index
      %get3A_95 = arith.index_cast %mul3A_32 : i32 to index
      %get3A_96 = vector.load %arg2[%get3A_93, %get3A_94, %get3A_95] : memref<1x4x3072xf32, #tpu.memory_space<vmem>>, vector<1x1x128xf32>
      %get3A_97 = vector.shape_cast %get3A_96 : vector<1x1x128xf32> to vector<1x128xf32>
      %get3A_98 = arith.constant 0 : index
      %get3A_99 = arith.constant 1 : index
      %get3A_100 = arith.index_cast %mul3A_32 : i32 to index
      %get3A_101 = vector.load %arg2[%get3A_98, %get3A_99, %get3A_100] : memref<1x4x3072xf32, #tpu.memory_space<vmem>>, vector<1x1x128xf32>
      %get3A_102 = vector.shape_cast %get3A_101 : vector<1x1x128xf32> to vector<1x128xf32>
      %get3A_103 = arith.constant 0 : index
      %get3A_104 = arith.constant 2 : index
      %get3A_105 = arith.index_cast %mul3A_32 : i32 to index
      %get3A_106 = vector.load %arg2[%get3A_103, %get3A_104, %get3A_105] : memref<1x4x3072xf32, #tpu.memory_space<vmem>>, vector<1x1x128xf32>
      %get3A_107 = vector.shape_cast %get3A_106 : vector<1x1x128xf32> to vector<1x128xf32>
      %get3A_108 = arith.constant 0 : index
      %get3A_109 = arith.constant 3 : index
      %get3A_110 = arith.index_cast %mul3A_32 : i32 to index
      %get3A_111 = vector.load %arg2[%get3A_108, %get3A_109, %get3A_110] : memref<1x4x3072xf32, #tpu.memory_space<vmem>>, vector<1x1x128xf32>
      %get3A_112 = vector.shape_cast %get3A_111 : vector<1x1x128xf32> to vector<1x128xf32>
      %sub3A_113 = arith.subf %get3A_107, %get3A_97 : vector<1x128xf32>
      %sub3A_114 = arith.subf %get3A_112, %get3A_102 : vector<1x128xf32>
      %mul3A_115 = arith.mulf %sub3A_113, %sub3A_114 : vector<1x128xf32>
      %max3A_116 = vector.broadcast %slice3A : vector<128x1xf32> to vector<128x128xf32>
      %max3A_117 = vector.broadcast %get3A_97 : vector<1x128xf32> to vector<128x128xf32>
      %max3A_118 = arith.maximumf %max3A_116, %max3A_117 : vector<128x128xf32>
      %max3A_119 = vector.broadcast %slice3A_38 : vector<128x1xf32> to vector<128x128xf32>
      %max3A_120 = vector.broadcast %get3A_102 : vector<1x128xf32> to vector<128x128xf32>
      %max3A_121 = arith.maximumf %max3A_119, %max3A_120 : vector<128x128xf32>
      %min3A_122 = vector.broadcast %slice3A_39 : vector<128x1xf32> to vector<128x128xf32>
      %min3A_123 = vector.broadcast %get3A_107 : vector<1x128xf32> to vector<128x128xf32>
      %min3A_124 = arith.minimumf %min3A_122, %min3A_123 : vector<128x128xf32>
      %min3A_125 = vector.broadcast %slice3A_40 : vector<128x1xf32> to vector<128x128xf32>
      %min3A_126 = vector.broadcast %get3A_112 : vector<1x128xf32> to vector<128x128xf32>
      %min3A_127 = arith.minimumf %min3A_125, %min3A_126 : vector<128x128xf32>
      %sub3A_128 = arith.subf %min3A_124, %max3A_118 : vector<128x128xf32>
      %max3A_129 = arith.constant 0.000000e+00 : f32
      %max3A_130 = vector.broadcast %max3A_129 : f32 to vector<128x128xf32>
      %max3A_131 = arith.maximumf %sub3A_128, %max3A_130 : vector<128x128xf32>
      %sub3A_132 = arith.subf %min3A_127, %max3A_121 : vector<128x128xf32>
      %max3A_133 = arith.constant 0.000000e+00 : f32
      %max3A_134 = vector.broadcast %max3A_133 : f32 to vector<128x128xf32>
      %max3A_135 = arith.maximumf %sub3A_132, %max3A_134 : vector<128x128xf32>
      %mul3A_136 = arith.mulf %max3A_131, %max3A_135 : vector<128x128xf32>
      %add3A_137 = vector.broadcast %mul3A_43 : vector<128x1xf32> to vector<128x128xf32>
      %add3A_138 = vector.broadcast %mul3A_115 : vector<1x128xf32> to vector<128x128xf32>
      %add3A_139 = arith.addf %add3A_137, %add3A_138 : vector<128x128xf32>
      %sub3A_140 = arith.subf %add3A_139, %mul3A_136 : vector<128x128xf32>
      %add3A_141 = arith.constant 9.99999971E-10 : f32
      %add3A_142 = vector.broadcast %add3A_141 : f32 to vector<128x128xf32>
      %add3A_143 = arith.addf %sub3A_140, %add3A_142 : vector<128x128xf32>
      %div3A_144 = arith.divf %mul3A_136, %add3A_143 : vector<128x128xf32>
      %gt3A_145 = arith.constant 0.699999988 : f32
      %gt3A_146 = vector.broadcast %gt3A_145 : f32 to vector<128x128xf32>
      %gt3A_147 = arith.cmpf ogt, %div3A_144, %gt3A_146 : vector<128x128xf32>
      %jit3A = arith.constant 1.000000e+00 : f32
      %jit3A_148 = arith.constant 0.000000e+00 : f32
      %broadcast_in_dim3A_149 = vector.broadcast %jit3A : f32 to vector<128x1xf32>
      %broadcast_in_dim3A_150 = vector.broadcast %jit3A_148 : f32 to vector<128x1xf32>
      %select_n3A = arith.select %broadcast_in_dim3A, %broadcast_in_dim3A_149, %broadcast_in_dim3A_150 : vector<128x1xi1>, vector<128x1xf32>
      %sub3A_151 = arith.constant 1.000000e+00 : f32
      %sub3A_152 = vector.broadcast %sub3A_151 : f32 to vector<128x1xf32>
      %sub3A_153 = arith.subf %sub3A_152, %select_n3A : vector<128x1xf32>
      %dot_general3A = arith.constant dense<0.000000e+00> : vector<1x128xf32>
      %dot_general3A_154 = tpu.matmul %sub3A_153, %convert_element_type3A_23, %dot_general3A {dimension_numbers = #tpu.dot_dimension_numbers<[0], [0], [1], [1], [0, 1, 1, 1], [], []>, transpose_lhs_hint = false} : vector<128x1xf32>, vector<128x128xf32>, vector<1x128xf32> -> vector<1x128xf32>
      %while3A_155 = arith.constant 1.000000e+00 : f32
      %while3A_156:3 = scf.while (%while3A_170 = %dot_general3A_154, %while3A_171 = %sub3A_153, %while3A_172 = %while3A_155) : (vector<1x128xf32>, vector<128x1xf32>, f32) -> (vector<1x128xf32>, vector<128x1xf32>, f32) {
        %gt3A_173 = arith.constant 0.000000e+00 : f32
        %gt3A_174 = arith.cmpf ogt, %while3A_172, %gt3A_173 : f32
        scf.condition(%gt3A_174) %while3A_170, %while3A_171, %while3A_172 : vector<1x128xf32>, vector<128x1xf32>, f32
      } do {
      ^bb0(%while3A_170: vector<1x128xf32>, %while3A_171: vector<128x1xf32>, %while3A_172: f32):
        %gt3A_173 = arith.constant 5.000000e-01 : f32
        %gt3A_174 = vector.broadcast %gt3A_173 : f32 to vector<1x128xf32>
        %gt3A_175 = arith.cmpf ogt, %while3A_170, %gt3A_174 : vector<1x128xf32>
        %gt3A_176 = arith.constant 5.000000e-01 : f32
        %gt3A_177 = vector.broadcast %gt3A_176 : f32 to vector<128x1xf32>
        %gt3A_178 = arith.cmpf ogt, %while3A_171, %gt3A_177 : vector<128x1xf32>
        %and3A_179 = arith.andi %gt3A_147, %lt3A : vector<128x128xi1>
        %and3A_180 = vector.broadcast %gt3A_175 : vector<1x128xi1> to vector<128x128xi1>
        %and3A_181 = arith.andi %and3A_179, %and3A_180 : vector<128x128xi1>
        %reduce_or3A_182 = arith.constant 1.000000e+00 : f32
        %reduce_or3A_183 = arith.constant 0.000000e+00 : f32
        %reduce_or3A_184 = vector.broadcast %reduce_or3A_182 : f32 to vector<128x128xf32>
        %reduce_or3A_185 = vector.broadcast %reduce_or3A_183 : f32 to vector<128x128xf32>
        %reduce_or3A_186 = arith.select %and3A_181, %reduce_or3A_184, %reduce_or3A_185 : vector<128x128xi1>, vector<128x128xf32>
        %reduce_or3A_187 = arith.constant dense<0xFF800000> : vector<128xf32>
        %reduce_or3A_188 = vector.multi_reduction <maximumf>, %reduce_or3A_186, %reduce_or3A_187 [1] : vector<128x128xf32> to vector<128xf32>
        %reduce_or3A_189 = arith.constant 0.000000e+00 : f32
        %reduce_or3A_190 = vector.broadcast %reduce_or3A_189 : f32 to vector<128xf32>
        %reduce_or3A_191 = arith.cmpf ogt, %reduce_or3A_188, %reduce_or3A_190 : vector<128xf32>
        %broadcast_in_dim3A_192 = vector.shape_cast %reduce_or3A_191 : vector<128xi1> to vector<128x1xi1>
        %and3A_193 = arith.andi %gt3A_147, %lt3A_22 : vector<128x128xi1>
        %and3A_194 = vector.broadcast %gt3A_178 : vector<128x1xi1> to vector<128x128xi1>
        %and3A_195 = arith.andi %and3A_193, %and3A_194 : vector<128x128xi1>
        %reduce_or3A_196 = arith.constant 1.000000e+00 : f32
        %reduce_or3A_197 = arith.constant 0.000000e+00 : f32
        %reduce_or3A_198 = vector.broadcast %reduce_or3A_196 : f32 to vector<128x128xf32>
        %reduce_or3A_199 = vector.broadcast %reduce_or3A_197 : f32 to vector<128x128xf32>
        %reduce_or3A_200 = arith.select %and3A_195, %reduce_or3A_198, %reduce_or3A_199 : vector<128x128xi1>, vector<128x128xf32>
        %reduce_or3A_201 = arith.constant dense<0xFF800000> : vector<128xf32>
        %reduce_or3A_202 = vector.multi_reduction <maximumf>, %reduce_or3A_200, %reduce_or3A_201 [0] : vector<128x128xf32> to vector<128xf32>
        %reduce_or3A_203 = arith.constant 0.000000e+00 : f32
        %reduce_or3A_204 = vector.broadcast %reduce_or3A_203 : f32 to vector<128xf32>
        %reduce_or3A_205 = arith.cmpf ogt, %reduce_or3A_202, %reduce_or3A_204 : vector<128xf32>
        %broadcast_in_dim3A_206 = vector.shape_cast %reduce_or3A_205 : vector<128xi1> to vector<1x128xi1>
        %jit3A_207 = arith.constant 0.000000e+00 : f32
        %broadcast_in_dim3A_208 = vector.broadcast %jit3A_207 : f32 to vector<128x1xf32>
        %select_n3A_209 = arith.select %broadcast_in_dim3A_192, %broadcast_in_dim3A_208, %sub3A_153 : vector<128x1xi1>, vector<128x1xf32>
        %jit3A_210 = arith.constant 0.000000e+00 : f32
        %broadcast_in_dim3A_211 = vector.broadcast %jit3A_210 : f32 to vector<1x128xf32>
        %select_n3A_212 = arith.select %broadcast_in_dim3A_206, %broadcast_in_dim3A_211, %dot_general3A_154 : vector<1x128xi1>, vector<1x128xf32>
        %sub3A_213 = arith.subf %select_n3A_212, %while3A_170 : vector<1x128xf32>
        %abs3A = math.absf %sub3A_213 : vector<1x128xf32>
        %reduce_sum3A_214 = vector.shape_cast %abs3A : vector<1x128xf32> to vector<1x1x128xf32>
        %reduce_sum3A_215 = arith.constant dense<0.000000e+00> : vector<1xf32>
        %reduce_sum3A_216 = vector.multi_reduction <add>, %reduce_sum3A_214, %reduce_sum3A_215 [1, 2] : vector<1x1x128xf32> to vector<1xf32>
        %reduce_sum3A_217 = vector.shape_cast %reduce_sum3A_216 : vector<1xf32> to vector<1x1x1xf32>
        %reduce_sum3A_218 = vector.extract %reduce_sum3A_217[0, 0, 0] : f32 from vector<1x1x1xf32>
        scf.yield %select_n3A_212, %select_n3A_209, %reduce_sum3A_218 : vector<1x128xf32>, vector<128x1xf32>, f32
      }
      %swap3A_157 = arith.constant 0 : index
      %swap3A_158 = arith.constant 0 : index
      %swap3A_159 = arith.index_cast %mul3A_32 : i32 to index
      %swap3A_160 = vector.load %arg3[%swap3A_157, %swap3A_158, %swap3A_159] : memref<1x1x3072xf32, #tpu.memory_space<vmem>>, vector<1x1x128xf32>
      %swap3A_161 = vector.shape_cast %swap3A_160 : vector<1x1x128xf32> to vector<1x128xf32>
      %swap3A_162 = vector.shape_cast %while3A_156#0 : vector<1x128xf32> to vector<1x1x128xf32>
      tpu.vector_store %arg3[%swap3A_157, %swap3A_158, %swap3A_159], %swap3A_162 {strides = array<i32>} : memref<1x1x3072xf32, #tpu.memory_space<vmem>>, vector<1x1x128xf32>,
      %add3A_163 = arith.constant 1 : i32
      %add3A_164 = arith.addi %while3A_29, %add3A_163 : i32
      %reduce_sum3A = vector.shape_cast %while3A_156#0 : vector<1x128xf32> to vector<1x1x128xf32>
      %reduce_sum3A_165 = arith.constant dense<0.000000e+00> : vector<1xf32>
      %reduce_sum3A_166 = vector.multi_reduction <add>, %reduce_sum3A, %reduce_sum3A_165 [1, 2] : vector<1x1x128xf32> to vector<1xf32>
      %reduce_sum3A_167 = vector.shape_cast %reduce_sum3A_166 : vector<1xf32> to vector<1x1x1xf32>
      %reduce_sum3A_168 = vector.extract %reduce_sum3A_167[0, 0, 0] : f32 from vector<1x1x1xf32>
      %add3A_169 = arith.addf %while3A_30, %reduce_sum3A_168 : f32
      scf.yield %add3A_164, %add3A_169 : i32, f32
    }
    %swap3A = arith.constant 0 : index
    %swap3A_26 = arith.constant 0 : index
    %swap3A_27 = arith.constant 0 : index
    %swap3A_28 = memref.load %arg4[%swap3A, %swap3A_26, %swap3A_27] : memref<1x1x1xf32, #tpu.memory_space<smem>>
    memref.store %while3A_25#1, %arg4[%swap3A, %swap3A_26, %swap3A_27] : memref<1x1x1xf32, #tpu.memory_space<smem>>
    return
  }
  func.func @transform_0(%arg0: i32) -> (i32, i32, i32) {
    %c0_i32 = arith.constant 0 : i32
    %c0_i32_0 = arith.constant 0 : i32
    %c0_i32_1 = arith.constant 0 : i32
    return %arg0, %c0_i32, %c0_i32_0 : i32, i32, i32
  }
  func.func @transform_1(%arg0: i32) -> (i32, i32, i32) {
    %c0_i32 = arith.constant 0 : i32
    %c0_i32_0 = arith.constant 0 : i32
    %c0_i32_1 = arith.constant 0 : i32
    return %arg0, %c0_i32, %c0_i32_0 : i32, i32, i32
  }
  func.func @transform_2(%arg0: i32) -> (i32, i32, i32) {
    %c0_i32 = arith.constant 0 : i32
    %c0_i32_0 = arith.constant 0 : i32
    %c0_i32_1 = arith.constant 0 : i32
    return %arg0, %c0_i32, %c0_i32_0 : i32, i32, i32
  }
  func.func @transform_3(%arg0: i32) -> (i32, i32, i32) {
    %c0_i32 = arith.constant 0 : i32
    %c0_i32_0 = arith.constant 0 : i32
    %c0_i32_1 = arith.constant 0 : i32
    return %arg0, %c0_i32, %c0_i32_0 : i32, i32, i32
  }
}

module attributes {stable_mosaic.version = 14 : i64} {
  func.func @_nms_kernel_fn(%arg0: i32, %arg1: memref<1x6016x4xf32, #tpu.memory_space<vmem>>, %arg2: memref<1x4x6016xf32, #tpu.memory_space<vmem>>, %arg3: memref<1x1x6016xf32, #tpu.memory_space<vmem>>, %arg4: memref<1x1x1xf32, #tpu.memory_space<smem>>) attributes {dimension_semantics = [#tpu.dimension_semantics<parallel>], iteration_bounds = array<i64: 2>, scalar_prefetch = 0 : i64, scratch_operands = 0 : i64, tpu.core_type = #tpu.core_type<tc>, window_params = [{transform_indices = @transform_0, window_bounds = array<i64: 1, 6016, 4>}, {transform_indices = @transform_1, window_bounds = array<i64: 1, 4, 6016>}, {transform_indices = @transform_2, window_bounds = array<i64: 1, 1, 6016>}, {transform_indices = @transform_3, window_bounds = array<i64: 1, 1, 1>}]} {
    %get3A = arith.constant 0 : index
    %get3A_0 = arith.constant 0 : index
    %get3A_1 = arith.constant 0 : index
    %get3A_2 = vector.load %arg2[%get3A, %get3A_0, %get3A_1] : memref<1x4x6016xf32, #tpu.memory_space<vmem>>, vector<1x1x6016xf32>
    %get3A_3 = vector.shape_cast %get3A_2 : vector<1x1x6016xf32> to vector<1x6016xf32>
    %get3A_4 = arith.constant 0 : index
    %get3A_5 = arith.constant 1 : index
    %get3A_6 = arith.constant 0 : index
    %get3A_7 = vector.load %arg2[%get3A_4, %get3A_5, %get3A_6] : memref<1x4x6016xf32, #tpu.memory_space<vmem>>, vector<1x1x6016xf32>
    %get3A_8 = vector.shape_cast %get3A_7 : vector<1x1x6016xf32> to vector<1x6016xf32>
    %get3A_9 = arith.constant 0 : index
    %get3A_10 = arith.constant 2 : index
    %get3A_11 = arith.constant 0 : index
    %get3A_12 = vector.load %arg2[%get3A_9, %get3A_10, %get3A_11] : memref<1x4x6016xf32, #tpu.memory_space<vmem>>, vector<1x1x6016xf32>
    %get3A_13 = vector.shape_cast %get3A_12 : vector<1x1x6016xf32> to vector<1x6016xf32>
    %get3A_14 = arith.constant 0 : index
    %get3A_15 = arith.constant 3 : index
    %get3A_16 = arith.constant 0 : index
    %get3A_17 = vector.load %arg2[%get3A_14, %get3A_15, %get3A_16] : memref<1x4x6016xf32, #tpu.memory_space<vmem>>, vector<1x1x6016xf32>
    %get3A_18 = vector.shape_cast %get3A_17 : vector<1x1x6016xf32> to vector<1x6016xf32>
    %sub3A = arith.subf %get3A_13, %get3A_3 : vector<1x6016xf32>
    %sub3A_19 = arith.subf %get3A_18, %get3A_8 : vector<1x6016xf32>
    %mul3A = arith.mulf %sub3A, %sub3A_19 : vector<1x6016xf32>
    %iota3A = tpu.iota {dimensions = array<i32: 1>} : vector<1x6016xi32>
    %iota3A_20 = tpu.iota {dimensions = array<i32: 0>} : vector<128x128xi32>
    %iota3A_21 = tpu.iota {dimensions = array<i32: 1>} : vector<128x128xi32>
    %lt3A = arith.cmpi slt, %iota3A_21, %iota3A_20 : vector<128x128xi32>
    %lt3A_22 = arith.cmpi slt, %iota3A_20, %iota3A_21 : vector<128x128xi32>
    %eq3A = arith.cmpi eq, %iota3A_20, %iota3A_21 : vector<128x128xi32>
    %convert_element_type3A = arith.extui %eq3A : vector<128x128xi1> to vector<128x128xi32>
    %convert_element_type3A_23 = arith.sitofp %convert_element_type3A : vector<128x128xi32> to vector<128x128xf32>
    %while3A = arith.constant 0 : i32
    %while3A_24 = arith.constant 0.000000e+00 : f32
    %while3A_25:2 = scf.while (%while3A_29 = %while3A, %while3A_30 = %while3A_24) : (i32, f32) -> (i32, f32) {
      %lt3A_31 = arith.constant 47 : i32
      %lt3A_32 = arith.cmpi slt, %while3A_29, %lt3A_31 : i32
      %lt3A_33 = arith.constant 1.000000e+03 : f32
      %lt3A_34 = arith.cmpf olt, %while3A_30, %lt3A_33 : f32
      %and3A = arith.andi %lt3A_32, %lt3A_34 : i1
      scf.condition(%and3A) %while3A_29, %while3A_30 : i32, f32
    } do {
    ^bb0(%while3A_29: i32, %while3A_30: f32):
      %mul3A_31 = arith.constant 128 : i32
      %mul3A_32 = arith.muli %while3A_29, %mul3A_31 : i32
      %get3A_33 = arith.constant 0 : index
      %get3A_34 = arith.index_cast %mul3A_32 : i32 to index
      %get3A_35 = arith.constant 0 : index
      %get3A_36 = vector.load %arg1[%get3A_33, %get3A_34, %get3A_35] : memref<1x6016x4xf32, #tpu.memory_space<vmem>>, vector<1x128x4xf32>
      %get3A_37 = vector.shape_cast %get3A_36 : vector<1x128x4xf32> to vector<128x4xf32>
      %slice3A = vector.extract_strided_slice %get3A_37 {offsets = [0, 0], sizes = [128, 1], strides = [1, 1]} : vector<128x4xf32> to vector<128x1xf32>
      %slice3A_38 = vector.extract_strided_slice %get3A_37 {offsets = [0, 1], sizes = [128, 1], strides = [1, 1]} : vector<128x4xf32> to vector<128x1xf32>
      %slice3A_39 = vector.extract_strided_slice %get3A_37 {offsets = [0, 2], sizes = [128, 1], strides = [1, 1]} : vector<128x4xf32> to vector<128x1xf32>
      %slice3A_40 = vector.extract_strided_slice %get3A_37 {offsets = [0, 3], sizes = [128, 1], strides = [1, 1]} : vector<128x4xf32> to vector<128x1xf32>
      %sub3A_41 = arith.subf %slice3A_39, %slice3A : vector<128x1xf32>
      %sub3A_42 = arith.subf %slice3A_40, %slice3A_38 : vector<128x1xf32>
      %mul3A_43 = arith.mulf %sub3A_41, %sub3A_42 : vector<128x1xf32>
      %max3A = vector.broadcast %slice3A : vector<128x1xf32> to vector<128x6016xf32>
      %max3A_44 = vector.broadcast %get3A_3 : vector<1x6016xf32> to vector<128x6016xf32>
      %max3A_45 = arith.maximumf %max3A, %max3A_44 : vector<128x6016xf32>
      %max3A_46 = vector.broadcast %slice3A_38 : vector<128x1xf32> to vector<128x6016xf32>
      %max3A_47 = vector.broadcast %get3A_8 : vector<1x6016xf32> to vector<128x6016xf32>
      %max3A_48 = arith.maximumf %max3A_46, %max3A_47 : vector<128x6016xf32>
      %min3A = vector.broadcast %slice3A_39 : vector<128x1xf32> to vector<128x6016xf32>
      %min3A_49 = vector.broadcast %get3A_13 : vector<1x6016xf32> to vector<128x6016xf32>
      %min3A_50 = arith.minimumf %min3A, %min3A_49 : vector<128x6016xf32>
      %min3A_51 = vector.broadcast %slice3A_40 : vector<128x1xf32> to vector<128x6016xf32>
      %min3A_52 = vector.broadcast %get3A_18 : vector<1x6016xf32> to vector<128x6016xf32>
      %min3A_53 = arith.minimumf %min3A_51, %min3A_52 : vector<128x6016xf32>
      %sub3A_54 = arith.subf %min3A_50, %max3A_45 : vector<128x6016xf32>
      %max3A_55 = arith.constant 0.000000e+00 : f32
      %max3A_56 = vector.broadcast %max3A_55 : f32 to vector<128x6016xf32>
      %max3A_57 = arith.maximumf %sub3A_54, %max3A_56 : vector<128x6016xf32>
      %sub3A_58 = arith.subf %min3A_53, %max3A_48 : vector<128x6016xf32>
      %max3A_59 = arith.constant 0.000000e+00 : f32
      %max3A_60 = vector.broadcast %max3A_59 : f32 to vector<128x6016xf32>
      %max3A_61 = arith.maximumf %sub3A_58, %max3A_60 : vector<128x6016xf32>
      %mul3A_62 = arith.mulf %max3A_57, %max3A_61 : vector<128x6016xf32>
      %add3A = vector.broadcast %mul3A_43 : vector<128x1xf32> to vector<128x6016xf32>
      %add3A_63 = vector.broadcast %mul3A : vector<1x6016xf32> to vector<128x6016xf32>
      %add3A_64 = arith.addf %add3A, %add3A_63 : vector<128x6016xf32>
      %sub3A_65 = arith.subf %add3A_64, %mul3A_62 : vector<128x6016xf32>
      %add3A_66 = arith.constant 9.99999971E-10 : f32
      %add3A_67 = vector.broadcast %add3A_66 : f32 to vector<128x6016xf32>
      %add3A_68 = arith.addf %sub3A_65, %add3A_67 : vector<128x6016xf32>
      %div3A = arith.divf %mul3A_62, %add3A_68 : vector<128x6016xf32>
      %get3A_69 = arith.constant 0 : index
      %get3A_70 = arith.constant 0 : index
      %get3A_71 = arith.constant 0 : index
      %get3A_72 = vector.load %arg3[%get3A_69, %get3A_70, %get3A_71] : memref<1x1x6016xf32, #tpu.memory_space<vmem>>, vector<1x1x6016xf32>
      %get3A_73 = vector.shape_cast %get3A_72 : vector<1x1x6016xf32> to vector<1x6016xf32>
      %gt3A = arith.constant 5.000000e-01 : f32
      %gt3A_74 = vector.broadcast %gt3A : f32 to vector<1x6016xf32>
      %gt3A_75 = arith.cmpf ogt, %get3A_73, %gt3A_74 : vector<1x6016xf32>
      %gt3A_76 = arith.constant 0.699999988 : f32
      %gt3A_77 = vector.broadcast %gt3A_76 : f32 to vector<128x6016xf32>
      %gt3A_78 = arith.cmpf ogt, %div3A, %gt3A_77 : vector<128x6016xf32>
      %lt3A_79 = vector.broadcast %mul3A_32 : i32 to vector<1x6016xi32>
      %lt3A_80 = arith.cmpi slt, %iota3A, %lt3A_79 : vector<1x6016xi32>
      %and3A = vector.broadcast %lt3A_80 : vector<1x6016xi1> to vector<128x6016xi1>
      %and3A_81 = arith.andi %gt3A_78, %and3A : vector<128x6016xi1>
      %and3A_82 = vector.broadcast %gt3A_75 : vector<1x6016xi1> to vector<128x6016xi1>
      %and3A_83 = arith.andi %and3A_81, %and3A_82 : vector<128x6016xi1>
      %reduce_or3A = arith.constant 1.000000e+00 : f32
      %reduce_or3A_84 = arith.constant 0.000000e+00 : f32
      %reduce_or3A_85 = vector.broadcast %reduce_or3A : f32 to vector<128x6016xf32>
      %reduce_or3A_86 = vector.broadcast %reduce_or3A_84 : f32 to vector<128x6016xf32>
      %reduce_or3A_87 = arith.select %and3A_83, %reduce_or3A_85, %reduce_or3A_86 : vector<128x6016xi1>, vector<128x6016xf32>
      %reduce_or3A_88 = arith.constant dense<0xFF800000> : vector<128xf32>
      %reduce_or3A_89 = vector.multi_reduction <maximumf>, %reduce_or3A_87, %reduce_or3A_88 [1] : vector<128x6016xf32> to vector<128xf32>
      %reduce_or3A_90 = arith.constant 0.000000e+00 : f32
      %reduce_or3A_91 = vector.broadcast %reduce_or3A_90 : f32 to vector<128xf32>
      %reduce_or3A_92 = arith.cmpf ogt, %reduce_or3A_89, %reduce_or3A_91 : vector<128xf32>
      %broadcast_in_dim3A = vector.shape_cast %reduce_or3A_92 : vector<128xi1> to vector<128x1xi1>
      %get3A_93 = arith.constant 0 : index
      %get3A_94 = arith.constant 0 : index
      %get3A_95 = arith.index_cast %mul3A_32 : i32 to index
      %get3A_96 = vector.load %arg2[%get3A_93, %get3A_94, %get3A_95] : memref<1x4x6016xf32, #tpu.memory_space<vmem>>, vector<1x1x128xf32>
      %get3A_97 = vector.shape_cast %get3A_96 : vector<1x1x128xf32> to vector<1x128xf32>
      %get3A_98 = arith.constant 0 : index
      %get3A_99 = arith.constant 1 : index
      %get3A_100 = arith.index_cast %mul3A_32 : i32 to index
      %get3A_101 = vector.load %arg2[%get3A_98, %get3A_99, %get3A_100] : memref<1x4x6016xf32, #tpu.memory_space<vmem>>, vector<1x1x128xf32>
      %get3A_102 = vector.shape_cast %get3A_101 : vector<1x1x128xf32> to vector<1x128xf32>
      %get3A_103 = arith.constant 0 : index
      %get3A_104 = arith.constant 2 : index
      %get3A_105 = arith.index_cast %mul3A_32 : i32 to index
      %get3A_106 = vector.load %arg2[%get3A_103, %get3A_104, %get3A_105] : memref<1x4x6016xf32, #tpu.memory_space<vmem>>, vector<1x1x128xf32>
      %get3A_107 = vector.shape_cast %get3A_106 : vector<1x1x128xf32> to vector<1x128xf32>
      %get3A_108 = arith.constant 0 : index
      %get3A_109 = arith.constant 3 : index
      %get3A_110 = arith.index_cast %mul3A_32 : i32 to index
      %get3A_111 = vector.load %arg2[%get3A_108, %get3A_109, %get3A_110] : memref<1x4x6016xf32, #tpu.memory_space<vmem>>, vector<1x1x128xf32>
      %get3A_112 = vector.shape_cast %get3A_111 : vector<1x1x128xf32> to vector<1x128xf32>
      %sub3A_113 = arith.subf %get3A_107, %get3A_97 : vector<1x128xf32>
      %sub3A_114 = arith.subf %get3A_112, %get3A_102 : vector<1x128xf32>
      %mul3A_115 = arith.mulf %sub3A_113, %sub3A_114 : vector<1x128xf32>
      %max3A_116 = vector.broadcast %slice3A : vector<128x1xf32> to vector<128x128xf32>
      %max3A_117 = vector.broadcast %get3A_97 : vector<1x128xf32> to vector<128x128xf32>
      %max3A_118 = arith.maximumf %max3A_116, %max3A_117 : vector<128x128xf32>
      %max3A_119 = vector.broadcast %slice3A_38 : vector<128x1xf32> to vector<128x128xf32>
      %max3A_120 = vector.broadcast %get3A_102 : vector<1x128xf32> to vector<128x128xf32>
      %max3A_121 = arith.maximumf %max3A_119, %max3A_120 : vector<128x128xf32>
      %min3A_122 = vector.broadcast %slice3A_39 : vector<128x1xf32> to vector<128x128xf32>
      %min3A_123 = vector.broadcast %get3A_107 : vector<1x128xf32> to vector<128x128xf32>
      %min3A_124 = arith.minimumf %min3A_122, %min3A_123 : vector<128x128xf32>
      %min3A_125 = vector.broadcast %slice3A_40 : vector<128x1xf32> to vector<128x128xf32>
      %min3A_126 = vector.broadcast %get3A_112 : vector<1x128xf32> to vector<128x128xf32>
      %min3A_127 = arith.minimumf %min3A_125, %min3A_126 : vector<128x128xf32>
      %sub3A_128 = arith.subf %min3A_124, %max3A_118 : vector<128x128xf32>
      %max3A_129 = arith.constant 0.000000e+00 : f32
      %max3A_130 = vector.broadcast %max3A_129 : f32 to vector<128x128xf32>
      %max3A_131 = arith.maximumf %sub3A_128, %max3A_130 : vector<128x128xf32>
      %sub3A_132 = arith.subf %min3A_127, %max3A_121 : vector<128x128xf32>
      %max3A_133 = arith.constant 0.000000e+00 : f32
      %max3A_134 = vector.broadcast %max3A_133 : f32 to vector<128x128xf32>
      %max3A_135 = arith.maximumf %sub3A_132, %max3A_134 : vector<128x128xf32>
      %mul3A_136 = arith.mulf %max3A_131, %max3A_135 : vector<128x128xf32>
      %add3A_137 = vector.broadcast %mul3A_43 : vector<128x1xf32> to vector<128x128xf32>
      %add3A_138 = vector.broadcast %mul3A_115 : vector<1x128xf32> to vector<128x128xf32>
      %add3A_139 = arith.addf %add3A_137, %add3A_138 : vector<128x128xf32>
      %sub3A_140 = arith.subf %add3A_139, %mul3A_136 : vector<128x128xf32>
      %add3A_141 = arith.constant 9.99999971E-10 : f32
      %add3A_142 = vector.broadcast %add3A_141 : f32 to vector<128x128xf32>
      %add3A_143 = arith.addf %sub3A_140, %add3A_142 : vector<128x128xf32>
      %div3A_144 = arith.divf %mul3A_136, %add3A_143 : vector<128x128xf32>
      %gt3A_145 = arith.constant 0.699999988 : f32
      %gt3A_146 = vector.broadcast %gt3A_145 : f32 to vector<128x128xf32>
      %gt3A_147 = arith.cmpf ogt, %div3A_144, %gt3A_146 : vector<128x128xf32>
      %jit3A = arith.constant 1.000000e+00 : f32
      %jit3A_148 = arith.constant 0.000000e+00 : f32
      %broadcast_in_dim3A_149 = vector.broadcast %jit3A : f32 to vector<128x1xf32>
      %broadcast_in_dim3A_150 = vector.broadcast %jit3A_148 : f32 to vector<128x1xf32>
      %select_n3A = arith.select %broadcast_in_dim3A, %broadcast_in_dim3A_149, %broadcast_in_dim3A_150 : vector<128x1xi1>, vector<128x1xf32>
      %sub3A_151 = arith.constant 1.000000e+00 : f32
      %sub3A_152 = vector.broadcast %sub3A_151 : f32 to vector<128x1xf32>
      %sub3A_153 = arith.subf %sub3A_152, %select_n3A : vector<128x1xf32>
      %dot_general3A = arith.constant dense<0.000000e+00> : vector<1x128xf32>
      %dot_general3A_154 = tpu.matmul %sub3A_153, %convert_element_type3A_23, %dot_general3A {dimension_numbers = #tpu.dot_dimension_numbers<[0], [0], [1], [1], [0, 1, 1, 1], [], []>, transpose_lhs_hint = false} : vector<128x1xf32>, vector<128x128xf32>, vector<1x128xf32> -> vector<1x128xf32>
      %while3A_155 = arith.constant 1.000000e+00 : f32
      %while3A_156:3 = scf.while (%while3A_170 = %dot_general3A_154, %while3A_171 = %sub3A_153, %while3A_172 = %while3A_155) : (vector<1x128xf32>, vector<128x1xf32>, f32) -> (vector<1x128xf32>, vector<128x1xf32>, f32) {
        %gt3A_173 = arith.constant 0.000000e+00 : f32
        %gt3A_174 = arith.cmpf ogt, %while3A_172, %gt3A_173 : f32
        scf.condition(%gt3A_174) %while3A_170, %while3A_171, %while3A_172 : vector<1x128xf32>, vector<128x1xf32>, f32
      } do {
      ^bb0(%while3A_170: vector<1x128xf32>, %while3A_171: vector<128x1xf32>, %while3A_172: f32):
        %gt3A_173 = arith.constant 5.000000e-01 : f32
        %gt3A_174 = vector.broadcast %gt3A_173 : f32 to vector<1x128xf32>
        %gt3A_175 = arith.cmpf ogt, %while3A_170, %gt3A_174 : vector<1x128xf32>
        %gt3A_176 = arith.constant 5.000000e-01 : f32
        %gt3A_177 = vector.broadcast %gt3A_176 : f32 to vector<128x1xf32>
        %gt3A_178 = arith.cmpf ogt, %while3A_171, %gt3A_177 : vector<128x1xf32>
        %and3A_179 = arith.andi %gt3A_147, %lt3A : vector<128x128xi1>
        %and3A_180 = vector.broadcast %gt3A_175 : vector<1x128xi1> to vector<128x128xi1>
        %and3A_181 = arith.andi %and3A_179, %and3A_180 : vector<128x128xi1>
        %reduce_or3A_182 = arith.constant 1.000000e+00 : f32
        %reduce_or3A_183 = arith.constant 0.000000e+00 : f32
        %reduce_or3A_184 = vector.broadcast %reduce_or3A_182 : f32 to vector<128x128xf32>
        %reduce_or3A_185 = vector.broadcast %reduce_or3A_183 : f32 to vector<128x128xf32>
        %reduce_or3A_186 = arith.select %and3A_181, %reduce_or3A_184, %reduce_or3A_185 : vector<128x128xi1>, vector<128x128xf32>
        %reduce_or3A_187 = arith.constant dense<0xFF800000> : vector<128xf32>
        %reduce_or3A_188 = vector.multi_reduction <maximumf>, %reduce_or3A_186, %reduce_or3A_187 [1] : vector<128x128xf32> to vector<128xf32>
        %reduce_or3A_189 = arith.constant 0.000000e+00 : f32
        %reduce_or3A_190 = vector.broadcast %reduce_or3A_189 : f32 to vector<128xf32>
        %reduce_or3A_191 = arith.cmpf ogt, %reduce_or3A_188, %reduce_or3A_190 : vector<128xf32>
        %broadcast_in_dim3A_192 = vector.shape_cast %reduce_or3A_191 : vector<128xi1> to vector<128x1xi1>
        %and3A_193 = arith.andi %gt3A_147, %lt3A_22 : vector<128x128xi1>
        %and3A_194 = vector.broadcast %gt3A_178 : vector<128x1xi1> to vector<128x128xi1>
        %and3A_195 = arith.andi %and3A_193, %and3A_194 : vector<128x128xi1>
        %reduce_or3A_196 = arith.constant 1.000000e+00 : f32
        %reduce_or3A_197 = arith.constant 0.000000e+00 : f32
        %reduce_or3A_198 = vector.broadcast %reduce_or3A_196 : f32 to vector<128x128xf32>
        %reduce_or3A_199 = vector.broadcast %reduce_or3A_197 : f32 to vector<128x128xf32>
        %reduce_or3A_200 = arith.select %and3A_195, %reduce_or3A_198, %reduce_or3A_199 : vector<128x128xi1>, vector<128x128xf32>
        %reduce_or3A_201 = arith.constant dense<0xFF800000> : vector<128xf32>
        %reduce_or3A_202 = vector.multi_reduction <maximumf>, %reduce_or3A_200, %reduce_or3A_201 [0] : vector<128x128xf32> to vector<128xf32>
        %reduce_or3A_203 = arith.constant 0.000000e+00 : f32
        %reduce_or3A_204 = vector.broadcast %reduce_or3A_203 : f32 to vector<128xf32>
        %reduce_or3A_205 = arith.cmpf ogt, %reduce_or3A_202, %reduce_or3A_204 : vector<128xf32>
        %broadcast_in_dim3A_206 = vector.shape_cast %reduce_or3A_205 : vector<128xi1> to vector<1x128xi1>
        %jit3A_207 = arith.constant 0.000000e+00 : f32
        %broadcast_in_dim3A_208 = vector.broadcast %jit3A_207 : f32 to vector<128x1xf32>
        %select_n3A_209 = arith.select %broadcast_in_dim3A_192, %broadcast_in_dim3A_208, %sub3A_153 : vector<128x1xi1>, vector<128x1xf32>
        %jit3A_210 = arith.constant 0.000000e+00 : f32
        %broadcast_in_dim3A_211 = vector.broadcast %jit3A_210 : f32 to vector<1x128xf32>
        %select_n3A_212 = arith.select %broadcast_in_dim3A_206, %broadcast_in_dim3A_211, %dot_general3A_154 : vector<1x128xi1>, vector<1x128xf32>
        %sub3A_213 = arith.subf %select_n3A_212, %while3A_170 : vector<1x128xf32>
        %abs3A = math.absf %sub3A_213 : vector<1x128xf32>
        %reduce_sum3A_214 = vector.shape_cast %abs3A : vector<1x128xf32> to vector<1x1x128xf32>
        %reduce_sum3A_215 = arith.constant dense<0.000000e+00> : vector<1xf32>
        %reduce_sum3A_216 = vector.multi_reduction <add>, %reduce_sum3A_214, %reduce_sum3A_215 [1, 2] : vector<1x1x128xf32> to vector<1xf32>
        %reduce_sum3A_217 = vector.shape_cast %reduce_sum3A_216 : vector<1xf32> to vector<1x1x1xf32>
        %reduce_sum3A_218 = vector.extract %reduce_sum3A_217[0, 0, 0] : f32 from vector<1x1x1xf32>
        scf.yield %select_n3A_212, %select_n3A_209, %reduce_sum3A_218 : vector<1x128xf32>, vector<128x1xf32>, f32
      }
      %swap3A_157 = arith.constant 0 : index
      %swap3A_158 = arith.constant 0 : index
      %swap3A_159 = arith.index_cast %mul3A_32 : i32 to index
      %swap3A_160 = vector.load %arg3[%swap3A_157, %swap3A_158, %swap3A_159] : memref<1x1x6016xf32, #tpu.memory_space<vmem>>, vector<1x1x128xf32>
      %swap3A_161 = vector.shape_cast %swap3A_160 : vector<1x1x128xf32> to vector<1x128xf32>
      %swap3A_162 = vector.shape_cast %while3A_156#0 : vector<1x128xf32> to vector<1x1x128xf32>
      tpu.vector_store %arg3[%swap3A_157, %swap3A_158, %swap3A_159], %swap3A_162 {strides = array<i32>} : memref<1x1x6016xf32, #tpu.memory_space<vmem>>, vector<1x1x128xf32>,
      %add3A_163 = arith.constant 1 : i32
      %add3A_164 = arith.addi %while3A_29, %add3A_163 : i32
      %reduce_sum3A = vector.shape_cast %while3A_156#0 : vector<1x128xf32> to vector<1x1x128xf32>
      %reduce_sum3A_165 = arith.constant dense<0.000000e+00> : vector<1xf32>
      %reduce_sum3A_166 = vector.multi_reduction <add>, %reduce_sum3A, %reduce_sum3A_165 [1, 2] : vector<1x1x128xf32> to vector<1xf32>
      %reduce_sum3A_167 = vector.shape_cast %reduce_sum3A_166 : vector<1xf32> to vector<1x1x1xf32>
      %reduce_sum3A_168 = vector.extract %reduce_sum3A_167[0, 0, 0] : f32 from vector<1x1x1xf32>
      %add3A_169 = arith.addf %while3A_30, %reduce_sum3A_168 : f32
      scf.yield %add3A_164, %add3A_169 : i32, f32
    }
    %swap3A = arith.constant 0 : index
    %swap3A_26 = arith.constant 0 : index
    %swap3A_27 = arith.constant 0 : index
    %swap3A_28 = memref.load %arg4[%swap3A, %swap3A_26, %swap3A_27] : memref<1x1x1xf32, #tpu.memory_space<smem>>
    memref.store %while3A_25#1, %arg4[%swap3A, %swap3A_26, %swap3A_27] : memref<1x1x1xf32, #tpu.memory_space<smem>>
    return
  }
  func.func @transform_0(%arg0: i32) -> (i32, i32, i32) {
    %c0_i32 = arith.constant 0 : i32
    %c0_i32_0 = arith.constant 0 : i32
    %c0_i32_1 = arith.constant 0 : i32
    return %arg0, %c0_i32, %c0_i32_0 : i32, i32, i32
  }
  func.func @transform_1(%arg0: i32) -> (i32, i32, i32) {
    %c0_i32 = arith.constant 0 : i32
    %c0_i32_0 = arith.constant 0 : i32
    %c0_i32_1 = arith.constant 0 : i32
    return %arg0, %c0_i32, %c0_i32_0 : i32, i32, i32
  }
  func.func @transform_2(%arg0: i32) -> (i32, i32, i32) {
    %c0_i32 = arith.constant 0 : i32
    %c0_i32_0 = arith.constant 0 : i32
    %c0_i32_1 = arith.constant 0 : i32
    return %arg0, %c0_i32, %c0_i32_0 : i32, i32, i32
  }
  func.func @transform_3(%arg0: i32) -> (i32, i32, i32) {
    %c0_i32 = arith.constant 0 : i32
    %c0_i32_0 = arith.constant 0 : i32
    %c0_i32_1 = arith.constant 0 : i32
    return %arg0, %c0_i32, %c0_i32_0 : i32, i32, i32
  }
}

</mosaic_0001>

<sc_bundles>
// kernel: gather_offload_async_start.1
scs
__scs_entry_jumppad:
0x0: {  	(pc) =	sbr.rel $0x88, $3  }
0x1: {  	(tag) =	ssettag $0x0;
	lr =	simm.s32 $0x1  }
0x2: {  	[smem:$0x3F96] =	sst lr;
	_ =	strace $0xD0000000  }
0x3: {  	_ = 	snop  }
0x4: {  	_ = 	snop  }
0x5: {  	_ = 	snop  }
0x6: {  	_ = 	snop  }
0x7: {  	_ = 	snop  }
__scs_overlays_trampoline_lowered:
0x8: {  	[smem:$0x3FA5] =	sst s0  }
0x9: {  	[smem:$0x3FA6] =	sst s1  }
0xa: {  	[smem:$0x3FA7] =	sst s2  }
0xb: {  	[smem:$0x3FA8] =	sst s3  }
0xc: {  	[smem:$0x3FA9] =	sst s4  }
0xd: {  	[smem:$0x3FAA] =	sst s5  }
0xe: {  	[smem:$0x3FAB] =	sst s6  }
0xf: {  	[smem:$0x3FAC] =	sst s7  }
0x10: {  	[smem:$0x3FAD] =	sst s8  }
0x11: {  	[smem:$0x3FAE] =	sst s9;
	s0 =	simm.s32 @!p0 $0x0  }
0x12: {  	s1 =	sld [smem:$0x3F94];
	s0 =	simm.s32 @p0 $0x1  }
0x13: {  	[smem:$0x3FAF] =	sst s0;
	s0 =	simm.s32 @!p1 $0x0  }
0x14: {  	s2 =	sld [smem:$0x3F93];
	s0 =	simm.s32 @p1 $0x1  }
0x15: {  	[smem:$0x3FB0] =	sst s0;
	s0 =	simm.s32 @!p2 $0x0  }
0x16: {  	s3 =	sld [smem:$0x3FDB];
	s0 =	simm.s32 @p2 $0x1  }
0x17: {  	s4 =	simm.s32 $0x1BF5;
	[smem:$0x3FB2] =	sst s0  }
0x18: {  	s0 =	sld [smem:$0x3F95];
	_ =	swait.ge [sflag:s4], $0x0  }
0x19: {  	s7 =	sld [smem:$0x3F96]  }
0x1a: {  	s8 =	sadd.s32 $0xFFFFE003, lr  }
0x1b: {  	s9 =	sadd.s32 $0xFFFFFEF7, lr;
	s5 =	simm.s32 $0xFFFFFFFF;
	p2 =	slt.u32 s8, $0xFFFFF086  }
0x1c: {  	p1 =	slt.u32 s9, $0xF7A;
	s5 =	simm.s32 @!p2 $0x0  }
0x1d: {  	s5 =	simm.s32 @p1 $0x1;
	p0 =	seq.s32 s7, s2  }
0x1e: {  	s7 =	smul.u32 @!p0 $0xF7A, s2;
	p2 =	seq.s32 @!p0 s5, $0x0  }
0x1f: {  	s9 =	smul.u32 $0xF7A, s1;
	s8 =	simm.s32 @!p0 $0x1BF5;
	p2 =	por !p2, p0  }
0x20: {  	[sflag:s8] =	ssyncset.s32 @!p0 $0xFFFFF086;
	s6 =	sadd.s32 @!p0 s3, s7;
	s7 =	simm.s32 @!p0 $0x108  }
0x21: {  	s3 =	sadd.s32 s3, s9;
	s6 =	sadd.s32 @!p0 $0x88, s6;
	s7 =	simm.s32 @p2 $0x1082  }
0x22: {  	[simem:s7], [sflag:s8] =	dma.local @!p0 [hbm:s6], $0xF7A  }
0x23: {  	s9 =	sor.u32 $0xD0000000, s2;
	s6 =	simm.s32 $0x108;
	_ =	swait.ge @!p0 [sflag:s8], $0x0  }
0x24: {  	s3 =	sadd.s32 $0x88, s3;
	s6 =	simm.s32 @!p1 $0x1082;
	[sflag:s4] =	ssyncset.s32 $0xFFFFF086  }
0x25: {  	[simem:s6], [sflag:s4] =	dma.local [hbm:s3], $0xF7A  }
0x26: {  	[smem:$0x3F96] =	sst s1;
	(tag) =	ssettag s2;
	_ =	strace s9  }
0x27: {  	s1 =	sld [smem:$0x3FA6]  }
0x28: {  	s2 =	sld [smem:$0x3FA7]  }
0x29: {  	s4 =	sld [smem:$0x3FA9]  }
0x2a: {  	p0 =	seq.s32 s5, $0x0;
	s5 =	sld [smem:$0x3FAA]  }
0x2b: {  	s6 =	sld [smem:$0x3FAB]  }
0x2c: {  	s7 =	sld [smem:$0x3FAC]  }
0x2d: {  	s3 =	simm.s32 $0x108;
	s8 =	sld [smem:$0x3FAD]  }
0x2e: {  	s3 =	simm.s32 @!p0 $0x1082;
	s9 =	sld [smem:$0x3FAE]  }
0x2f: {  	lr =	sadd.s32 s0, s3;
	s0 =	sld [smem:$0x3FA5]  }
0x30: {  	s3 =	sld [smem:$0x3FA8]  }
0x31: {  	[smem:$0x3FB1] =	sst s10  }
0x32: {  	s10 =	sld [smem:$0x3FAF];
	_ =	sdelay $0x3  }
0x33: {  	p0 =	seq.s32 s10, $0x1;
	s10 =	sld [smem:$0x3FB1];
	_ =	sdelay $0x3  }
0x34: {  	[smem:$0x3FB1] =	sst s10  }
0x35: {  	s10 =	sld [smem:$0x3FB0];
	_ =	sdelay $0x3  }
0x36: {  	p1 =	seq.s32 s10, $0x1;
	s10 =	sld [smem:$0x3FB1];
	_ =	sdelay $0x3  }
0x37: {  	[smem:$0x3FB1] =	sst s10  }
0x38: {  	s10 =	sld [smem:$0x3FB2]  }
0x39: {  	_ = 	snop;
	(pc) =	sbr.ind lr, $3  }
0x3a: {  	_ = 	snop  }
0x3b: {  	_ = 	snop  }
0x3c: {  	p2 =	seq.s32 s10, $0x1;
	s10 =	sld [smem:$0x3FB1]  }
0x3d: {  	_ =	shalt  }
0x3e: {  	_ =	shalt  }
0x3f: {  	_ =	shalt  }
0x40: {  	_ =	shalt  }
0x41: {  	_ =	shalt  }
0x42: {  	_ =	shalt  }
0x43: {  	_ =	shalt  }
0x44: {  	_ =	shalt  }
0x45: {  	_ =	shalt  }
0x46: {  	_ =	shalt  }
0x47: {  	_ =	shalt  }
0x48: {  	_ =	shalt  }
0x49: {  	_ =	shalt  }
0x4a: {  	_ =	shalt  }
0x4b: {  	_ =	shalt  }
0x4c: {  	_ =	shalt  }
0x4d: {  	_ =	shalt  }
0x4e: {  	_ =	shalt  }
0x4f: {  	_ =	shalt  }
0x50: {  	_ =	shalt  }
0x51: {  	_ =	shalt  }
0x52: {  	_ =	shalt  }
0x53: {  	_ =	shalt  }
0x54: {  	_ =	shalt  }
0x55: {  	_ =	shalt  }
0x56: {  	_ =	shalt  }
0x57: {  	_ =	shalt  }
0x58: {  	_ =	shalt  }
0x59: {  	_ =	shalt  }
0x5a: {  	_ =	shalt  }
0x5b: {  	_ =	shalt  }
0x5c: {  	_ =	shalt  }
0x5d: {  	_ =	shalt  }
0x5e: {  	_ =	shalt  }
0x5f: {  	_ =	shalt  }
0x60: {  	_ =	shalt  }
0x61: {  	_ =	shalt  }
0x62: {  	_ =	shalt  }
0x63: {  	_ =	shalt  }
0x64: {  	_ =	shalt  }
0x65: {  	_ =	shalt  }
0x66: {  	_ =	shalt  }
0x67: {  	_ =	shalt  }
0x68: {  	_ =	shalt  }
0x69: {  	_ =	shalt  }
0x6a: {  	_ =	shalt  }
0x6b: {  	_ =	shalt  }
0x6c: {  	_ =	shalt  }
0x6d: {  	_ =	shalt  }
0x6e: {  	_ =	shalt  }
0x6f: {  	_ =	shalt  }
0x70: {  	_ =	shalt  }
0x71: {  	_ =	shalt  }
0x72: {  	_ =	shalt  }
0x73: {  	_ =	shalt  }
0x74: {  	_ =	shalt  }
0x75: {  	_ =	shalt  }
0x76: {  	_ =	shalt  }
0x77: {  	_ =	shalt  }
0x78: {  	_ =	shalt  }
0x79: {  	_ =	shalt  }
0x7a: {  	_ =	shalt  }
0x7b: {  	_ =	shalt  }
0x7c: {  	_ =	shalt  }
0x7d: {  	_ =	shalt  }
0x7e: {  	_ =	shalt  }
0x7f: {  	_ =	shalt  }
0x80: {  	_ =	shalt  }
0x81: {  	_ =	shalt  }
0x82: {  	_ =	shalt  }
0x83: {  	_ =	shalt  }
0x84: {  	_ =	shalt  }
0x85: {  	_ =	shalt  }
0x86: {  	_ =	shalt  }
0x87: {  	_ =	shalt  }
.Lfunc_end0:
.L_simem_size_0:
called_computation.1_lowered:
.L_overlay_start_0:
0x88: {  	s2 =	sld [smem:$0x3FD9]  }
0x89: {  	s3 =	sld [smem:$0x3FFE];
	_ =	sdelay $0x1  }
0x8a: {  	s1 =	srdreg.scid  }
0x8b: {  	s0 =	sand.u32 $0x1, s1  }
0x8c: {  	s17 =	sshll.u32 s0, $0xA;
	s2 =	sadd.s32 s3, s2  }
0x8d: {  	s2 =	sadd.s32 s2, s17  }
0x8e: {  	[smem:$0x3FBD] =	sst s2  }
0x8f: {  	_ = 	snop  }
0x90: {  	(tm) =	ssettm $0x1  }
0x91: {  	s18 =	sld [smem:$0x3FFB];
	_ =	sdelay $0x3  }
0x92: {  	_ =	strace s18  }
0x93: {  	s2 =	sld [smem:$0x3FFC];
	_ =	sdelay $0x3  }
0x94: {  	_ =	strace s2  }
0x95: {  	s2 =	sld [smem:$0x3FFD];
	_ =	sdelay $0x3  }
0x96: {  	_ =	strace s2  }
0x97: {  	_ =	strace $0x8FFFFFFF  }
0x98: {  	s19 =	sld [smem:$0x3FDB];
	_ =	sdelay $0x1  }
0x99: {  	s20 =	simm.s32 $_scs_section_size  }
0x9a: {  	s4 =	simm.s32 $_size__tile_overlayer_lowered;
	s5 =	simm.s32 $_tile_overlayer_lowered  }
0x9b: {  	s6 =	simm.s32 $0x1BFF;
	s21 =	sshll.u32 s5, $0x1;
	s3 =	sadd.s32 s20, s19  }
0x9c: {  	s22 =	simm.s32 $0x0;
	s4 =	sshll.u32 s4, $0x1;
	s5 =	sadd.s32 s21, s3  }
0x9d: {  	[timem:s22], [sflag:s6] =	dma.local [hbm:s5], s4  }
0x9e: {  	_ =	swait.ge [sflag:s6], s4  }
0x9f: {  	s4 =	ssub.s32 $0x0, s4;
	[sflag:s6] =	ssyncset.done $0x0  }
0xa0: {  	[sflag:s6] =	ssyncadd.s32 s4;
	_ =	sdelay $0x1  }
0xa1: {  	s23 =	simm.s32 $0x1B8B  }
0xa2: {  	_ =	swait.ge [sflag:s23], $0x1  }
0xa3: {  	[sflag:s23] =	ssyncset.done $0x0  }
0xa4: {  	[sflag:s23] =	ssyncadd.s32 $0xFFFFFFFF  }
0xa5: {  	s4 =	sld [smem:$0x0]  }
0xa6: {  	s5 =	sand.u32 $0xFFFFFFFE, s1  }
0xa7: {  	p0 =	sne.s32 s1, s5  }
0xa8: {  	s5 =	sshll.u32 @p0 s5, $0xE  }
0xa9: {  	s5 =	sadd.s32 @p0 $0x11B8D, s5;
	s6 =	sshll.u32 @p0 s4, $0x11  }
0xaa: {  	s5 =	sor.u32 @p0 s6, s5  }
0xab: {  	[sflag:s5] =	ssyncadd.remote.s32 @p0 $0x1;
	_ =	sdelay $0x1  }
0xac: {  	s5 =	simm.s32 @p0 $0x1B8D  }
0xad: {  	_ =	swait.eq @p0 [sflag:s5], $0x1  }
0xae: {  	[sflag:s5] =	ssyncadd.s32 @p0 $0xFFFFFFFF  }
0xaf: {  	s6 =	sshll.u32 @!p0 s1, $0xE  }
0xb0: {  	s6 =	sor.u32 @!p0 $0x4000, s6;
	s5 =	simm.s32 @!p0 $0x1B8D  }
0xb1: {  	s4 =	sshll.u32 @!p0 s4, $0x11;
	s6 =	sadd.s32 @!p0 $0x11B8D, s6;
	_ =	swait.eq @!p0 [sflag:s5], $0x1  }
0xb2: {  	s4 =	sor.u32 @!p0 s4, s6;
	[sflag:s5] =	ssyncadd.s32 @!p0 $0xFFFFFFFF  }
0xb3: {  	s25 =	simm.s32 $0x1B8E;
	s24 =	sld [smem:$0x3FFE];
	[sflag:s4] =	ssyncadd.remote.s32 @!p0 $0x1  }
0xb4: {  	s26 =	simm.s32 $execute0_lowered;
	[smem:$0x3FD2] =	sst s25  }
0xb5: {  	s5 =	sshll.u32 s26, $0x1;
	_ =	strace $0x8000004F;
	[dreg:$0x1] =	wrdreg $0xFFFFFFFF  }
0xb6: {  	s28 =	simm.s32 $_size_execute0_lowered;
	s3 =	sadd.s32 s3, s5;
	[dreg:$0x0] =	wrdreg $0x0  }
0xb7: {  	s5 =	sshll.u32 s28, $0x1;
	[dreg:$0x2] =	wrdreg s3  }
0xb8: {  	[dreg:$0x3] =	wrdreg s5  }
0xb9: {  	[dreg:$0x4] =	wrdreg $0xC0  }
0xba: {  	_ =	task [dreg:s22], $0x5FFFF  }
0xbb: {  	[dreg:$0x1] =	wrdreg $0xFFFFFFFF  }
0xbc: {  	[dreg:$0x0] =	wrdreg $0x60  }
0xbd: {  	[dreg:$0x2] =	wrdreg s24  }
0xbe: {  	[dreg:$0x3] =	wrdreg $0x9  }
0xbf: {  	_ =	task.clear_ibuf [dreg:s22], $0x4FFFF;
	_ =	strace $0x9000004F  }
0xc0: {  	s29 =	simm.s32 $0x9;
	_ =	strace $0x80000051  }
0xc1: {  	_ =	swait.ge [sflag:s29], $0x1  }
0xc2: {  	[sflag:s29] =	ssyncadd.s32 $0xFFFFFFFF  }
0xc3: {  	_ =	strace $0x90000051  }
0xc4: {  	_ =	sfence  }
0xc5: {  	s30 =	sld [smem:$0x0];
	_ =	sdelay $0x2  }
0xc6: {  	s31 =	sshll.u32 s1, $0xD;
	s1 =	sshrl.u32 s1, $0x2  }
0xc7: {  	s4 =	sand.u32 $0x4000, s31;
	s1 =	sadd.s32 s1, s30  }
0xc8: {  	s0 =	sor.u32 s4, s0;
	s1 =	sshll.u32 s1, $0x11  }
0xc9: {  	s0 =	sor.u32 s1, s0  }
0xca: {  	s0 =	sadd.s32 $0x8F2B, s0  }
0xcb: {  	[sflag:s0] =	ssyncadd.remote.s32 $0x1  }
0xcc: {  	_ =	sfence.sel $0xFFFF  }
0xcd: {  	[dreg:$0x0] =	wrdreg $0xFFFFFFFF;
	(pc) =	sbr.abs _section_cstart, $3  }
0xce: {  	[dreg:$0x1] =	wrdreg $0xFFFFFFFF  }
0xcf: {  	_ =	task.clear_ibuf [dreg:s22], $0x2FFFF;
	_ =	strace $0x9FFFFFFF  }
0xd0: {  	(tm) =	ssettm $0x7FFFFFFF  }
0xd1: {  	_ =	shalt  }
tec
execute0_lowered:
.L_overlay_start_1:
0x0: {  	(tag) =	ssettag $0x1  }
0x1: {  	s0 =	srdreg.scid  }
0x2: {  	s1 =	sshll.u32 s0, $0x4  }
0x3: {  	s0 =	stileid.u32;
	s1 =	sand.u32 $0x10, s1  }
0x4: {  	s2 =	sor.u32 s0, s1  }
0x5: {  	s1 =	smin.u32 s2, $0x1C  }
0x6: {  	s1 =	sadd.s32 s2, s1  }
0x7: {  	p0 =	slt.u32 s2, $0x1C;
	s2 =	simm.s32 $0x190;
	s1 =	smul.u32 $0xC8, s1  }
0x8: {  	s2 =	simm.s32 @!p0 $0xC8  }
0x9: {  	s2 =	sadd.s32 s2, s1  }
0xa: {  	s3 =	smin.u32 s2, $0x2EE0  }
0xb: {  	s7 =	ssub.s32 s3, s1  }
0xc: {  	p0 =	sgt.s32 s7, $0x0  }
0xd: {  	s7 =	simm.s32 @!p0 $0x0  }
0xe: {  	s31 =	sand.u32 $0xFFF8, s7  }
0xf: {  	s2 =	sshrl.u32 s31, $0x3  }
0x10: {  	s4 =	smul.u32 $0x147B, s2  }
0x11: {  	s9 =	rddreg [dreg:$0x0];
	s6 =	simm.s32 $0x1;
	s11 =	simm.s32 $0x3  }
0x12: {  	s13 =	simm.s32 $0x0;
	s12 =	simm.s32 $0x0;
	s8 =	sshrl.u32 s4, $0x11  }
0x13: {  	s2 =	rddreg [dreg:$0x1];
	_ =	strace $0x80000050;
	s10 =	smul.u32 $0xC8, s8  }
.Ltmp0:
0x14: {  	s5 =	sadd.s32 $0x1A00, s9;
	[sflag:s6] =	ssyncpa.u1 $0x0;
	(pc) =	sbr.rel .LBB2_1-.Ltmp0, $4  }
0x15: {  	s4 =	sadd.s32 $0x172200, s9;
	p0 =	sne.s32 s7, s10;
	s10 =	simm.s32 $0x1  }
0x16: {  	s9 =	sadd.s32 $0x1A2200, s9;
	s7 =	simm.s32 $0x2;
	s10 =	simm.s32 @!p0 $0x0  }
0x17: {  	[sflag:s7] =	ssyncpa.u1 $0x0;
	p0 =	por $0x0, $0x0;
	s8 =	sadd.s32 s8, s10  }
0x18: {  	vm0 =	vmmov $0xff;
	vm1 =	vcmask $0x3F20;
	[sflag:s11] =	ssyncpa.u1 $0x0;
	s11 =	smov.u32 s1;
	s10 =	sadd.s32 $0x1, s8  }
.LBB2_6:
0x19: {  	[hbm:s17] =	stream.linear.scatter [tilespmem:s14], [sflag:$0x3], $0x400, $0x38;
	[tilespmem:$0xC990] =	vst v63  }
.LBB2_7:
0x1a: {  	s13 =	sadd.s32 $0xC8, s11  }
0x1b: {  	s15 =	smov.u32 s1;
	p2 =	slt.s32 s13, s3  }
0x1c: {  	s15 =	smov.u32 @p2 s13;
	p2 =	sne.s32 s12, s10  }
.Ltmp1:
0x1d: {  	p1 =	slt.u32 s12, $0x2;
	(pc) =	sbr.rel @!p2 .LBB2_8-.Ltmp1, $4  }
0x1e: {  	s14 =	simm.s32 @!p1 $0x3  }
0x1f: {  	s16 =	sadd.s32 $0x1, s12;
	_ =	swait.ge @!p1 [sflag:s14], $0x6400  }
0x20: {  	p0 =	por !p0, !p0;
	s13 =	smov.u32 s11;
	[sflag:s14] =	ssyncset.done @!p1 $0x0  }
0x21: {  	s12 =	smov.u32 s16;
	s11 =	smov.u32 s15;
	[sflag:s14] =	ssyncadd.s32 @!p1 $0xFFFF9C00  }
.LBB2_1:
0x22: {  	p1 =	sge.u32 s12, s8  }
0x23: {  	s14 =	sxor.u32 @!p1 $0xFFFFFFFF, s12  }
0x24: {  	s14 =	sand.u32 @!p1 $0x1, s14  }
0x25: {  	s14 =	smul.u32 @!p1 $0x320, s14  }
0x26: {  	s31 =	sadd.s32 $0xFFFFFFFF, s12;
	s15 =	sshrl.u32 @!p1 s11, $0x3  }
0x27: {  	s16 =	sand.u32 @!p1 $0x7, s11;
	s15 =	sadd.s32 @!p1 s5, s15;
	s14 =	sshrl.u32 @!p1 s14, $0x2  }
0x28: {  	[tilespmem:s14], [sflag:$0x2] =	stream.linear.gather @!p1 [hbm4b:s15+s16], $0xC8, $0x38;
	[tilespmem:$0xC990] =	vst v63  }
0x29: {  	p1 =	sge.u32 s31, s8  }
.Ltmp2:
0x2a: {  	_ = 	snop;
	(pc) =	sbr.rel @p1 .LBB2_7-.Ltmp2, $1  }
0x2b: {  	_ =	sdelay $0x3  }
0x2c: {  	s14 =	simm.s32 $0x1  }
0x2d: {  	s14 =	simm.s32 @!p0 $0x0  }
0x2e: {  	s15 =	smul.u32 $0x320, s14  }
0x2f: {  	_ =	swait.ge [sflag:s7], $0xC8  }
0x30: {  	[sflag:s7] =	ssyncset.done $0x0;
	s16 =	sshrl.u32 s15, $0x2  }
0x31: {  	[sflag:s7] =	ssyncadd.s32 $0xFFFFFF38;
	s15 =	sadd.s32 $0x0, s16  }
0x32: {  	v0 =	vld.msk [tilespmem:s15+$0x0 ss:$0x1], $0xffff;
	_ =	sdelay $0x4  }
0x33: {  	vm2 =	vgt.s32 v0, $0x0  }
0x34: {  	v0 =	vnsel vm2, $0x0, v0  }
0x35: {  	v0 =	vmin.u32 v0, $0x2FFF  }
0x36: {  	v0 =	vshll.u32 v0, $0x4  }
0x37: {  	s14 =	smul.u32 $0x19000, s14  }
0x38: {  	s31 =	sand.u32 $0x1, s12  }
0x39: {  	s17 =	smul.u32 $0x320, s31;
	s14 =	sshrl.u32 s14, $0x2  }
0x3a: {  	s19 =	smul.u32 $0x19000, s31;
	s14 =	sor.u32 $0x190, s14  }
0x3b: {  	[tilespmem:s14], [sflag:$0x1] =	stream.indirect_vreg.gather [hbm:s4], $0x80, v0, vm0, $0x38;
	[tilespmem:$0xC990] =	vst v63  }
0x3c: {  	s18 =	sshrl.u32 s17, $0x2;
	s20 =	sadd.s32 $0x10, s16;
	s15 =	sadd.s32 $0x400, s14  }
0x3d: {  	[tilespmem:s15], [sflag:$0x1] =	stream.indirect_vreg.gather [hbm:s4], $0x80, v0, vm1, $0x38;
	[tilespmem:$0xC990] =	vst v63  }
0x3e: {  	s17 =	sshrl.u32 s19, $0x2;
	s19 =	smov.u32 s14;
	v0 =	vld.msk [tilespmem:s20+$0x0 ss:$0x1], $0xffff;
	s20 =	simm.s32 $0x80  }
.LBB2_3:
0x3f: {  	p1 =	sne.s32 s20, $0x2C0;
	_ =	sdelay $0x4  }
0x40: {  	vm2 =	vgt.s32 v0, $0x0  }
0x41: {  	v0 =	vnsel vm2, $0x0, v0  }
0x42: {  	v0 =	vmin.u32 v0, $0x2FFF  }
0x43: {  	v0 =	vshll.u32 v0, $0x4;
	_ =	sdelay $0x3  }
.Ltmp3:
0x44: {  	s21 =	sshra.s32 s20, $0x2;
	s19 =	sadd.s32 $0x800, s19;
	(pc) =	sbr.rel @p1 .LBB2_3-.Ltmp3, $4  }
0x45: {  	[tilespmem:s19], [sflag:$0x1] =	stream.indirect_vreg.gather [hbm:s4], $0x80, v0, vm0, $0x38;
	[tilespmem:$0xC990] =	vst v63  }
0x46: {  	s21 =	sadd.s32 s21, s16;
	s22 =	sadd.s32 $0x400, s19  }
0x47: {  	[tilespmem:s22], [sflag:$0x1] =	stream.indirect_vreg.gather [hbm:s4], $0x80, v0, vm1, $0x38;
	[tilespmem:$0xC990] =	vst v63  }
0x48: {  	s20 =	sadd.s32 $0x40, s20;
	v0 =	vld.msk [tilespmem:s21+$0x0 ss:$0x1], $0xffff  }
0x49: {  	_ =	sdelay $0x3  }
0x4a: {  	vm2 =	vgt.s32 v0, $0x0  }
0x4b: {  	v0 =	vnsel vm2, $0x0, v0  }
0x4c: {  	v0 =	vmin.u32 v0, $0x2FFF  }
0x4d: {  	v0 =	vshll.u32 v0, $0x4;
	_ =	sdelay $0x3  }
0x4e: {  	s16 =	sadd.s32 $0x800, s19  }
0x4f: {  	[tilespmem:s16], [sflag:$0x1] =	stream.indirect_vreg.gather [hbm:s4], $0x80, v0, vm0, $0x38;
	[tilespmem:$0xC990] =	vst v63  }
0x50: {  	s16 =	sadd.s32 $0x400, s16  }
0x51: {  	[tilespmem:s16], [sflag:$0x1] =	stream.indirect_vreg.gather [hbm:s4], $0x80, v0, vm1, $0x38;
	[tilespmem:$0xC990] =	vst v63  }
0x52: {  	v0 =	vld.msk [tilespmem:s18+$0xC0 ss:$0x1], $0xff;
	_ =	sdelay $0x4  }
0x53: {  	vm2 =	vgt.s32 v0, $0x0  }
0x54: {  	v0 =	vnsel vm2, $0x0, v0  }
0x55: {  	v0 =	vmin.u32 v0, $0x2FFF  }
0x56: {  	v0 =	vshll.u32 v0, $0x4;
	_ =	sdelay $0x3  }
0x57: {  	s31 =	sadd.s32 $0x6190, s17  }
0x58: {  	[tilespmem:s31], [sflag:$0x1] =	stream.indirect_vreg.gather [hbm:s4], $0x80, v0, vm0, $0x38;
	[tilespmem:$0xC990] =	vst v63  }
0x59: {  	s13 =	sshll.u32 s13, $0x4;
	_ =	swait.ge [sflag:s6], $0x6400  }
0x5a: {  	s13 =	sadd.s32 s13, s9;
	[sflag:s6] =	ssyncset.done $0x0  }
0x5b: {  	s17 =	sadd.s32 $0x0, s13;
	s16 =	simm.s32 $0x80;
	[sflag:s6] =	ssyncadd.s32 $0xFFFF9C00  }
.LBB2_5:
0x5c: {  	[hbm:s17] =	stream.linear.scatter [tilespmem:s14], [sflag:$0x3], $0x400, $0x38;
	[tilespmem:$0xC990] =	vst v63  }
0x5d: {  	s17 =	smov.u32 s16;
	s14 =	smov.u32 s15;
	p1 =	sne.s32 s16, $0xC00  }
.Ltmp4:
0x5e: {  	s16 =	sadd.s32 $0x80, s16;
	(pc) =	sbr.rel @p1 .LBB2_5-.Ltmp4, $2  }
0x5f: {  	_ =	sdelay $0x2  }
0x60: {  	s15 =	sadd.s32 $0x400, s15;
	s17 =	sadd.s32 s17, s13  }
.Ltmp5:
0x61: {  	_ = 	snop;
	(pc) =	sbr.rel .LBB2_6-.Ltmp5, $1  }
0x62: {  	_ =	sdelay $0x3  }
.LBB2_8:
0x63: {  	_ =	sfence.sel $0x180000  }
0x64: {  	s1 =	simm.s32 $0x2;
	[bflag:$0x0] =	sbarrier.arrive $0xFFFF  }
0x65: {  	s30 =	simm.s32 $0x3;
	[sflag:s1] =	ssyncpa.u1 $0x1  }
0x66: {  	s31 =	simm.s32 $0x1;
	[sflag:s30] =	ssyncpa.u1 $0x1  }
0x67: {  	[sflag:s31] =	ssyncpa.u1 $0x1  }
0x68: {  	p0 =	sne.s32 s0, $0x0;
	_ =	strace $0x90000050  }
0x69: {  	s0 =	sadd.s32 @!p0 $0x100000, s2;
	[bflag:$0x2] =	sbarrier.arrive $0xFFFF  }
0x6a: {  	[sflag:s0] =	ssyncadd.tile.s32 @!p0 $0x1;
	_ =	shalt  }
.Lfunc_end2:
_tile_overlayer_lowered:
.L_overlay_start_2:
0x6b: {  	(tag) =	ssettag $0x2  }
0x6c: {  	s0 =	rddreg [dreg:$0x0];
	s2 =	stileid.u32  }
0x6d: {  	s1 =	rddreg [dreg:$0x1];
	p0 =	sne.s32 s2, $0x0  }
0x6e: {  	s3 =	rddreg [dreg:$0x2];
	[bflag:$0x3] =	sbarrier.arrive $0xFFFF;
	s2 =	simm.s32 @!p0 $0x1C01  }
0x6f: {  	[timem:s3], [sflag:s2] =	dma.local @!p0 [hbm:s0], s1  }
0x70: {  	s0 =	simm.s32 @!p0 $0x1  }
0x71: {  	_ =	swait.ge @!p0 [sflag:s0], s1  }
0x72: {  	s1 =	ssub.s32 @!p0 $0x0, s1;
	[sflag:s0] =	ssyncset.done @!p0 $0x0  }
0x73: {  	[sflag:s0] =	ssyncadd.s32 @!p0 s1  }
0x74: {  	[bflag:$0x3] =	sbarrier.arrive $0xFFFF  }
0x75: {  	_ =	shalt  }

// kernel: gather_offload_async_start.2
scs
__scs_entry_jumppad:
0x0: {  	(pc) =	sbr.rel $0x88, $3  }
0x1: {  	(tag) =	ssettag $0x0;
	lr =	simm.s32 $0x1  }
0x2: {  	[smem:$0x3F96] =	sst lr;
	_ =	strace $0xD0000000  }
0x3: {  	_ = 	snop  }
0x4: {  	_ = 	snop  }
0x5: {  	_ = 	snop  }
0x6: {  	_ = 	snop  }
0x7: {  	_ = 	snop  }
__scs_overlays_trampoline_lowered:
0x8: {  	[smem:$0x3FA5] =	sst s0  }
0x9: {  	[smem:$0x3FA6] =	sst s1  }
0xa: {  	[smem:$0x3FA7] =	sst s2  }
0xb: {  	[smem:$0x3FA8] =	sst s3  }
0xc: {  	[smem:$0x3FA9] =	sst s4  }
0xd: {  	[smem:$0x3FAA] =	sst s5  }
0xe: {  	[smem:$0x3FAB] =	sst s6  }
0xf: {  	[smem:$0x3FAC] =	sst s7  }
0x10: {  	[smem:$0x3FAD] =	sst s8  }
0x11: {  	[smem:$0x3FAE] =	sst s9;
	s0 =	simm.s32 @!p0 $0x0  }
0x12: {  	s1 =	sld [smem:$0x3F94];
	s0 =	simm.s32 @p0 $0x1  }
0x13: {  	[smem:$0x3FAF] =	sst s0;
	s0 =	simm.s32 @!p1 $0x0  }
0x14: {  	s2 =	sld [smem:$0x3F93];
	s0 =	simm.s32 @p1 $0x1  }
0x15: {  	[smem:$0x3FB0] =	sst s0;
	s0 =	simm.s32 @!p2 $0x0  }
0x16: {  	s3 =	sld [smem:$0x3FDB];
	s0 =	simm.s32 @p2 $0x1  }
0x17: {  	s4 =	simm.s32 $0x1BF5;
	[smem:$0x3FB2] =	sst s0  }
0x18: {  	s0 =	sld [smem:$0x3F95];
	_ =	swait.ge [sflag:s4], $0x0  }
0x19: {  	s7 =	sld [smem:$0x3F96]  }
0x1a: {  	s8 =	sadd.s32 $0xFFFFE003, lr  }
0x1b: {  	s9 =	sadd.s32 $0xFFFFFEF7, lr;
	s5 =	simm.s32 $0xFFFFFFFF;
	p2 =	slt.u32 s8, $0xFFFFF086  }
0x1c: {  	p1 =	slt.u32 s9, $0xF7A;
	s5 =	simm.s32 @!p2 $0x0  }
0x1d: {  	s5 =	simm.s32 @p1 $0x1;
	p0 =	seq.s32 s7, s2  }
0x1e: {  	s7 =	smul.u32 @!p0 $0xF7A, s2;
	p2 =	seq.s32 @!p0 s5, $0x0  }
0x1f: {  	s9 =	smul.u32 $0xF7A, s1;
	s8 =	simm.s32 @!p0 $0x1BF5;
	p2 =	por !p2, p0  }
0x20: {  	[sflag:s8] =	ssyncset.s32 @!p0 $0xFFFFF086;
	s6 =	sadd.s32 @!p0 s3, s7;
	s7 =	simm.s32 @!p0 $0x108  }
0x21: {  	s3 =	sadd.s32 s3, s9;
	s6 =	sadd.s32 @!p0 $0x88, s6;
	s7 =	simm.s32 @p2 $0x1082  }
0x22: {  	[simem:s7], [sflag:s8] =	dma.local @!p0 [hbm:s6], $0xF7A  }
0x23: {  	s9 =	sor.u32 $0xD0000000, s2;
	s6 =	simm.s32 $0x108;
	_ =	swait.ge @!p0 [sflag:s8], $0x0  }
0x24: {  	s3 =	sadd.s32 $0x88, s3;
	s6 =	simm.s32 @!p1 $0x1082;
	[sflag:s4] =	ssyncset.s32 $0xFFFFF086  }
0x25: {  	[simem:s6], [sflag:s4] =	dma.local [hbm:s3], $0xF7A  }
0x26: {  	[smem:$0x3F96] =	sst s1;
	(tag) =	ssettag s2;
	_ =	strace s9  }
0x27: {  	s1 =	sld [smem:$0x3FA6]  }
0x28: {  	s2 =	sld [smem:$0x3FA7]  }
0x29: {  	s4 =	sld [smem:$0x3FA9]  }
0x2a: {  	p0 =	seq.s32 s5, $0x0;
	s5 =	sld [smem:$0x3FAA]  }
0x2b: {  	s6 =	sld [smem:$0x3FAB]  }
0x2c: {  	s7 =	sld [smem:$0x3FAC]  }
0x2d: {  	s3 =	simm.s32 $0x108;
	s8 =	sld [smem:$0x3FAD]  }
0x2e: {  	s3 =	simm.s32 @!p0 $0x1082;
	s9 =	sld [smem:$0x3FAE]  }
0x2f: {  	lr =	sadd.s32 s0, s3;
	s0 =	sld [smem:$0x3FA5]  }
0x30: {  	s3 =	sld [smem:$0x3FA8]  }
0x31: {  	[smem:$0x3FB1] =	sst s10  }
0x32: {  	s10 =	sld [smem:$0x3FAF];
	_ =	sdelay $0x3  }
0x33: {  	p0 =	seq.s32 s10, $0x1;
	s10 =	sld [smem:$0x3FB1];
	_ =	sdelay $0x3  }
0x34: {  	[smem:$0x3FB1] =	sst s10  }
0x35: {  	s10 =	sld [smem:$0x3FB0];
	_ =	sdelay $0x3  }
0x36: {  	p1 =	seq.s32 s10, $0x1;
	s10 =	sld [smem:$0x3FB1];
	_ =	sdelay $0x3  }
0x37: {  	[smem:$0x3FB1] =	sst s10  }
0x38: {  	s10 =	sld [smem:$0x3FB2]  }
0x39: {  	_ = 	snop;
	(pc) =	sbr.ind lr, $3  }
0x3a: {  	_ = 	snop  }
0x3b: {  	_ = 	snop  }
0x3c: {  	p2 =	seq.s32 s10, $0x1;
	s10 =	sld [smem:$0x3FB1]  }
0x3d: {  	_ =	shalt  }
0x3e: {  	_ =	shalt  }
0x3f: {  	_ =	shalt  }
0x40: {  	_ =	shalt  }
0x41: {  	_ =	shalt  }
0x42: {  	_ =	shalt  }
0x43: {  	_ =	shalt  }
0x44: {  	_ =	shalt  }
0x45: {  	_ =	shalt  }
0x46: {  	_ =	shalt  }
0x47: {  	_ =	shalt  }
0x48: {  	_ =	shalt  }
0x49: {  	_ =	shalt  }
0x4a: {  	_ =	shalt  }
0x4b: {  	_ =	shalt  }
0x4c: {  	_ =	shalt  }
0x4d: {  	_ =	shalt  }
0x4e: {  	_ =	shalt  }
0x4f: {  	_ =	shalt  }
0x50: {  	_ =	shalt  }
0x51: {  	_ =	shalt  }
0x52: {  	_ =	shalt  }
0x53: {  	_ =	shalt  }
0x54: {  	_ =	shalt  }
0x55: {  	_ =	shalt  }
0x56: {  	_ =	shalt  }
0x57: {  	_ =	shalt  }
0x58: {  	_ =	shalt  }
0x59: {  	_ =	shalt  }
0x5a: {  	_ =	shalt  }
0x5b: {  	_ =	shalt  }
0x5c: {  	_ =	shalt  }
0x5d: {  	_ =	shalt  }
0x5e: {  	_ =	shalt  }
0x5f: {  	_ =	shalt  }
0x60: {  	_ =	shalt  }
0x61: {  	_ =	shalt  }
0x62: {  	_ =	shalt  }
0x63: {  	_ =	shalt  }
0x64: {  	_ =	shalt  }
0x65: {  	_ =	shalt  }
0x66: {  	_ =	shalt  }
0x67: {  	_ =	shalt  }
0x68: {  	_ =	shalt  }
0x69: {  	_ =	shalt  }
0x6a: {  	_ =	shalt  }
0x6b: {  	_ =	shalt  }
0x6c: {  	_ =	shalt  }
0x6d: {  	_ =	shalt  }
0x6e: {  	_ =	shalt  }
0x6f: {  	_ =	shalt  }
0x70: {  	_ =	shalt  }
0x71: {  	_ =	shalt  }
0x72: {  	_ =	shalt  }
0x73: {  	_ =	shalt  }
0x74: {  	_ =	shalt  }
0x75: {  	_ =	shalt  }
0x76: {  	_ =	shalt  }
0x77: {  	_ =	shalt  }
0x78: {  	_ =	shalt  }
0x79: {  	_ =	shalt  }
0x7a: {  	_ =	shalt  }
0x7b: {  	_ =	shalt  }
0x7c: {  	_ =	shalt  }
0x7d: {  	_ =	shalt  }
0x7e: {  	_ =	shalt  }
0x7f: {  	_ =	shalt  }
0x80: {  	_ =	shalt  }
0x81: {  	_ =	shalt  }
0x82: {  	_ =	shalt  }
0x83: {  	_ =	shalt  }
0x84: {  	_ =	shalt  }
0x85: {  	_ =	shalt  }
0x86: {  	_ =	shalt  }
0x87: {  	_ =	shalt  }
.Lfunc_end0:
.L_simem_size_0:
called_computation.2_lowered:
.L_overlay_start_0:
0x88: {  	s2 =	sld [smem:$0x3FD9]  }
0x89: {  	s3 =	sld [smem:$0x3FFE];
	_ =	sdelay $0x1  }
0x8a: {  	s1 =	srdreg.scid  }
0x8b: {  	s0 =	sand.u32 $0x1, s1  }
0x8c: {  	s17 =	sshll.u32 s0, $0xA;
	s2 =	sadd.s32 s3, s2  }
0x8d: {  	s2 =	sadd.s32 s2, s17  }
0x8e: {  	[smem:$0x3FBD] =	sst s2  }
0x8f: {  	_ = 	snop  }
0x90: {  	(tm) =	ssettm $0x1  }
0x91: {  	s18 =	sld [smem:$0x3FFB];
	_ =	sdelay $0x3  }
0x92: {  	_ =	strace s18  }
0x93: {  	s2 =	sld [smem:$0x3FFC];
	_ =	sdelay $0x3  }
0x94: {  	_ =	strace s2  }
0x95: {  	s2 =	sld [smem:$0x3FFD];
	_ =	sdelay $0x3  }
0x96: {  	_ =	strace s2  }
0x97: {  	_ =	strace $0x8FFFFFFF  }
0x98: {  	s19 =	sld [smem:$0x3FDB];
	_ =	sdelay $0x1  }
0x99: {  	s20 =	simm.s32 $_scs_section_size  }
0x9a: {  	s4 =	simm.s32 $_size__tile_overlayer_lowered;
	s5 =	simm.s32 $_tile_overlayer_lowered  }
0x9b: {  	s6 =	simm.s32 $0x1BFF;
	s21 =	sshll.u32 s5, $0x1;
	s3 =	sadd.s32 s20, s19  }
0x9c: {  	s22 =	simm.s32 $0x0;
	s4 =	sshll.u32 s4, $0x1;
	s5 =	sadd.s32 s21, s3  }
0x9d: {  	[timem:s22], [sflag:s6] =	dma.local [hbm:s5], s4  }
0x9e: {  	_ =	swait.ge [sflag:s6], s4  }
0x9f: {  	s4 =	ssub.s32 $0x0, s4;
	[sflag:s6] =	ssyncset.done $0x0  }
0xa0: {  	[sflag:s6] =	ssyncadd.s32 s4;
	_ =	sdelay $0x1  }
0xa1: {  	s23 =	simm.s32 $0x1B8B  }
0xa2: {  	_ =	swait.ge [sflag:s23], $0x1  }
0xa3: {  	[sflag:s23] =	ssyncset.done $0x0  }
0xa4: {  	[sflag:s23] =	ssyncadd.s32 $0xFFFFFFFF  }
0xa5: {  	s4 =	sld [smem:$0x0]  }
0xa6: {  	s5 =	sand.u32 $0xFFFFFFFE, s1  }
0xa7: {  	p0 =	sne.s32 s1, s5  }
0xa8: {  	s5 =	sshll.u32 @p0 s5, $0xE  }
0xa9: {  	s5 =	sadd.s32 @p0 $0x11B8D, s5;
	s6 =	sshll.u32 @p0 s4, $0x11  }
0xaa: {  	s5 =	sor.u32 @p0 s6, s5  }
0xab: {  	[sflag:s5] =	ssyncadd.remote.s32 @p0 $0x1;
	_ =	sdelay $0x1  }
0xac: {  	s5 =	simm.s32 @p0 $0x1B8D  }
0xad: {  	_ =	swait.eq @p0 [sflag:s5], $0x1  }
0xae: {  	[sflag:s5] =	ssyncadd.s32 @p0 $0xFFFFFFFF  }
0xaf: {  	s6 =	sshll.u32 @!p0 s1, $0xE  }
0xb0: {  	s6 =	sor.u32 @!p0 $0x4000, s6;
	s5 =	simm.s32 @!p0 $0x1B8D  }
0xb1: {  	s4 =	sshll.u32 @!p0 s4, $0x11;
	s6 =	sadd.s32 @!p0 $0x11B8D, s6;
	_ =	swait.eq @!p0 [sflag:s5], $0x1  }
0xb2: {  	s4 =	sor.u32 @!p0 s4, s6;
	[sflag:s5] =	ssyncadd.s32 @!p0 $0xFFFFFFFF  }
0xb3: {  	s25 =	simm.s32 $0x1B8E;
	s24 =	sld [smem:$0x3FFE];
	[sflag:s4] =	ssyncadd.remote.s32 @!p0 $0x1  }
0xb4: {  	s26 =	simm.s32 $execute0_lowered;
	[smem:$0x3FD2] =	sst s25  }
0xb5: {  	s5 =	sshll.u32 s26, $0x1;
	_ =	strace $0x80000052;
	[dreg:$0x1] =	wrdreg $0xFFFFFFFF  }
0xb6: {  	s28 =	simm.s32 $_size_execute0_lowered;
	s3 =	sadd.s32 s3, s5;
	[dreg:$0x0] =	wrdreg $0x0  }
0xb7: {  	s5 =	sshll.u32 s28, $0x1;
	[dreg:$0x2] =	wrdreg s3  }
0xb8: {  	[dreg:$0x3] =	wrdreg s5  }
0xb9: {  	[dreg:$0x4] =	wrdreg $0xC0  }
0xba: {  	_ =	task [dreg:s22], $0x5FFFF  }
0xbb: {  	[dreg:$0x1] =	wrdreg $0xFFFFFFFF  }
0xbc: {  	[dreg:$0x0] =	wrdreg $0x60  }
0xbd: {  	[dreg:$0x2] =	wrdreg s24  }
0xbe: {  	[dreg:$0x3] =	wrdreg $0xA  }
0xbf: {  	_ =	task.clear_ibuf [dreg:s22], $0x4FFFF;
	_ =	strace $0x90000052  }
0xc0: {  	s29 =	simm.s32 $0xA;
	_ =	strace $0x80000054  }
0xc1: {  	_ =	swait.ge [sflag:s29], $0x1  }
0xc2: {  	[sflag:s29] =	ssyncadd.s32 $0xFFFFFFFF  }
0xc3: {  	_ =	strace $0x90000054  }
0xc4: {  	_ =	sfence  }
0xc5: {  	s30 =	sld [smem:$0x0];
	_ =	sdelay $0x2  }
0xc6: {  	s31 =	sshll.u32 s1, $0xD;
	s1 =	sshrl.u32 s1, $0x2  }
0xc7: {  	s4 =	sand.u32 $0x4000, s31;
	s1 =	sadd.s32 s1, s30  }
0xc8: {  	s0 =	sor.u32 s4, s0;
	s1 =	sshll.u32 s1, $0x11  }
0xc9: {  	s0 =	sor.u32 s1, s0  }
0xca: {  	s0 =	sadd.s32 $0x8F2B, s0  }
0xcb: {  	[sflag:s0] =	ssyncadd.remote.s32 $0x1  }
0xcc: {  	_ =	sfence.sel $0xFFFF  }
0xcd: {  	[dreg:$0x0] =	wrdreg $0xFFFFFFFF;
	(pc) =	sbr.abs _section_cstart, $3  }
0xce: {  	[dreg:$0x1] =	wrdreg $0xFFFFFFFF  }
0xcf: {  	_ =	task.clear_ibuf [dreg:s22], $0x2FFFF;
	_ =	strace $0x9FFFFFFF  }
0xd0: {  	(tm) =	ssettm $0x7FFFFFFF  }
0xd1: {  	_ =	shalt  }
tec
execute0_lowered:
.L_overlay_start_1:
0x0: {  	(tag) =	ssettag $0x1  }
0x1: {  	s0 =	srdreg.scid  }
0x2: {  	s1 =	sshll.u32 s0, $0x4  }
0x3: {  	s0 =	stileid.u32;
	s1 =	sand.u32 $0x10, s1  }
0x4: {  	s2 =	sor.u32 s0, s1  }
0x5: {  	s1 =	smin.u32 s2, $0x1C  }
0x6: {  	s1 =	sadd.s32 s2, s1  }
0x7: {  	p0 =	slt.u32 s2, $0x1C;
	s2 =	simm.s32 $0x190;
	s1 =	smul.u32 $0xC8, s1  }
0x8: {  	s2 =	simm.s32 @!p0 $0xC8  }
0x9: {  	s2 =	sadd.s32 s2, s1  }
0xa: {  	s3 =	smin.u32 s2, $0x2EE0  }
0xb: {  	s7 =	ssub.s32 s3, s1  }
0xc: {  	p0 =	sgt.s32 s7, $0x0  }
0xd: {  	s7 =	simm.s32 @!p0 $0x0  }
0xe: {  	s31 =	sand.u32 $0xFFF8, s7  }
0xf: {  	s2 =	sshrl.u32 s31, $0x3  }
0x10: {  	s4 =	smul.u32 $0x147B, s2  }
0x11: {  	s9 =	rddreg [dreg:$0x0];
	s6 =	simm.s32 $0x1;
	s11 =	simm.s32 $0x3  }
0x12: {  	s13 =	simm.s32 $0x0;
	s12 =	simm.s32 $0x0;
	s8 =	sshrl.u32 s4, $0x11  }
0x13: {  	s2 =	rddreg [dreg:$0x1];
	_ =	strace $0x80000053;
	s10 =	smul.u32 $0xC8, s8  }
.Ltmp0:
0x14: {  	s5 =	sadd.s32 $0xE200, s9;
	[sflag:s6] =	ssyncpa.u1 $0x0;
	(pc) =	sbr.rel .LBB2_1-.Ltmp0, $4  }
0x15: {  	s4 =	sadd.s32 $0x283400, s9;
	p0 =	sne.s32 s7, s10;
	s10 =	simm.s32 $0x1  }
0x16: {  	s9 =	sadd.s32 $0x1D1000, s9;
	s7 =	simm.s32 $0x2;
	s10 =	simm.s32 @!p0 $0x0  }
0x17: {  	[sflag:s7] =	ssyncpa.u1 $0x0;
	p0 =	por $0x0, $0x0;
	s8 =	sadd.s32 s8, s10  }
0x18: {  	v0 =	vimm.s32 $0x0;
	vm0 =	vmmov $0xff;
	vm1 =	vcmask $0x3F20;
	[sflag:s11] =	ssyncpa.u1 $0x0;
	s11 =	smov.u32 s1;
	s10 =	sadd.s32 $0x1, s8  }
.LBB2_6:
0x19: {  	[hbm:s17] =	stream.linear.scatter [tilespmem:s14], [sflag:$0x3], $0x400, $0x38;
	[tilespmem:$0xC990] =	vst v63  }
.LBB2_7:
0x1a: {  	s13 =	sadd.s32 $0xC8, s11  }
0x1b: {  	s15 =	smov.u32 s1;
	p2 =	slt.s32 s13, s3  }
0x1c: {  	s15 =	smov.u32 @p2 s13;
	p2 =	sne.s32 s12, s10  }
.Ltmp1:
0x1d: {  	p1 =	slt.u32 s12, $0x2;
	(pc) =	sbr.rel @!p2 .LBB2_8-.Ltmp1, $4  }
0x1e: {  	s14 =	simm.s32 @!p1 $0x3  }
0x1f: {  	s16 =	sadd.s32 $0x1, s12;
	_ =	swait.ge @!p1 [sflag:s14], $0x6400  }
0x20: {  	p0 =	por !p0, !p0;
	s13 =	smov.u32 s11;
	[sflag:s14] =	ssyncset.done @!p1 $0x0  }
0x21: {  	s12 =	smov.u32 s16;
	s11 =	smov.u32 s15;
	[sflag:s14] =	ssyncadd.s32 @!p1 $0xFFFF9C00  }
.LBB2_1:
0x22: {  	p1 =	sge.u32 s12, s8  }
0x23: {  	s14 =	sxor.u32 @!p1 $0xFFFFFFFF, s12  }
0x24: {  	s14 =	sand.u32 @!p1 $0x1, s14  }
0x25: {  	s14 =	smul.u32 @!p1 $0x320, s14  }
0x26: {  	s31 =	sadd.s32 $0xFFFFFFFF, s12;
	s15 =	sshrl.u32 @!p1 s11, $0x3  }
0x27: {  	s16 =	sand.u32 @!p1 $0x7, s11;
	s15 =	sadd.s32 @!p1 s5, s15;
	s14 =	sshrl.u32 @!p1 s14, $0x2  }
0x28: {  	[tilespmem:s14], [sflag:$0x2] =	stream.linear.gather @!p1 [hbm4b:s15+s16], $0xC8, $0x38;
	[tilespmem:$0xC990] =	vst v63  }
0x29: {  	p1 =	sge.u32 s31, s8  }
.Ltmp2:
0x2a: {  	_ = 	snop;
	(pc) =	sbr.rel @p1 .LBB2_7-.Ltmp2, $1  }
0x2b: {  	_ =	sdelay $0x3  }
0x2c: {  	s14 =	simm.s32 $0x1  }
0x2d: {  	s14 =	simm.s32 @!p0 $0x0  }
0x2e: {  	s15 =	smul.u32 $0x320, s14  }
0x2f: {  	_ =	swait.ge [sflag:s7], $0xC8  }
0x30: {  	[sflag:s7] =	ssyncset.done $0x0;
	s17 =	sshrl.u32 s15, $0x2  }
0x31: {  	[sflag:s7] =	ssyncadd.s32 $0xFFFFFF38;
	s15 =	sadd.s32 $0x0, s17  }
0x32: {  	v1 =	vld.msk [tilespmem:s15+$0x0 ss:$0x1], $0xffff;
	_ =	sdelay $0x4  }
0x33: {  	v2 =	vand.u32 $0x1, v1;
	v3 =	vshll.u32 v1, $0x6  }
0x34: {  	vm2 =	veq.s32 v1, $0x80000000;
	vm3 =	veq.s32 v2, $0x1;
	v1 =	vand.u32 $0x7FFF80, v3  }
0x35: {  	v2 =	vsel vm3, $0x600000, v0;
	v1 =	vsel vm2, $0xFFFFFF80, v1  }
0x36: {  	v2 =	vsel vm2, $0xFFA00000, v2;
	v3 =	vand.u32 $0xFFFFFC00, v1  }
0x37: {  	v1 =	vand.u32 $0x380, v1;
	v2 =	vadd.s32 v2, v3  }
0x38: {  	v1 =	vor.u32 v1, v2  }
0x39: {  	v1 =	vshrl.u32 v1, $0x3  }
0x3a: {  	s14 =	smul.u32 $0x19000, s14  }
0x3b: {  	s31 =	sand.u32 $0x1, s12  }
0x3c: {  	s16 =	smul.u32 $0x320, s31;
	s14 =	sshrl.u32 s14, $0x2  }
0x3d: {  	s19 =	smul.u32 $0x19000, s31;
	s14 =	sor.u32 $0x190, s14  }
0x3e: {  	[tilespmem:s14], [sflag:$0x1] =	stream.indirect_vreg.gather [hbm:s4], $0x80, v1, vm0, $0x38;
	[tilespmem:$0xC990] =	vst v63  }
0x3f: {  	s18 =	sshrl.u32 s16, $0x2;
	s20 =	sadd.s32 $0x10, s17;
	s15 =	sadd.s32 $0x400, s14  }
0x40: {  	[tilespmem:s15], [sflag:$0x1] =	stream.indirect_vreg.gather [hbm:s4], $0x80, v1, vm1, $0x38;
	[tilespmem:$0xC990] =	vst v63  }
0x41: {  	s16 =	sshrl.u32 s19, $0x2;
	s19 =	smov.u32 s14;
	v1 =	vld.msk [tilespmem:s20+$0x0 ss:$0x1], $0xffff;
	s20 =	simm.s32 $0x80  }
.LBB2_3:
0x42: {  	p1 =	sne.s32 s20, $0x2C0;
	_ =	sdelay $0x4  }
0x43: {  	v2 =	vand.u32 $0x1, v1;
	v3 =	vshll.u32 v1, $0x6  }
0x44: {  	vm2 =	veq.s32 v1, $0x80000000;
	vm3 =	veq.s32 v2, $0x1;
	v1 =	vand.u32 $0x7FFF80, v3  }
0x45: {  	v2 =	vsel vm3, $0x600000, v0;
	v1 =	vsel vm2, $0xFFFFFF80, v1  }
0x46: {  	v2 =	vsel vm2, $0xFFA00000, v2;
	v3 =	vand.u32 $0xFFFFFC00, v1  }
0x47: {  	v1 =	vand.u32 $0x380, v1;
	v2 =	vadd.s32 v2, v3  }
0x48: {  	v1 =	vor.u32 v1, v2  }
0x49: {  	v1 =	vshrl.u32 v1, $0x3;
	_ =	sdelay $0x3  }
.Ltmp3:
0x4a: {  	s21 =	sshra.s32 s20, $0x2;
	s19 =	sadd.s32 $0x800, s19;
	(pc) =	sbr.rel @p1 .LBB2_3-.Ltmp3, $4  }
0x4b: {  	[tilespmem:s19], [sflag:$0x1] =	stream.indirect_vreg.gather [hbm:s4], $0x80, v1, vm0, $0x38;
	[tilespmem:$0xC990] =	vst v63  }
0x4c: {  	s21 =	sadd.s32 s21, s17;
	s22 =	sadd.s32 $0x400, s19  }
0x4d: {  	[tilespmem:s22], [sflag:$0x1] =	stream.indirect_vreg.gather [hbm:s4], $0x80, v1, vm1, $0x38;
	[tilespmem:$0xC990] =	vst v63  }
0x4e: {  	s20 =	sadd.s32 $0x40, s20;
	v1 =	vld.msk [tilespmem:s21+$0x0 ss:$0x1], $0xffff  }
0x4f: {  	_ =	sdelay $0x3  }
0x50: {  	v2 =	vand.u32 $0x1, v1;
	v3 =	vshll.u32 v1, $0x6  }
0x51: {  	vm2 =	veq.s32 v1, $0x80000000;
	vm3 =	veq.s32 v2, $0x1;
	v1 =	vand.u32 $0x7FFF80, v3  }
0x52: {  	v2 =	vsel vm3, $0x600000, v0;
	v1 =	vsel vm2, $0xFFFFFF80, v1  }
0x53: {  	v2 =	vsel vm2, $0xFFA00000, v2;
	v3 =	vand.u32 $0xFFFFFC00, v1  }
0x54: {  	v1 =	vand.u32 $0x380, v1;
	v2 =	vadd.s32 v2, v3  }
0x55: {  	v1 =	vor.u32 v1, v2  }
0x56: {  	v1 =	vshrl.u32 v1, $0x3;
	_ =	sdelay $0x3  }
0x57: {  	s17 =	sadd.s32 $0x800, s19  }
0x58: {  	[tilespmem:s17], [sflag:$0x1] =	stream.indirect_vreg.gather [hbm:s4], $0x80, v1, vm0, $0x38;
	[tilespmem:$0xC990] =	vst v63  }
0x59: {  	s17 =	sadd.s32 $0x400, s17  }
0x5a: {  	[tilespmem:s17], [sflag:$0x1] =	stream.indirect_vreg.gather [hbm:s4], $0x80, v1, vm1, $0x38;
	[tilespmem:$0xC990] =	vst v63  }
0x5b: {  	v1 =	vld.msk [tilespmem:s18+$0xC0 ss:$0x1], $0xff;
	_ =	sdelay $0x4  }
0x5c: {  	v2 =	vand.u32 $0x1, v1;
	v3 =	vshll.u32 v1, $0x6  }
0x5d: {  	vm2 =	veq.s32 v1, $0x80000000;
	vm3 =	veq.s32 v2, $0x1;
	v1 =	vand.u32 $0x7FFF80, v3  }
0x5e: {  	v2 =	vsel vm3, $0x600000, v0;
	v1 =	vsel vm2, $0xFFFFFF80, v1  }
0x5f: {  	v2 =	vsel vm2, $0xFFA00000, v2;
	v3 =	vand.u32 $0xFFFFFC00, v1  }
0x60: {  	v1 =	vand.u32 $0x380, v1;
	v2 =	vadd.s32 v2, v3  }
0x61: {  	v1 =	vor.u32 v1, v2  }
0x62: {  	v1 =	vshrl.u32 v1, $0x3;
	_ =	sdelay $0x3  }
0x63: {  	s16 =	sadd.s32 $0x6190, s16  }
0x64: {  	[tilespmem:s16], [sflag:$0x1] =	stream.indirect_vreg.gather [hbm:s4], $0x80, v1, vm0, $0x38;
	[tilespmem:$0xC990] =	vst v63  }
0x65: {  	s13 =	sshll.u32 s13, $0x4;
	_ =	swait.ge [sflag:s6], $0x6400  }
0x66: {  	s13 =	sadd.s32 s13, s9;
	[sflag:s6] =	ssyncset.done $0x0  }
0x67: {  	s17 =	sadd.s32 $0x0, s13;
	s16 =	simm.s32 $0x80;
	[sflag:s6] =	ssyncadd.s32 $0xFFFF9C00  }
.LBB2_5:
0x68: {  	[hbm:s17] =	stream.linear.scatter [tilespmem:s14], [sflag:$0x3], $0x400, $0x38;
	[tilespmem:$0xC990] =	vst v63  }
0x69: {  	s17 =	smov.u32 s16;
	s14 =	smov.u32 s15;
	p1 =	sne.s32 s16, $0xC00  }
.Ltmp4:
0x6a: {  	s16 =	sadd.s32 $0x80, s16;
	(pc) =	sbr.rel @p1 .LBB2_5-.Ltmp4, $2  }
0x6b: {  	_ =	sdelay $0x2  }
0x6c: {  	s15 =	sadd.s32 $0x400, s15;
	s17 =	sadd.s32 s17, s13  }
.Ltmp5:
0x6d: {  	_ = 	snop;
	(pc) =	sbr.rel .LBB2_6-.Ltmp5, $1  }
0x6e: {  	_ =	sdelay $0x3  }
.LBB2_8:
0x6f: {  	_ =	sfence.sel $0x180000  }
0x70: {  	s1 =	simm.s32 $0x2;
	[bflag:$0x0] =	sbarrier.arrive $0xFFFF  }
0x71: {  	s30 =	simm.s32 $0x3;
	[sflag:s1] =	ssyncpa.u1 $0x1  }
0x72: {  	s31 =	simm.s32 $0x1;
	[sflag:s30] =	ssyncpa.u1 $0x1  }
0x73: {  	[sflag:s31] =	ssyncpa.u1 $0x1  }
0x74: {  	p0 =	sne.s32 s0, $0x0;
	_ =	strace $0x90000053  }
0x75: {  	s0 =	sadd.s32 @!p0 $0x100000, s2;
	[bflag:$0x2] =	sbarrier.arrive $0xFFFF  }
0x76: {  	[sflag:s0] =	ssyncadd.tile.s32 @!p0 $0x1;
	_ =	shalt  }
.Lfunc_end2:
_tile_overlayer_lowered:
.L_overlay_start_2:
0x77: {  	(tag) =	ssettag $0x2  }
0x78: {  	s0 =	rddreg [dreg:$0x0];
	s2 =	stileid.u32  }
0x79: {  	s1 =	rddreg [dreg:$0x1];
	p0 =	sne.s32 s2, $0x0  }
0x7a: {  	s3 =	rddreg [dreg:$0x2];
	[bflag:$0x3] =	sbarrier.arrive $0xFFFF;
	s2 =	simm.s32 @!p0 $0x1C01  }
0x7b: {  	[timem:s3], [sflag:s2] =	dma.local @!p0 [hbm:s0], s1  }
0x7c: {  	s0 =	simm.s32 @!p0 $0x1  }
0x7d: {  	_ =	swait.ge @!p0 [sflag:s0], s1  }
0x7e: {  	s1 =	ssub.s32 @!p0 $0x0, s1;
	[sflag:s0] =	ssyncset.done @!p0 $0x0  }
0x7f: {  	[sflag:s0] =	ssyncadd.s32 @!p0 s1  }
0x80: {  	[bflag:$0x3] =	sbarrier.arrive $0xFFFF  }
0x81: {  	_ =	shalt  }

// kernel: gather_offload_async_start.3
scs
__scs_entry_jumppad:
0x0: {  	(pc) =	sbr.rel $0x88, $3  }
0x1: {  	(tag) =	ssettag $0x0;
	lr =	simm.s32 $0x1  }
0x2: {  	[smem:$0x3F96] =	sst lr;
	_ =	strace $0xD0000000  }
0x3: {  	_ = 	snop  }
0x4: {  	_ = 	snop  }
0x5: {  	_ = 	snop  }
0x6: {  	_ = 	snop  }
0x7: {  	_ = 	snop  }
__scs_overlays_trampoline_lowered:
0x8: {  	[smem:$0x3FA5] =	sst s0  }
0x9: {  	[smem:$0x3FA6] =	sst s1  }
0xa: {  	[smem:$0x3FA7] =	sst s2  }
0xb: {  	[smem:$0x3FA8] =	sst s3  }
0xc: {  	[smem:$0x3FA9] =	sst s4  }
0xd: {  	[smem:$0x3FAA] =	sst s5  }
0xe: {  	[smem:$0x3FAB] =	sst s6  }
0xf: {  	[smem:$0x3FAC] =	sst s7  }
0x10: {  	[smem:$0x3FAD] =	sst s8  }
0x11: {  	[smem:$0x3FAE] =	sst s9;
	s0 =	simm.s32 @!p0 $0x0  }
0x12: {  	s1 =	sld [smem:$0x3F94];
	s0 =	simm.s32 @p0 $0x1  }
0x13: {  	[smem:$0x3FAF] =	sst s0;
	s0 =	simm.s32 @!p1 $0x0  }
0x14: {  	s2 =	sld [smem:$0x3F93];
	s0 =	simm.s32 @p1 $0x1  }
0x15: {  	[smem:$0x3FB0] =	sst s0;
	s0 =	simm.s32 @!p2 $0x0  }
0x16: {  	s3 =	sld [smem:$0x3FDB];
	s0 =	simm.s32 @p2 $0x1  }
0x17: {  	s4 =	simm.s32 $0x1BF5;
	[smem:$0x3FB2] =	sst s0  }
0x18: {  	s0 =	sld [smem:$0x3F95];
	_ =	swait.ge [sflag:s4], $0x0  }
0x19: {  	s7 =	sld [smem:$0x3F96]  }
0x1a: {  	s8 =	sadd.s32 $0xFFFFE003, lr  }
0x1b: {  	s9 =	sadd.s32 $0xFFFFFEF7, lr;
	s5 =	simm.s32 $0xFFFFFFFF;
	p2 =	slt.u32 s8, $0xFFFFF086  }
0x1c: {  	p1 =	slt.u32 s9, $0xF7A;
	s5 =	simm.s32 @!p2 $0x0  }
0x1d: {  	s5 =	simm.s32 @p1 $0x1;
	p0 =	seq.s32 s7, s2  }
0x1e: {  	s7 =	smul.u32 @!p0 $0xF7A, s2;
	p2 =	seq.s32 @!p0 s5, $0x0  }
0x1f: {  	s9 =	smul.u32 $0xF7A, s1;
	s8 =	simm.s32 @!p0 $0x1BF5;
	p2 =	por !p2, p0  }
0x20: {  	[sflag:s8] =	ssyncset.s32 @!p0 $0xFFFFF086;
	s6 =	sadd.s32 @!p0 s3, s7;
	s7 =	simm.s32 @!p0 $0x108  }
0x21: {  	s3 =	sadd.s32 s3, s9;
	s6 =	sadd.s32 @!p0 $0x88, s6;
	s7 =	simm.s32 @p2 $0x1082  }
0x22: {  	[simem:s7], [sflag:s8] =	dma.local @!p0 [hbm:s6], $0xF7A  }
0x23: {  	s9 =	sor.u32 $0xD0000000, s2;
	s6 =	simm.s32 $0x108;
	_ =	swait.ge @!p0 [sflag:s8], $0x0  }
0x24: {  	s3 =	sadd.s32 $0x88, s3;
	s6 =	simm.s32 @!p1 $0x1082;
	[sflag:s4] =	ssyncset.s32 $0xFFFFF086  }
0x25: {  	[simem:s6], [sflag:s4] =	dma.local [hbm:s3], $0xF7A  }
0x26: {  	[smem:$0x3F96] =	sst s1;
	(tag) =	ssettag s2;
	_ =	strace s9  }
0x27: {  	s1 =	sld [smem:$0x3FA6]  }
0x28: {  	s2 =	sld [smem:$0x3FA7]  }
0x29: {  	s4 =	sld [smem:$0x3FA9]  }
0x2a: {  	p0 =	seq.s32 s5, $0x0;
	s5 =	sld [smem:$0x3FAA]  }
0x2b: {  	s6 =	sld [smem:$0x3FAB]  }
0x2c: {  	s7 =	sld [smem:$0x3FAC]  }
0x2d: {  	s3 =	simm.s32 $0x108;
	s8 =	sld [smem:$0x3FAD]  }
0x2e: {  	s3 =	simm.s32 @!p0 $0x1082;
	s9 =	sld [smem:$0x3FAE]  }
0x2f: {  	lr =	sadd.s32 s0, s3;
	s0 =	sld [smem:$0x3FA5]  }
0x30: {  	s3 =	sld [smem:$0x3FA8]  }
0x31: {  	[smem:$0x3FB1] =	sst s10  }
0x32: {  	s10 =	sld [smem:$0x3FAF];
	_ =	sdelay $0x3  }
0x33: {  	p0 =	seq.s32 s10, $0x1;
	s10 =	sld [smem:$0x3FB1];
	_ =	sdelay $0x3  }
0x34: {  	[smem:$0x3FB1] =	sst s10  }
0x35: {  	s10 =	sld [smem:$0x3FB0];
	_ =	sdelay $0x3  }
0x36: {  	p1 =	seq.s32 s10, $0x1;
	s10 =	sld [smem:$0x3FB1];
	_ =	sdelay $0x3  }
0x37: {  	[smem:$0x3FB1] =	sst s10  }
0x38: {  	s10 =	sld [smem:$0x3FB2]  }
0x39: {  	_ = 	snop;
	(pc) =	sbr.ind lr, $3  }
0x3a: {  	_ = 	snop  }
0x3b: {  	_ = 	snop  }
0x3c: {  	p2 =	seq.s32 s10, $0x1;
	s10 =	sld [smem:$0x3FB1]  }
0x3d: {  	_ =	shalt  }
0x3e: {  	_ =	shalt  }
0x3f: {  	_ =	shalt  }
0x40: {  	_ =	shalt  }
0x41: {  	_ =	shalt  }
0x42: {  	_ =	shalt  }
0x43: {  	_ =	shalt  }
0x44: {  	_ =	shalt  }
0x45: {  	_ =	shalt  }
0x46: {  	_ =	shalt  }
0x47: {  	_ =	shalt  }
0x48: {  	_ =	shalt  }
0x49: {  	_ =	shalt  }
0x4a: {  	_ =	shalt  }
0x4b: {  	_ =	shalt  }
0x4c: {  	_ =	shalt  }
0x4d: {  	_ =	shalt  }
0x4e: {  	_ =	shalt  }
0x4f: {  	_ =	shalt  }
0x50: {  	_ =	shalt  }
0x51: {  	_ =	shalt  }
0x52: {  	_ =	shalt  }
0x53: {  	_ =	shalt  }
0x54: {  	_ =	shalt  }
0x55: {  	_ =	shalt  }
0x56: {  	_ =	shalt  }
0x57: {  	_ =	shalt  }
0x58: {  	_ =	shalt  }
0x59: {  	_ =	shalt  }
0x5a: {  	_ =	shalt  }
0x5b: {  	_ =	shalt  }
0x5c: {  	_ =	shalt  }
0x5d: {  	_ =	shalt  }
0x5e: {  	_ =	shalt  }
0x5f: {  	_ =	shalt  }
0x60: {  	_ =	shalt  }
0x61: {  	_ =	shalt  }
0x62: {  	_ =	shalt  }
0x63: {  	_ =	shalt  }
0x64: {  	_ =	shalt  }
0x65: {  	_ =	shalt  }
0x66: {  	_ =	shalt  }
0x67: {  	_ =	shalt  }
0x68: {  	_ =	shalt  }
0x69: {  	_ =	shalt  }
0x6a: {  	_ =	shalt  }
0x6b: {  	_ =	shalt  }
0x6c: {  	_ =	shalt  }
0x6d: {  	_ =	shalt  }
0x6e: {  	_ =	shalt  }
0x6f: {  	_ =	shalt  }
0x70: {  	_ =	shalt  }
0x71: {  	_ =	shalt  }
0x72: {  	_ =	shalt  }
0x73: {  	_ =	shalt  }
0x74: {  	_ =	shalt  }
0x75: {  	_ =	shalt  }
0x76: {  	_ =	shalt  }
0x77: {  	_ =	shalt  }
0x78: {  	_ =	shalt  }
0x79: {  	_ =	shalt  }
0x7a: {  	_ =	shalt  }
0x7b: {  	_ =	shalt  }
0x7c: {  	_ =	shalt  }
0x7d: {  	_ =	shalt  }
0x7e: {  	_ =	shalt  }
0x7f: {  	_ =	shalt  }
0x80: {  	_ =	shalt  }
0x81: {  	_ =	shalt  }
0x82: {  	_ =	shalt  }
0x83: {  	_ =	shalt  }
0x84: {  	_ =	shalt  }
0x85: {  	_ =	shalt  }
0x86: {  	_ =	shalt  }
0x87: {  	_ =	shalt  }
.Lfunc_end0:
.L_simem_size_0:
called_computation.3_lowered:
.L_overlay_start_0:
0x88: {  	s2 =	sld [smem:$0x3FD9]  }
0x89: {  	s3 =	sld [smem:$0x3FFE];
	_ =	sdelay $0x1  }
0x8a: {  	s1 =	srdreg.scid  }
0x8b: {  	s0 =	sand.u32 $0x1, s1  }
0x8c: {  	s16 =	sshll.u32 s0, $0xA;
	s2 =	sadd.s32 s3, s2  }
0x8d: {  	s2 =	sadd.s32 s2, s16  }
0x8e: {  	[smem:$0x3FBD] =	sst s2  }
0x8f: {  	_ = 	snop  }
0x90: {  	(tm) =	ssettm $0x1  }
0x91: {  	s17 =	sld [smem:$0x3FFB];
	_ =	sdelay $0x3  }
0x92: {  	_ =	strace s17  }
0x93: {  	s2 =	sld [smem:$0x3FFC];
	_ =	sdelay $0x3  }
0x94: {  	_ =	strace s2  }
0x95: {  	s2 =	sld [smem:$0x3FFD];
	_ =	sdelay $0x3  }
0x96: {  	_ =	strace s2  }
0x97: {  	_ =	strace $0x8FFFFFFF  }
0x98: {  	s18 =	sld [smem:$0x3FDB];
	_ =	sdelay $0x1  }
0x99: {  	s19 =	simm.s32 $_scs_section_size  }
0x9a: {  	s4 =	simm.s32 $_size__tile_overlayer_lowered;
	s5 =	simm.s32 $_tile_overlayer_lowered  }
0x9b: {  	s22 =	simm.s32 $0x1BFF;
	s21 =	sshll.u32 s5, $0x1;
	s2 =	sadd.s32 s19, s18  }
0x9c: {  	s6 =	simm.s32 $0x0;
	s20 =	sshll.u32 s4, $0x1;
	s4 =	sadd.s32 s21, s2  }
0x9d: {  	[timem:s6], [sflag:s22] =	dma.local [hbm:s4], s20  }
0x9e: {  	_ =	swait.ge [sflag:s22], s20  }
0x9f: {  	s3 =	ssub.s32 $0x0, s20;
	[sflag:s22] =	ssyncset.done $0x0  }
0xa0: {  	[sflag:s22] =	ssyncadd.s32 s3;
	_ =	sdelay $0x1  }
0xa1: {  	s23 =	simm.s32 $0x1B8B  }
0xa2: {  	_ =	swait.ge [sflag:s23], $0x1  }
0xa3: {  	[sflag:s23] =	ssyncset.done $0x0  }
0xa4: {  	s25 =	simm.s32 $0x1B8E;
	s24 =	sld [smem:$0x3FFE];
	[sflag:s23] =	ssyncadd.s32 $0xFFFFFFFF  }
0xa5: {  	s26 =	simm.s32 $execute0_lowered;
	[smem:$0x3FD2] =	sst s25  }
0xa6: {  	s4 =	sshll.u32 s26, $0x1;
	_ =	strace $0x80000055;
	[dreg:$0x1] =	wrdreg $0xFFFFFFFF  }
0xa7: {  	s28 =	simm.s32 $_size_execute0_lowered;
	s2 =	sadd.s32 s2, s4;
	[dreg:$0x0] =	wrdreg $0x0  }
0xa8: {  	s4 =	sshll.u32 s28, $0x1;
	[dreg:$0x2] =	wrdreg s2  }
0xa9: {  	[dreg:$0x3] =	wrdreg s4  }
0xaa: {  	[dreg:$0x4] =	wrdreg $0xC0  }
0xab: {  	_ =	task [dreg:s6], $0x5FFFF  }
0xac: {  	[dreg:$0x1] =	wrdreg $0xFFFFFFFF  }
0xad: {  	[dreg:$0x0] =	wrdreg $0x60  }
0xae: {  	[dreg:$0x2] =	wrdreg s24  }
0xaf: {  	[dreg:$0x3] =	wrdreg $0x9  }
0xb0: {  	_ =	task.clear_ibuf [dreg:s6], $0x4FFFF;
	_ =	strace $0x90000055  }
0xb1: {  	s29 =	simm.s32 $0x9;
	_ =	strace $0x80000057  }
0xb2: {  	_ =	swait.ge [sflag:s29], $0x1  }
0xb3: {  	[sflag:s29] =	ssyncadd.s32 $0xFFFFFFFF  }
0xb4: {  	_ =	strace $0x90000057  }
0xb5: {  	_ =	sfence  }
0xb6: {  	s30 =	sld [smem:$0x0];
	_ =	sdelay $0x2  }
0xb7: {  	s31 =	sshll.u32 s1, $0xD;
	s1 =	sshrl.u32 s1, $0x2  }
0xb8: {  	s3 =	sand.u32 $0x4000, s31;
	s1 =	sadd.s32 s1, s30  }
0xb9: {  	s0 =	sor.u32 s3, s0;
	s1 =	sshll.u32 s1, $0x11  }
0xba: {  	s0 =	sor.u32 s1, s0  }
0xbb: {  	s0 =	sadd.s32 $0x8F2B, s0  }
0xbc: {  	[sflag:s0] =	ssyncadd.remote.s32 $0x1  }
0xbd: {  	_ =	sfence.sel $0xFFFF  }
0xbe: {  	[dreg:$0x0] =	wrdreg $0xFFFFFFFF;
	(pc) =	sbr.abs _section_cstart, $3  }
0xbf: {  	[dreg:$0x1] =	wrdreg $0xFFFFFFFF  }
0xc0: {  	_ =	task.clear_ibuf [dreg:s6], $0x2FFFF;
	_ =	strace $0x9FFFFFFF  }
0xc1: {  	(tm) =	ssettm $0x7FFFFFFF  }
tec
execute0_lowered:
.L_overlay_start_1:
0x0: {  	(tag) =	ssettag $0x1  }
0x1: {  	s0 =	srdreg.scid  }
0x2: {  	s1 =	sshll.u32 s0, $0x4  }
0x3: {  	s0 =	stileid.u32;
	s1 =	sand.u32 $0x10, s1  }
0x4: {  	s2 =	sor.u32 s0, s1  }
0x5: {  	s1 =	smin.u32 s2, $0x1C  }
0x6: {  	s1 =	sadd.s32 s2, s1  }
0x7: {  	p0 =	slt.u32 s2, $0x1C;
	s2 =	simm.s32 $0x190;
	s1 =	smul.u32 $0xC8, s1  }
0x8: {  	s2 =	simm.s32 @!p0 $0xC8  }
0x9: {  	s2 =	sadd.s32 s2, s1  }
0xa: {  	s3 =	smin.u32 s2, $0x2EE0  }
0xb: {  	s7 =	ssub.s32 s3, s1  }
0xc: {  	p0 =	sgt.s32 s7, $0x0  }
0xd: {  	s7 =	simm.s32 @!p0 $0x0  }
0xe: {  	s31 =	sand.u32 $0xFFF8, s7  }
0xf: {  	s2 =	sshrl.u32 s31, $0x3  }
0x10: {  	s2 =	smul.u32 $0x147B, s2  }
0x11: {  	s9 =	rddreg [dreg:$0x0];
	s6 =	simm.s32 $0x1;
	s11 =	simm.s32 $0x3  }
0x12: {  	s13 =	simm.s32 $0x0;
	s12 =	simm.s32 $0x0;
	s8 =	sshrl.u32 s2, $0x11  }
0x13: {  	s4 =	sadd.s32 $0xEE00, s9;
	s5 =	sadd.s32 $0xE800, s9;
	s10 =	smul.u32 $0xC8, s8  }
.Ltmp0:
0x14: {  	s9 =	sadd.s32 $0x83000, s9;
	s2 =	rddreg [dreg:$0x1];
	(pc) =	sbr.rel .LBB2_1-.Ltmp0, $4  }
0x15: {  	_ =	strace $0x80000056;
	p0 =	sne.s32 s7, s10;
	s10 =	simm.s32 $0x1  }
0x16: {  	[sflag:s6] =	ssyncpa.u1 $0x0;
	s7 =	simm.s32 $0x2;
	s10 =	simm.s32 @!p0 $0x0  }
0x17: {  	[sflag:s7] =	ssyncpa.u1 $0x0;
	p0 =	por $0x0, $0x0;
	s8 =	sadd.s32 s8, s10  }
0x18: {  	v0 =	vimm.s32 $0x0;
	vm0 =	vmmov $0xff;
	vm1 =	vcmask $0x3F20;
	[sflag:s11] =	ssyncpa.u1 $0x0;
	s11 =	smov.u32 s1;
	s10 =	sadd.s32 $0x1, s8  }
.LBB2_6:
0x19: {  	[hbm:s17] =	stream.linear.scatter [tilespmem:s14], [sflag:$0x3], $0x400, $0x38;
	[tilespmem:$0xC990] =	vst v63  }
.LBB2_7:
0x1a: {  	s13 =	sadd.s32 $0xC8, s11  }
0x1b: {  	s15 =	smov.u32 s1;
	p2 =	slt.s32 s13, s3  }
0x1c: {  	s15 =	smov.u32 @p2 s13;
	p2 =	sne.s32 s12, s10  }
.Ltmp1:
0x1d: {  	p1 =	slt.u32 s12, $0x2;
	(pc) =	sbr.rel @!p2 .LBB2_8-.Ltmp1, $4  }
0x1e: {  	s14 =	simm.s32 @!p1 $0x3  }
0x1f: {  	s16 =	sadd.s32 $0x1, s12;
	_ =	swait.ge @!p1 [sflag:s14], $0x6400  }
0x20: {  	p0 =	por !p0, !p0;
	s13 =	smov.u32 s11;
	[sflag:s14] =	ssyncset.done @!p1 $0x0  }
0x21: {  	s12 =	smov.u32 s16;
	s11 =	smov.u32 s15;
	[sflag:s14] =	ssyncadd.s32 @!p1 $0xFFFF9C00  }
.LBB2_1:
0x22: {  	p1 =	sge.u32 s12, s8  }
0x23: {  	s14 =	sxor.u32 @!p1 $0xFFFFFFFF, s12  }
0x24: {  	s14 =	sand.u32 @!p1 $0x1, s14  }
0x25: {  	s14 =	smul.u32 @!p1 $0x320, s14  }
0x26: {  	s31 =	sadd.s32 $0xFFFFFFFF, s12;
	s15 =	sshrl.u32 @!p1 s11, $0x3  }
0x27: {  	s16 =	sand.u32 @!p1 $0x7, s11;
	s15 =	sadd.s32 @!p1 s5, s15;
	s14 =	sshrl.u32 @!p1 s14, $0x2  }
0x28: {  	[tilespmem:s14], [sflag:$0x2] =	stream.linear.gather @!p1 [hbm4b:s15+s16], $0xC8, $0x38;
	[tilespmem:$0xC990] =	vst v63  }
0x29: {  	p1 =	sge.u32 s31, s8  }
.Ltmp2:
0x2a: {  	_ = 	snop;
	(pc) =	sbr.rel @p1 .LBB2_7-.Ltmp2, $1  }
0x2b: {  	_ =	sdelay $0x3  }
0x2c: {  	s14 =	simm.s32 $0x1  }
0x2d: {  	s14 =	simm.s32 @!p0 $0x0  }
0x2e: {  	s15 =	smul.u32 $0x320, s14  }
0x2f: {  	_ =	swait.ge [sflag:s7], $0xC8  }
0x30: {  	[sflag:s7] =	ssyncset.done $0x0;
	s17 =	sshrl.u32 s15, $0x2  }
0x31: {  	[sflag:s7] =	ssyncadd.s32 $0xFFFFFF38;
	s15 =	sadd.s32 $0x0, s17  }
0x32: {  	v1 =	vld.msk [tilespmem:s15+$0x0 ss:$0x1], $0xffff;
	_ =	sdelay $0x4  }
0x33: {  	v2 =	vand.u32 $0x1, v1;
	v3 =	vshll.u32 v1, $0x6  }
0x34: {  	vm2 =	veq.s32 v1, $0x80000000;
	vm3 =	veq.s32 v2, $0x1;
	v1 =	vand.u32 $0x1FFF80, v3  }
0x35: {  	v2 =	vsel vm3, $0x180000, v0;
	v1 =	vsel vm2, $0xFFFFFF80, v1  }
0x36: {  	v2 =	vsel vm2, $0xFFE80000, v2;
	v3 =	vand.u32 $0xFFFFFC00, v1  }
0x37: {  	v1 =	vand.u32 $0x380, v1;
	v2 =	vadd.s32 v2, v3  }
0x38: {  	v1 =	vor.u32 v1, v2  }
0x39: {  	v1 =	vshrl.u32 v1, $0x3  }
0x3a: {  	s14 =	smul.u32 $0x19000, s14  }
0x3b: {  	s31 =	sand.u32 $0x1, s12  }
0x3c: {  	s16 =	smul.u32 $0x320, s31;
	s14 =	sshrl.u32 s14, $0x2  }
0x3d: {  	s19 =	smul.u32 $0x19000, s31;
	s14 =	sor.u32 $0x190, s14  }
0x3e: {  	[tilespmem:s14], [sflag:$0x1] =	stream.indirect_vreg.gather [hbm:s4], $0x80, v1, vm0, $0x38;
	[tilespmem:$0xC990] =	vst v63  }
0x3f: {  	s18 =	sshrl.u32 s16, $0x2;
	s20 =	sadd.s32 $0x10, s17;
	s15 =	sadd.s32 $0x400, s14  }
0x40: {  	[tilespmem:s15], [sflag:$0x1] =	stream.indirect_vreg.gather [hbm:s4], $0x80, v1, vm1, $0x38;
	[tilespmem:$0xC990] =	vst v63  }
0x41: {  	s16 =	sshrl.u32 s19, $0x2;
	s19 =	smov.u32 s14;
	v1 =	vld.msk [tilespmem:s20+$0x0 ss:$0x1], $0xffff;
	s20 =	simm.s32 $0x80  }
.LBB2_3:
0x42: {  	p1 =	sne.s32 s20, $0x2C0;
	_ =	sdelay $0x4  }
0x43: {  	v2 =	vand.u32 $0x1, v1;
	v3 =	vshll.u32 v1, $0x6  }
0x44: {  	vm2 =	veq.s32 v1, $0x80000000;
	vm3 =	veq.s32 v2, $0x1;
	v1 =	vand.u32 $0x1FFF80, v3  }
0x45: {  	v2 =	vsel vm3, $0x180000, v0;
	v1 =	vsel vm2, $0xFFFFFF80, v1  }
0x46: {  	v2 =	vsel vm2, $0xFFE80000, v2;
	v3 =	vand.u32 $0xFFFFFC00, v1  }
0x47: {  	v1 =	vand.u32 $0x380, v1;
	v2 =	vadd.s32 v2, v3  }
0x48: {  	v1 =	vor.u32 v1, v2  }
0x49: {  	v1 =	vshrl.u32 v1, $0x3;
	_ =	sdelay $0x3  }
.Ltmp3:
0x4a: {  	s21 =	sshra.s32 s20, $0x2;
	s19 =	sadd.s32 $0x800, s19;
	(pc) =	sbr.rel @p1 .LBB2_3-.Ltmp3, $4  }
0x4b: {  	[tilespmem:s19], [sflag:$0x1] =	stream.indirect_vreg.gather [hbm:s4], $0x80, v1, vm0, $0x38;
	[tilespmem:$0xC990] =	vst v63  }
0x4c: {  	s21 =	sadd.s32 s21, s17;
	s22 =	sadd.s32 $0x400, s19  }
0x4d: {  	[tilespmem:s22], [sflag:$0x1] =	stream.indirect_vreg.gather [hbm:s4], $0x80, v1, vm1, $0x38;
	[tilespmem:$0xC990] =	vst v63  }
0x4e: {  	s20 =	sadd.s32 $0x40, s20;
	v1 =	vld.msk [tilespmem:s21+$0x0 ss:$0x1], $0xffff  }
0x4f: {  	_ =	sdelay $0x3  }
0x50: {  	v2 =	vand.u32 $0x1, v1;
	v3 =	vshll.u32 v1, $0x6  }
0x51: {  	vm2 =	veq.s32 v1, $0x80000000;
	vm3 =	veq.s32 v2, $0x1;
	v1 =	vand.u32 $0x1FFF80, v3  }
0x52: {  	v2 =	vsel vm3, $0x180000, v0;
	v1 =	vsel vm2, $0xFFFFFF80, v1  }
0x53: {  	v2 =	vsel vm2, $0xFFE80000, v2;
	v3 =	vand.u32 $0xFFFFFC00, v1  }
0x54: {  	v1 =	vand.u32 $0x380, v1;
	v2 =	vadd.s32 v2, v3  }
0x55: {  	v1 =	vor.u32 v1, v2  }
0x56: {  	v1 =	vshrl.u32 v1, $0x3;
	_ =	sdelay $0x3  }
0x57: {  	s17 =	sadd.s32 $0x800, s19  }
0x58: {  	[tilespmem:s17], [sflag:$0x1] =	stream.indirect_vreg.gather [hbm:s4], $0x80, v1, vm0, $0x38;
	[tilespmem:$0xC990] =	vst v63  }
0x59: {  	s17 =	sadd.s32 $0x400, s17  }
0x5a: {  	[tilespmem:s17], [sflag:$0x1] =	stream.indirect_vreg.gather [hbm:s4], $0x80, v1, vm1, $0x38;
	[tilespmem:$0xC990] =	vst v63  }
0x5b: {  	v1 =	vld.msk [tilespmem:s18+$0xC0 ss:$0x1], $0xff;
	_ =	sdelay $0x4  }
0x5c: {  	v2 =	vand.u32 $0x1, v1;
	v3 =	vshll.u32 v1, $0x6  }
0x5d: {  	vm2 =	veq.s32 v1, $0x80000000;
	vm3 =	veq.s32 v2, $0x1;
	v1 =	vand.u32 $0x1FFF80, v3  }
0x5e: {  	v2 =	vsel vm3, $0x180000, v0;
	v1 =	vsel vm2, $0xFFFFFF80, v1  }
0x5f: {  	v2 =	vsel vm2, $0xFFE80000, v2;
	v3 =	vand.u32 $0xFFFFFC00, v1  }
0x60: {  	v1 =	vand.u32 $0x380, v1;
	v2 =	vadd.s32 v2, v3  }
0x61: {  	v1 =	vor.u32 v1, v2  }
0x62: {  	v1 =	vshrl.u32 v1, $0x3;
	_ =	sdelay $0x3  }
0x63: {  	s16 =	sadd.s32 $0x6190, s16  }
0x64: {  	[tilespmem:s16], [sflag:$0x1] =	stream.indirect_vreg.gather [hbm:s4], $0x80, v1, vm0, $0x38;
	[tilespmem:$0xC990] =	vst v63  }
0x65: {  	s13 =	sshll.u32 s13, $0x4;
	_ =	swait.ge [sflag:s6], $0x6400  }
0x66: {  	s13 =	sadd.s32 s13, s9;
	[sflag:s6] =	ssyncset.done $0x0  }
0x67: {  	s17 =	sadd.s32 $0x0, s13;
	s16 =	simm.s32 $0x80;
	[sflag:s6] =	ssyncadd.s32 $0xFFFF9C00  }
.LBB2_5:
0x68: {  	[hbm:s17] =	stream.linear.scatter [tilespmem:s14], [sflag:$0x3], $0x400, $0x38;
	[tilespmem:$0xC990] =	vst v63  }
0x69: {  	s17 =	smov.u32 s16;
	s14 =	smov.u32 s15;
	p1 =	sne.s32 s16, $0xC00  }
.Ltmp4:
0x6a: {  	s16 =	sadd.s32 $0x80, s16;
	(pc) =	sbr.rel @p1 .LBB2_5-.Ltmp4, $2  }
0x6b: {  	_ =	sdelay $0x2  }
0x6c: {  	s15 =	sadd.s32 $0x400, s15;
	s17 =	sadd.s32 s17, s13  }
.Ltmp5:
0x6d: {  	_ = 	snop;
	(pc) =	sbr.rel .LBB2_6-.Ltmp5, $1  }
0x6e: {  	_ =	sdelay $0x3  }
.LBB2_8:
0x6f: {  	_ =	sfence.sel $0x180000  }
0x70: {  	s1 =	simm.s32 $0x2;
	[bflag:$0x0] =	sbarrier.arrive $0xFFFF  }
0x71: {  	s30 =	simm.s32 $0x3;
	[sflag:s1] =	ssyncpa.u1 $0x1  }
0x72: {  	s31 =	simm.s32 $0x1;
	[sflag:s30] =	ssyncpa.u1 $0x1  }
0x73: {  	[sflag:s31] =	ssyncpa.u1 $0x1  }
0x74: {  	p0 =	sne.s32 s0, $0x0;
	_ =	strace $0x90000056  }
0x75: {  	s0 =	sadd.s32 @!p0 $0x100000, s2;
	[bflag:$0x2] =	sbarrier.arrive $0xFFFF  }
0x76: {  	[sflag:s0] =	ssyncadd.tile.s32 @!p0 $0x1;
	_ =	shalt  }
.Lfunc_end2:
_tile_overlayer_lowered:
.L_overlay_start_2:
0x77: {  	(tag) =	ssettag $0x2  }
0x78: {  	s0 =	rddreg [dreg:$0x0];
	s2 =	stileid.u32  }
0x79: {  	s1 =	rddreg [dreg:$0x1];
	p0 =	sne.s32 s2, $0x0  }
0x7a: {  	s3 =	rddreg [dreg:$0x2];
	[bflag:$0x3] =	sbarrier.arrive $0xFFFF;
	s2 =	simm.s32 @!p0 $0x1C01  }
0x7b: {  	[timem:s3], [sflag:s2] =	dma.local @!p0 [hbm:s0], s1  }
0x7c: {  	s0 =	simm.s32 @!p0 $0x1  }
0x7d: {  	_ =	swait.ge @!p0 [sflag:s0], s1  }
0x7e: {  	s1 =	ssub.s32 @!p0 $0x0, s1;
	[sflag:s0] =	ssyncset.done @!p0 $0x0  }
0x7f: {  	[sflag:s0] =	ssyncadd.s32 @!p0 s1  }
0x80: {  	[bflag:$0x3] =	sbarrier.arrive $0xFFFF  }
0x81: {  	_ =	shalt  }

// kernel: gather_offload_async_start.4
scs
__scs_entry_jumppad:
0x0: {  	(pc) =	sbr.rel $0x88, $3  }
0x1: {  	(tag) =	ssettag $0x0;
	lr =	simm.s32 $0x1  }
0x2: {  	[smem:$0x3F96] =	sst lr;
	_ =	strace $0xD0000000  }
0x3: {  	_ = 	snop  }
0x4: {  	_ = 	snop  }
0x5: {  	_ = 	snop  }
0x6: {  	_ = 	snop  }
0x7: {  	_ = 	snop  }
__scs_overlays_trampoline_lowered:
0x8: {  	[smem:$0x3FA5] =	sst s0  }
0x9: {  	[smem:$0x3FA6] =	sst s1  }
0xa: {  	[smem:$0x3FA7] =	sst s2  }
0xb: {  	[smem:$0x3FA8] =	sst s3  }
0xc: {  	[smem:$0x3FA9] =	sst s4  }
0xd: {  	[smem:$0x3FAA] =	sst s5  }
0xe: {  	[smem:$0x3FAB] =	sst s6  }
0xf: {  	[smem:$0x3FAC] =	sst s7  }
0x10: {  	[smem:$0x3FAD] =	sst s8  }
0x11: {  	[smem:$0x3FAE] =	sst s9;
	s0 =	simm.s32 @!p0 $0x0  }
0x12: {  	s1 =	sld [smem:$0x3F94];
	s0 =	simm.s32 @p0 $0x1  }
0x13: {  	[smem:$0x3FAF] =	sst s0;
	s0 =	simm.s32 @!p1 $0x0  }
0x14: {  	s2 =	sld [smem:$0x3F93];
	s0 =	simm.s32 @p1 $0x1  }
0x15: {  	[smem:$0x3FB0] =	sst s0;
	s0 =	simm.s32 @!p2 $0x0  }
0x16: {  	s3 =	sld [smem:$0x3FDB];
	s0 =	simm.s32 @p2 $0x1  }
0x17: {  	s4 =	simm.s32 $0x1BF5;
	[smem:$0x3FB2] =	sst s0  }
0x18: {  	s0 =	sld [smem:$0x3F95];
	_ =	swait.ge [sflag:s4], $0x0  }
0x19: {  	s7 =	sld [smem:$0x3F96]  }
0x1a: {  	s8 =	sadd.s32 $0xFFFFE003, lr  }
0x1b: {  	s9 =	sadd.s32 $0xFFFFFEF7, lr;
	s5 =	simm.s32 $0xFFFFFFFF;
	p2 =	slt.u32 s8, $0xFFFFF086  }
0x1c: {  	p1 =	slt.u32 s9, $0xF7A;
	s5 =	simm.s32 @!p2 $0x0  }
0x1d: {  	s5 =	simm.s32 @p1 $0x1;
	p0 =	seq.s32 s7, s2  }
0x1e: {  	s7 =	smul.u32 @!p0 $0xF7A, s2;
	p2 =	seq.s32 @!p0 s5, $0x0  }
0x1f: {  	s9 =	smul.u32 $0xF7A, s1;
	s8 =	simm.s32 @!p0 $0x1BF5;
	p2 =	por !p2, p0  }
0x20: {  	[sflag:s8] =	ssyncset.s32 @!p0 $0xFFFFF086;
	s6 =	sadd.s32 @!p0 s3, s7;
	s7 =	simm.s32 @!p0 $0x108  }
0x21: {  	s3 =	sadd.s32 s3, s9;
	s6 =	sadd.s32 @!p0 $0x88, s6;
	s7 =	simm.s32 @p2 $0x1082  }
0x22: {  	[simem:s7], [sflag:s8] =	dma.local @!p0 [hbm:s6], $0xF7A  }
0x23: {  	s9 =	sor.u32 $0xD0000000, s2;
	s6 =	simm.s32 $0x108;
	_ =	swait.ge @!p0 [sflag:s8], $0x0  }
0x24: {  	s3 =	sadd.s32 $0x88, s3;
	s6 =	simm.s32 @!p1 $0x1082;
	[sflag:s4] =	ssyncset.s32 $0xFFFFF086  }
0x25: {  	[simem:s6], [sflag:s4] =	dma.local [hbm:s3], $0xF7A  }
0x26: {  	[smem:$0x3F96] =	sst s1;
	(tag) =	ssettag s2;
	_ =	strace s9  }
0x27: {  	s1 =	sld [smem:$0x3FA6]  }
0x28: {  	s2 =	sld [smem:$0x3FA7]  }
0x29: {  	s4 =	sld [smem:$0x3FA9]  }
0x2a: {  	p0 =	seq.s32 s5, $0x0;
	s5 =	sld [smem:$0x3FAA]  }
0x2b: {  	s6 =	sld [smem:$0x3FAB]  }
0x2c: {  	s7 =	sld [smem:$0x3FAC]  }
0x2d: {  	s3 =	simm.s32 $0x108;
	s8 =	sld [smem:$0x3FAD]  }
0x2e: {  	s3 =	simm.s32 @!p0 $0x1082;
	s9 =	sld [smem:$0x3FAE]  }
0x2f: {  	lr =	sadd.s32 s0, s3;
	s0 =	sld [smem:$0x3FA5]  }
0x30: {  	s3 =	sld [smem:$0x3FA8]  }
0x31: {  	[smem:$0x3FB1] =	sst s10  }
0x32: {  	s10 =	sld [smem:$0x3FAF];
	_ =	sdelay $0x3  }
0x33: {  	p0 =	seq.s32 s10, $0x1;
	s10 =	sld [smem:$0x3FB1];
	_ =	sdelay $0x3  }
0x34: {  	[smem:$0x3FB1] =	sst s10  }
0x35: {  	s10 =	sld [smem:$0x3FB0];
	_ =	sdelay $0x3  }
0x36: {  	p1 =	seq.s32 s10, $0x1;
	s10 =	sld [smem:$0x3FB1];
	_ =	sdelay $0x3  }
0x37: {  	[smem:$0x3FB1] =	sst s10  }
0x38: {  	s10 =	sld [smem:$0x3FB2]  }
0x39: {  	_ = 	snop;
	(pc) =	sbr.ind lr, $3  }
0x3a: {  	_ = 	snop  }
0x3b: {  	_ = 	snop  }
0x3c: {  	p2 =	seq.s32 s10, $0x1;
	s10 =	sld [smem:$0x3FB1]  }
0x3d: {  	_ =	shalt  }
0x3e: {  	_ =	shalt  }
0x3f: {  	_ =	shalt  }
0x40: {  	_ =	shalt  }
0x41: {  	_ =	shalt  }
0x42: {  	_ =	shalt  }
0x43: {  	_ =	shalt  }
0x44: {  	_ =	shalt  }
0x45: {  	_ =	shalt  }
0x46: {  	_ =	shalt  }
0x47: {  	_ =	shalt  }
0x48: {  	_ =	shalt  }
0x49: {  	_ =	shalt  }
0x4a: {  	_ =	shalt  }
0x4b: {  	_ =	shalt  }
0x4c: {  	_ =	shalt  }
0x4d: {  	_ =	shalt  }
0x4e: {  	_ =	shalt  }
0x4f: {  	_ =	shalt  }
0x50: {  	_ =	shalt  }
0x51: {  	_ =	shalt  }
0x52: {  	_ =	shalt  }
0x53: {  	_ =	shalt  }
0x54: {  	_ =	shalt  }
0x55: {  	_ =	shalt  }
0x56: {  	_ =	shalt  }
0x57: {  	_ =	shalt  }
0x58: {  	_ =	shalt  }
0x59: {  	_ =	shalt  }
0x5a: {  	_ =	shalt  }
0x5b: {  	_ =	shalt  }
0x5c: {  	_ =	shalt  }
0x5d: {  	_ =	shalt  }
0x5e: {  	_ =	shalt  }
0x5f: {  	_ =	shalt  }
0x60: {  	_ =	shalt  }
0x61: {  	_ =	shalt  }
0x62: {  	_ =	shalt  }
0x63: {  	_ =	shalt  }
0x64: {  	_ =	shalt  }
0x65: {  	_ =	shalt  }
0x66: {  	_ =	shalt  }
0x67: {  	_ =	shalt  }
0x68: {  	_ =	shalt  }
0x69: {  	_ =	shalt  }
0x6a: {  	_ =	shalt  }
0x6b: {  	_ =	shalt  }
0x6c: {  	_ =	shalt  }
0x6d: {  	_ =	shalt  }
0x6e: {  	_ =	shalt  }
0x6f: {  	_ =	shalt  }
0x70: {  	_ =	shalt  }
0x71: {  	_ =	shalt  }
0x72: {  	_ =	shalt  }
0x73: {  	_ =	shalt  }
0x74: {  	_ =	shalt  }
0x75: {  	_ =	shalt  }
0x76: {  	_ =	shalt  }
0x77: {  	_ =	shalt  }
0x78: {  	_ =	shalt  }
0x79: {  	_ =	shalt  }
0x7a: {  	_ =	shalt  }
0x7b: {  	_ =	shalt  }
0x7c: {  	_ =	shalt  }
0x7d: {  	_ =	shalt  }
0x7e: {  	_ =	shalt  }
0x7f: {  	_ =	shalt  }
0x80: {  	_ =	shalt  }
0x81: {  	_ =	shalt  }
0x82: {  	_ =	shalt  }
0x83: {  	_ =	shalt  }
0x84: {  	_ =	shalt  }
0x85: {  	_ =	shalt  }
0x86: {  	_ =	shalt  }
0x87: {  	_ =	shalt  }
.Lfunc_end0:
.L_simem_size_0:
called_computation.4_lowered:
.L_overlay_start_0:
0x88: {  	s2 =	sld [smem:$0x3FD9]  }
0x89: {  	s3 =	sld [smem:$0x3FFE];
	_ =	sdelay $0x1  }
0x8a: {  	s1 =	srdreg.scid  }
0x8b: {  	s0 =	sand.u32 $0x1, s1  }
0x8c: {  	s16 =	sshll.u32 s0, $0xA;
	s2 =	sadd.s32 s3, s2  }
0x8d: {  	s2 =	sadd.s32 s2, s16  }
0x8e: {  	[smem:$0x3FBD] =	sst s2  }
0x8f: {  	_ = 	snop  }
0x90: {  	(tm) =	ssettm $0x1  }
0x91: {  	s17 =	sld [smem:$0x3FFB];
	_ =	sdelay $0x3  }
0x92: {  	_ =	strace s17  }
0x93: {  	s2 =	sld [smem:$0x3FFC];
	_ =	sdelay $0x3  }
0x94: {  	_ =	strace s2  }
0x95: {  	s2 =	sld [smem:$0x3FFD];
	_ =	sdelay $0x3  }
0x96: {  	_ =	strace s2  }
0x97: {  	_ =	strace $0x8FFFFFFF  }
0x98: {  	s18 =	sld [smem:$0x3FDB];
	_ =	sdelay $0x1  }
0x99: {  	s19 =	simm.s32 $_scs_section_size  }
0x9a: {  	s4 =	simm.s32 $_size__tile_overlayer_lowered;
	s5 =	simm.s32 $_tile_overlayer_lowered  }
0x9b: {  	s22 =	simm.s32 $0x1BFF;
	s21 =	sshll.u32 s5, $0x1;
	s2 =	sadd.s32 s19, s18  }
0x9c: {  	s6 =	simm.s32 $0x0;
	s20 =	sshll.u32 s4, $0x1;
	s4 =	sadd.s32 s21, s2  }
0x9d: {  	[timem:s6], [sflag:s22] =	dma.local [hbm:s4], s20  }
0x9e: {  	_ =	swait.ge [sflag:s22], s20  }
0x9f: {  	s3 =	ssub.s32 $0x0, s20;
	[sflag:s22] =	ssyncset.done $0x0  }
0xa0: {  	[sflag:s22] =	ssyncadd.s32 s3;
	_ =	sdelay $0x1  }
0xa1: {  	s23 =	simm.s32 $0x1B8B  }
0xa2: {  	_ =	swait.ge [sflag:s23], $0x1  }
0xa3: {  	[sflag:s23] =	ssyncset.done $0x0  }
0xa4: {  	s25 =	simm.s32 $0x1B8E;
	s24 =	sld [smem:$0x3FFE];
	[sflag:s23] =	ssyncadd.s32 $0xFFFFFFFF  }
0xa5: {  	s26 =	simm.s32 $execute0_lowered;
	[smem:$0x3FD2] =	sst s25  }
0xa6: {  	s4 =	sshll.u32 s26, $0x1;
	_ =	strace $0x80000049;
	[dreg:$0x1] =	wrdreg $0xFFFFFFFF  }
0xa7: {  	s28 =	simm.s32 $_size_execute0_lowered;
	s2 =	sadd.s32 s2, s4;
	[dreg:$0x0] =	wrdreg $0x0  }
0xa8: {  	s4 =	sshll.u32 s28, $0x1;
	[dreg:$0x2] =	wrdreg s2  }
0xa9: {  	[dreg:$0x3] =	wrdreg s4  }
0xaa: {  	[dreg:$0x4] =	wrdreg $0xC0  }
0xab: {  	_ =	task [dreg:s6], $0x5FFFF  }
0xac: {  	[dreg:$0x1] =	wrdreg $0xFFFFFFFF  }
0xad: {  	[dreg:$0x0] =	wrdreg $0x60  }
0xae: {  	[dreg:$0x2] =	wrdreg s24  }
0xaf: {  	[dreg:$0x3] =	wrdreg $0x9  }
0xb0: {  	_ =	task.clear_ibuf [dreg:s6], $0x4FFFF;
	_ =	strace $0x90000049  }
0xb1: {  	s29 =	simm.s32 $0x9;
	_ =	strace $0x8000004B  }
0xb2: {  	_ =	swait.ge [sflag:s29], $0x1  }
0xb3: {  	[sflag:s29] =	ssyncadd.s32 $0xFFFFFFFF  }
0xb4: {  	_ =	strace $0x9000004B  }
0xb5: {  	_ =	sfence  }
0xb6: {  	s30 =	sld [smem:$0x0];
	_ =	sdelay $0x2  }
0xb7: {  	s31 =	sshll.u32 s1, $0xD;
	s1 =	sshrl.u32 s1, $0x2  }
0xb8: {  	s3 =	sand.u32 $0x4000, s31;
	s1 =	sadd.s32 s1, s30  }
0xb9: {  	s0 =	sor.u32 s3, s0;
	s1 =	sshll.u32 s1, $0x11  }
0xba: {  	s0 =	sor.u32 s1, s0  }
0xbb: {  	s0 =	sadd.s32 $0x8F2B, s0  }
0xbc: {  	[sflag:s0] =	ssyncadd.remote.s32 $0x1  }
0xbd: {  	_ =	sfence.sel $0xFFFF  }
0xbe: {  	[dreg:$0x0] =	wrdreg $0xFFFFFFFF;
	(pc) =	sbr.abs _section_cstart, $3  }
0xbf: {  	[dreg:$0x1] =	wrdreg $0xFFFFFFFF  }
0xc0: {  	_ =	task.clear_ibuf [dreg:s6], $0x2FFFF;
	_ =	strace $0x9FFFFFFF  }
0xc1: {  	(tm) =	ssettm $0x7FFFFFFF  }
tec
execute0_lowered:
.L_overlay_start_1:
0x0: {  	(tag) =	ssettag $0x1  }
0x1: {  	s7 =	rddreg [dreg:$0x0]  }
0x2: {  	s1 =	srdreg.scid;
	s0 =	rddreg [dreg:$0x1]  }
0x3: {  	_ =	strace $0x8000004A;
	s3 =	simm.s32 $0x1;
	s5 =	simm.s32 $0x2  }
0x4: {  	s9 =	simm.s32 $0x3;
	s12 =	simm.s32 $0x0;
	s2 =	sshll.u32 s1, $0x4  }
.Ltmp0:
0x5: {  	s1 =	stileid.u32;
	s4 =	sand.u32 $0x10, s2;
	(pc) =	sbr.rel .LBB2_1-.Ltmp0, $4  }
0x6: {  	s10 =	simm.s32 $0x0;
	[sflag:s3] =	ssyncpa.u1 $0x0;
	s4 =	sor.u32 s1, s4  }
0x7: {  	s6 =	sadd.s32 $0x6EE00, s7;
	[sflag:s5] =	ssyncpa.u1 $0x0;
	s4 =	smul.u32 $0xC0, s4  }
0x8: {  	s2 =	sadd.s32 $0x83400, s7;
	s7 =	sadd.s32 $0x9B400, s7;
	[sflag:s9] =	ssyncpa.u1 $0x0  }
0x9: {  	v0 =	vimm.s32 $0x0;
	vm0 =	vmmov $0xff;
	vm1 =	vcmask $0x3F20;
	s9 =	simm.s32 $0xC0;
	s8 =	sadd.s32 $0xC0, s4;
	s11 =	smov.u32 s4  }
.LBB2_10:
0xa: {  	s12 =	sshrl.u32 s11, $0x3  }
0xb: {  	s13 =	sand.u32 $0x7, s11;
	s12 =	sadd.s32 s6, s12  }
0xc: {  	[tilespmem:s9], [sflag:$0x2] =	stream.linear.gather [hbm4b:s12+s13], $0xC0, $0x38;
	[tilespmem:$0xC180] =	vst v63  }
.LBB2_8:
0xd: {  	s12 =	sadd.s32 $0xC0, s11  }
0xe: {  	s13 =	smov.u32 s4;
	p0 =	slt.s32 s12, s8  }
0xf: {  	s13 =	smov.u32 @p0 s12  }
0x10: {  	s10 =	sadd.s32 $0x1, s10;
	s12 =	smov.u32 s11;
	s11 =	smov.u32 s13  }
.LBB2_1:
0x11: {  	p0 =	seq.s32 s10, $0x0  }
.Ltmp1:
0x12: {  	_ = 	snop;
	(pc) =	sbr.rel @p0 .LBB2_10-.Ltmp1, $1  }
0x13: {  	_ =	sdelay $0x3  }
0x14: {  	p0 =	seq.s32 s10, $0x1  }
.Ltmp2:
0x15: {  	_ = 	snop;
	(pc) =	sbr.rel @!p0 .LBB2_9-.Ltmp2, $1  }
0x16: {  	_ =	sdelay $0x3  }
0x17: {  	_ =	swait.ge [sflag:s5], $0xC0  }
0x18: {  	[sflag:s5] =	ssyncset.done $0x0  }
0x19: {  	s13 =	simm.s32 $0x0;
	[sflag:s5] =	ssyncadd.s32 $0xFFFFFF40  }
0x1a: {  	v1 =	vld.msk [tilespmem:s13+$0xC0 ss:$0x1], $0xffff;
	_ =	sdelay $0x4  }
0x1b: {  	v2 =	vand.u32 $0x1, v1;
	v3 =	vshll.u32 v1, $0x6  }
0x1c: {  	vm2 =	veq.s32 v1, $0x80000000;
	vm3 =	veq.s32 v2, $0x1;
	v1 =	vand.u32 $0x7FF80, v3  }
0x1d: {  	v2 =	vsel vm3, $0x60000, v0;
	v1 =	vsel vm2, $0xFFFFFF80, v1  }
0x1e: {  	v2 =	vsel vm2, $0xFFFA0000, v2;
	v3 =	vand.u32 $0xFFFFFC00, v1  }
0x1f: {  	v1 =	vand.u32 $0x380, v1;
	v2 =	vadd.s32 v2, v3  }
0x20: {  	v1 =	vor.u32 v1, v2  }
0x21: {  	v1 =	vshrl.u32 v1, $0x3;
	_ =	sdelay $0x3  }
0x22: {  	s13 =	simm.s32 $0x6180  }
0x23: {  	[tilespmem:s13], [sflag:$0x1] =	stream.indirect_vreg.gather [hbm:s2], $0x80, v1, vm0, $0x38;
	[tilespmem:$0xC180] =	vst v63  }
0x24: {  	s14 =	simm.s32 $0x6580;
	s31 =	simm.s32 $0x10  }
0x25: {  	[tilespmem:s14], [sflag:$0x1] =	stream.indirect_vreg.gather [hbm:s2], $0x80, v1, vm1, $0x38;
	[tilespmem:$0xC180] =	vst v63  }
0x26: {  	s14 =	simm.s32 $0x80;
	v1 =	vld.msk [tilespmem:s31+$0xC0 ss:$0x1], $0xffff  }
.LBB2_4:
0x27: {  	p0 =	sne.s32 s14, $0x2C0;
	_ =	sdelay $0x4  }
0x28: {  	v2 =	vand.u32 $0x1, v1;
	v3 =	vshll.u32 v1, $0x6  }
0x29: {  	vm2 =	veq.s32 v1, $0x80000000;
	vm3 =	veq.s32 v2, $0x1;
	v1 =	vand.u32 $0x7FF80, v3  }
0x2a: {  	v2 =	vsel vm3, $0x60000, v0;
	v1 =	vsel vm2, $0xFFFFFF80, v1  }
0x2b: {  	v2 =	vsel vm2, $0xFFFA0000, v2;
	v3 =	vand.u32 $0xFFFFFC00, v1  }
0x2c: {  	v1 =	vand.u32 $0x380, v1;
	v2 =	vadd.s32 v2, v3  }
0x2d: {  	v1 =	vor.u32 v1, v2  }
0x2e: {  	v1 =	vshrl.u32 v1, $0x3;
	_ =	sdelay $0x3  }
.Ltmp3:
0x2f: {  	s13 =	sadd.s32 $0x800, s13;
	(pc) =	sbr.rel @p0 .LBB2_4-.Ltmp3, $4  }
0x30: {  	[tilespmem:s13], [sflag:$0x1] =	stream.indirect_vreg.gather [hbm:s2], $0x80, v1, vm0, $0x38;
	[tilespmem:$0xC180] =	vst v63  }
0x31: {  	s15 =	sshra.s32 s14, $0x2;
	s16 =	sadd.s32 $0x400, s13  }
0x32: {  	[tilespmem:s16], [sflag:$0x1] =	stream.indirect_vreg.gather [hbm:s2], $0x80, v1, vm1, $0x38;
	[tilespmem:$0xC180] =	vst v63  }
0x33: {  	s14 =	sadd.s32 $0x40, s14;
	v1 =	vld.msk [tilespmem:s15+$0xC0 ss:$0x1], $0xffff  }
0x34: {  	_ =	sdelay $0x3  }
0x35: {  	v2 =	vand.u32 $0x1, v1;
	v3 =	vshll.u32 v1, $0x6  }
0x36: {  	vm2 =	veq.s32 v1, $0x80000000;
	vm3 =	veq.s32 v2, $0x1;
	v1 =	vand.u32 $0x7FF80, v3  }
0x37: {  	v2 =	vsel vm3, $0x60000, v0;
	v1 =	vsel vm2, $0xFFFFFF80, v1  }
0x38: {  	v2 =	vsel vm2, $0xFFFA0000, v2;
	v3 =	vand.u32 $0xFFFFFC00, v1  }
0x39: {  	v1 =	vand.u32 $0x380, v1;
	v2 =	vadd.s32 v2, v3  }
0x3a: {  	v1 =	vor.u32 v1, v2  }
0x3b: {  	v1 =	vshrl.u32 v1, $0x3;
	_ =	sdelay $0x3  }
0x3c: {  	s13 =	sadd.s32 $0x800, s13  }
0x3d: {  	[tilespmem:s13], [sflag:$0x1] =	stream.indirect_vreg.gather [hbm:s2], $0x80, v1, vm0, $0x38;
	[tilespmem:$0xC180] =	vst v63  }
0x3e: {  	s13 =	sadd.s32 $0x400, s13  }
0x3f: {  	[tilespmem:s13], [sflag:$0x1] =	stream.indirect_vreg.gather [hbm:s2], $0x80, v1, vm1, $0x38;
	[tilespmem:$0xC180] =	vst v63  }
0x40: {  	s12 =	sshll.u32 s12, $0x4;
	s14 =	simm.s32 $0x80;
	_ =	swait.ge [sflag:s3], $0x6000  }
0x41: {  	s15 =	simm.s32 $0x6580;
	s12 =	sadd.s32 s12, s7;
	[sflag:s3] =	ssyncset.done $0x0  }
0x42: {  	s16 =	sadd.s32 $0x0, s12;
	s13 =	simm.s32 $0x6180;
	[sflag:s3] =	ssyncadd.s32 $0xFFFFA000  }
.LBB2_6:
0x43: {  	[hbm:s16] =	stream.linear.scatter [tilespmem:s13], [sflag:$0x3], $0x400, $0x38;
	[tilespmem:$0xC180] =	vst v63  }
0x44: {  	s16 =	smov.u32 s14;
	s13 =	smov.u32 s15;
	p0 =	seq.s32 s14, $0xB80  }
.Ltmp4:
0x45: {  	s14 =	sadd.s32 $0x80, s14;
	(pc) =	sbr.rel @!p0 .LBB2_6-.Ltmp4, $2  }
0x46: {  	_ =	sdelay $0x2  }
0x47: {  	s15 =	sadd.s32 $0x400, s15;
	s16 =	sadd.s32 s16, s12  }
.Ltmp5:
0x48: {  	(pc) =	sbr.rel .LBB2_8-.Ltmp5, $2  }
0x49: {  	_ =	sdelay $0x2  }
0x4a: {  	[hbm:s16] =	stream.linear.scatter [tilespmem:s13], [sflag:$0x3], $0x400, $0x38;
	[tilespmem:$0xC180] =	vst v63  }
.LBB2_9:
0x4b: {  	s2 =	simm.s32 $0x3  }
0x4c: {  	_ =	swait.ge [sflag:s2], $0x6000  }
0x4d: {  	[sflag:s2] =	ssyncset.done $0x0  }
0x4e: {  	[sflag:s2] =	ssyncadd.s32 $0xFFFFA000  }
0x4f: {  	_ =	sfence.sel $0x180000  }
0x50: {  	s3 =	simm.s32 $0x2;
	[bflag:$0x0] =	sbarrier.arrive $0xFFFF  }
0x51: {  	[sflag:s3] =	ssyncpa.u1 $0x1  }
0x52: {  	s31 =	simm.s32 $0x1;
	[sflag:s2] =	ssyncpa.u1 $0x1  }
0x53: {  	[sflag:s31] =	ssyncpa.u1 $0x1  }
0x54: {  	p0 =	sne.s32 s1, $0x0;
	_ =	strace $0x9000004A  }
0x55: {  	s0 =	sadd.s32 @!p0 $0x100000, s0;
	[bflag:$0x2] =	sbarrier.arrive $0xFFFF  }
0x56: {  	[sflag:s0] =	ssyncadd.tile.s32 @!p0 $0x1;
	_ =	shalt  }
.Lfunc_end2:
_tile_overlayer_lowered:
.L_overlay_start_2:
0x57: {  	(tag) =	ssettag $0x2  }
0x58: {  	s0 =	rddreg [dreg:$0x0];
	s2 =	stileid.u32  }
0x59: {  	s1 =	rddreg [dreg:$0x1];
	p0 =	sne.s32 s2, $0x0  }
0x5a: {  	s3 =	rddreg [dreg:$0x2];
	[bflag:$0x3] =	sbarrier.arrive $0xFFFF;
	s2 =	simm.s32 @!p0 $0x1C01  }
0x5b: {  	[timem:s3], [sflag:s2] =	dma.local @!p0 [hbm:s0], s1  }
0x5c: {  	s0 =	simm.s32 @!p0 $0x1  }
0x5d: {  	_ =	swait.ge @!p0 [sflag:s0], s1  }
0x5e: {  	s1 =	ssub.s32 @!p0 $0x0, s1;
	[sflag:s0] =	ssyncset.done @!p0 $0x0  }
0x5f: {  	[sflag:s0] =	ssyncadd.s32 @!p0 s1  }
0x60: {  	[bflag:$0x3] =	sbarrier.arrive $0xFFFF  }
0x61: {  	_ =	shalt  }

// kernel: gather_offload_async_start.5
scs
__scs_entry_jumppad:
0x0: {  	(pc) =	sbr.rel $0x88, $3  }
0x1: {  	(tag) =	ssettag $0x0;
	lr =	simm.s32 $0x1  }
0x2: {  	[smem:$0x3F96] =	sst lr;
	_ =	strace $0xD0000000  }
0x3: {  	_ = 	snop  }
0x4: {  	_ = 	snop  }
0x5: {  	_ = 	snop  }
0x6: {  	_ = 	snop  }
0x7: {  	_ = 	snop  }
__scs_overlays_trampoline_lowered:
0x8: {  	[smem:$0x3FA5] =	sst s0  }
0x9: {  	[smem:$0x3FA6] =	sst s1  }
0xa: {  	[smem:$0x3FA7] =	sst s2  }
0xb: {  	[smem:$0x3FA8] =	sst s3  }
0xc: {  	[smem:$0x3FA9] =	sst s4  }
0xd: {  	[smem:$0x3FAA] =	sst s5  }
0xe: {  	[smem:$0x3FAB] =	sst s6  }
0xf: {  	[smem:$0x3FAC] =	sst s7  }
0x10: {  	[smem:$0x3FAD] =	sst s8  }
0x11: {  	[smem:$0x3FAE] =	sst s9;
	s0 =	simm.s32 @!p0 $0x0  }
0x12: {  	s1 =	sld [smem:$0x3F94];
	s0 =	simm.s32 @p0 $0x1  }
0x13: {  	[smem:$0x3FAF] =	sst s0;
	s0 =	simm.s32 @!p1 $0x0  }
0x14: {  	s2 =	sld [smem:$0x3F93];
	s0 =	simm.s32 @p1 $0x1  }
0x15: {  	[smem:$0x3FB0] =	sst s0;
	s0 =	simm.s32 @!p2 $0x0  }
0x16: {  	s3 =	sld [smem:$0x3FDB];
	s0 =	simm.s32 @p2 $0x1  }
0x17: {  	s4 =	simm.s32 $0x1BF5;
	[smem:$0x3FB2] =	sst s0  }
0x18: {  	s0 =	sld [smem:$0x3F95];
	_ =	swait.ge [sflag:s4], $0x0  }
0x19: {  	s7 =	sld [smem:$0x3F96]  }
0x1a: {  	s8 =	sadd.s32 $0xFFFFE003, lr  }
0x1b: {  	s9 =	sadd.s32 $0xFFFFFEF7, lr;
	s5 =	simm.s32 $0xFFFFFFFF;
	p2 =	slt.u32 s8, $0xFFFFF086  }
0x1c: {  	p1 =	slt.u32 s9, $0xF7A;
	s5 =	simm.s32 @!p2 $0x0  }
0x1d: {  	s5 =	simm.s32 @p1 $0x1;
	p0 =	seq.s32 s7, s2  }
0x1e: {  	s7 =	smul.u32 @!p0 $0xF7A, s2;
	p2 =	seq.s32 @!p0 s5, $0x0  }
0x1f: {  	s9 =	smul.u32 $0xF7A, s1;
	s8 =	simm.s32 @!p0 $0x1BF5;
	p2 =	por !p2, p0  }
0x20: {  	[sflag:s8] =	ssyncset.s32 @!p0 $0xFFFFF086;
	s6 =	sadd.s32 @!p0 s3, s7;
	s7 =	simm.s32 @!p0 $0x108  }
0x21: {  	s3 =	sadd.s32 s3, s9;
	s6 =	sadd.s32 @!p0 $0x88, s6;
	s7 =	simm.s32 @p2 $0x1082  }
0x22: {  	[simem:s7], [sflag:s8] =	dma.local @!p0 [hbm:s6], $0xF7A  }
0x23: {  	s9 =	sor.u32 $0xD0000000, s2;
	s6 =	simm.s32 $0x108;
	_ =	swait.ge @!p0 [sflag:s8], $0x0  }
0x24: {  	s3 =	sadd.s32 $0x88, s3;
	s6 =	simm.s32 @!p1 $0x1082;
	[sflag:s4] =	ssyncset.s32 $0xFFFFF086  }
0x25: {  	[simem:s6], [sflag:s4] =	dma.local [hbm:s3], $0xF7A  }
0x26: {  	[smem:$0x3F96] =	sst s1;
	(tag) =	ssettag s2;
	_ =	strace s9  }
0x27: {  	s1 =	sld [smem:$0x3FA6]  }
0x28: {  	s2 =	sld [smem:$0x3FA7]  }
0x29: {  	s4 =	sld [smem:$0x3FA9]  }
0x2a: {  	p0 =	seq.s32 s5, $0x0;
	s5 =	sld [smem:$0x3FAA]  }
0x2b: {  	s6 =	sld [smem:$0x3FAB]  }
0x2c: {  	s7 =	sld [smem:$0x3FAC]  }
0x2d: {  	s3 =	simm.s32 $0x108;
	s8 =	sld [smem:$0x3FAD]  }
0x2e: {  	s3 =	simm.s32 @!p0 $0x1082;
	s9 =	sld [smem:$0x3FAE]  }
0x2f: {  	lr =	sadd.s32 s0, s3;
	s0 =	sld [smem:$0x3FA5]  }
0x30: {  	s3 =	sld [smem:$0x3FA8]  }
0x31: {  	[smem:$0x3FB1] =	sst s10  }
0x32: {  	s10 =	sld [smem:$0x3FAF];
	_ =	sdelay $0x3  }
0x33: {  	p0 =	seq.s32 s10, $0x1;
	s10 =	sld [smem:$0x3FB1];
	_ =	sdelay $0x3  }
0x34: {  	[smem:$0x3FB1] =	sst s10  }
0x35: {  	s10 =	sld [smem:$0x3FB0];
	_ =	sdelay $0x3  }
0x36: {  	p1 =	seq.s32 s10, $0x1;
	s10 =	sld [smem:$0x3FB1];
	_ =	sdelay $0x3  }
0x37: {  	[smem:$0x3FB1] =	sst s10  }
0x38: {  	s10 =	sld [smem:$0x3FB2]  }
0x39: {  	_ = 	snop;
	(pc) =	sbr.ind lr, $3  }
0x3a: {  	_ = 	snop  }
0x3b: {  	_ = 	snop  }
0x3c: {  	p2 =	seq.s32 s10, $0x1;
	s10 =	sld [smem:$0x3FB1]  }
0x3d: {  	_ =	shalt  }
0x3e: {  	_ =	shalt  }
0x3f: {  	_ =	shalt  }
0x40: {  	_ =	shalt  }
0x41: {  	_ =	shalt  }
0x42: {  	_ =	shalt  }
0x43: {  	_ =	shalt  }
0x44: {  	_ =	shalt  }
0x45: {  	_ =	shalt  }
0x46: {  	_ =	shalt  }
0x47: {  	_ =	shalt  }
0x48: {  	_ =	shalt  }
0x49: {  	_ =	shalt  }
0x4a: {  	_ =	shalt  }
0x4b: {  	_ =	shalt  }
0x4c: {  	_ =	shalt  }
0x4d: {  	_ =	shalt  }
0x4e: {  	_ =	shalt  }
0x4f: {  	_ =	shalt  }
0x50: {  	_ =	shalt  }
0x51: {  	_ =	shalt  }
0x52: {  	_ =	shalt  }
0x53: {  	_ =	shalt  }
0x54: {  	_ =	shalt  }
0x55: {  	_ =	shalt  }
0x56: {  	_ =	shalt  }
0x57: {  	_ =	shalt  }
0x58: {  	_ =	shalt  }
0x59: {  	_ =	shalt  }
0x5a: {  	_ =	shalt  }
0x5b: {  	_ =	shalt  }
0x5c: {  	_ =	shalt  }
0x5d: {  	_ =	shalt  }
0x5e: {  	_ =	shalt  }
0x5f: {  	_ =	shalt  }
0x60: {  	_ =	shalt  }
0x61: {  	_ =	shalt  }
0x62: {  	_ =	shalt  }
0x63: {  	_ =	shalt  }
0x64: {  	_ =	shalt  }
0x65: {  	_ =	shalt  }
0x66: {  	_ =	shalt  }
0x67: {  	_ =	shalt  }
0x68: {  	_ =	shalt  }
0x69: {  	_ =	shalt  }
0x6a: {  	_ =	shalt  }
0x6b: {  	_ =	shalt  }
0x6c: {  	_ =	shalt  }
0x6d: {  	_ =	shalt  }
0x6e: {  	_ =	shalt  }
0x6f: {  	_ =	shalt  }
0x70: {  	_ =	shalt  }
0x71: {  	_ =	shalt  }
0x72: {  	_ =	shalt  }
0x73: {  	_ =	shalt  }
0x74: {  	_ =	shalt  }
0x75: {  	_ =	shalt  }
0x76: {  	_ =	shalt  }
0x77: {  	_ =	shalt  }
0x78: {  	_ =	shalt  }
0x79: {  	_ =	shalt  }
0x7a: {  	_ =	shalt  }
0x7b: {  	_ =	shalt  }
0x7c: {  	_ =	shalt  }
0x7d: {  	_ =	shalt  }
0x7e: {  	_ =	shalt  }
0x7f: {  	_ =	shalt  }
0x80: {  	_ =	shalt  }
0x81: {  	_ =	shalt  }
0x82: {  	_ =	shalt  }
0x83: {  	_ =	shalt  }
0x84: {  	_ =	shalt  }
0x85: {  	_ =	shalt  }
0x86: {  	_ =	shalt  }
0x87: {  	_ =	shalt  }
.Lfunc_end0:
.L_simem_size_0:
called_computation.5_lowered:
.L_overlay_start_0:
0x88: {  	s2 =	sld [smem:$0x3FD9]  }
0x89: {  	s3 =	sld [smem:$0x3FFE];
	_ =	sdelay $0x1  }
0x8a: {  	s1 =	srdreg.scid  }
0x8b: {  	s0 =	sand.u32 $0x1, s1  }
0x8c: {  	s16 =	sshll.u32 s0, $0xA;
	s2 =	sadd.s32 s3, s2  }
0x8d: {  	s2 =	sadd.s32 s2, s16  }
0x8e: {  	[smem:$0x3FBD] =	sst s2  }
0x8f: {  	_ = 	snop  }
0x90: {  	(tm) =	ssettm $0x1  }
0x91: {  	s17 =	sld [smem:$0x3FFB];
	_ =	sdelay $0x3  }
0x92: {  	_ =	strace s17  }
0x93: {  	s2 =	sld [smem:$0x3FFC];
	_ =	sdelay $0x3  }
0x94: {  	_ =	strace s2  }
0x95: {  	s2 =	sld [smem:$0x3FFD];
	_ =	sdelay $0x3  }
0x96: {  	_ =	strace s2  }
0x97: {  	_ =	strace $0x8FFFFFFF  }
0x98: {  	s18 =	sld [smem:$0x3FDB];
	_ =	sdelay $0x1  }
0x99: {  	s19 =	simm.s32 $_scs_section_size  }
0x9a: {  	s4 =	simm.s32 $_size__tile_overlayer_lowered;
	s5 =	simm.s32 $_tile_overlayer_lowered  }
0x9b: {  	s22 =	simm.s32 $0x1BFF;
	s21 =	sshll.u32 s5, $0x1;
	s2 =	sadd.s32 s19, s18  }
0x9c: {  	s6 =	simm.s32 $0x0;
	s20 =	sshll.u32 s4, $0x1;
	s4 =	sadd.s32 s21, s2  }
0x9d: {  	[timem:s6], [sflag:s22] =	dma.local [hbm:s4], s20  }
0x9e: {  	_ =	swait.ge [sflag:s22], s20  }
0x9f: {  	s3 =	ssub.s32 $0x0, s20;
	[sflag:s22] =	ssyncset.done $0x0  }
0xa0: {  	[sflag:s22] =	ssyncadd.s32 s3;
	_ =	sdelay $0x1  }
0xa1: {  	s23 =	simm.s32 $0x1B8B  }
0xa2: {  	_ =	swait.ge [sflag:s23], $0x1  }
0xa3: {  	[sflag:s23] =	ssyncset.done $0x0  }
0xa4: {  	s25 =	simm.s32 $0x1B8E;
	s24 =	sld [smem:$0x3FFE];
	[sflag:s23] =	ssyncadd.s32 $0xFFFFFFFF  }
0xa5: {  	s26 =	simm.s32 $execute0_lowered;
	[smem:$0x3FD2] =	sst s25  }
0xa6: {  	s4 =	sshll.u32 s26, $0x1;
	_ =	strace $0x80000046;
	[dreg:$0x1] =	wrdreg $0xFFFFFFFF  }
0xa7: {  	s28 =	simm.s32 $_size_execute0_lowered;
	s2 =	sadd.s32 s2, s4;
	[dreg:$0x0] =	wrdreg $0x0  }
0xa8: {  	s4 =	sshll.u32 s28, $0x1;
	[dreg:$0x2] =	wrdreg s2  }
0xa9: {  	[dreg:$0x3] =	wrdreg s4  }
0xaa: {  	[dreg:$0x4] =	wrdreg $0xC0  }
0xab: {  	_ =	task [dreg:s6], $0x5FFFF  }
0xac: {  	[dreg:$0x1] =	wrdreg $0xFFFFFFFF  }
0xad: {  	[dreg:$0x0] =	wrdreg $0x60  }
0xae: {  	[dreg:$0x2] =	wrdreg s24  }
0xaf: {  	[dreg:$0x3] =	wrdreg $0x9  }
0xb0: {  	_ =	task.clear_ibuf [dreg:s6], $0x4FFFF;
	_ =	strace $0x90000046  }
0xb1: {  	s29 =	simm.s32 $0x9;
	_ =	strace $0x80000048  }
0xb2: {  	_ =	swait.ge [sflag:s29], $0x1  }
0xb3: {  	[sflag:s29] =	ssyncadd.s32 $0xFFFFFFFF  }
0xb4: {  	_ =	strace $0x90000048  }
0xb5: {  	_ =	sfence  }
0xb6: {  	s30 =	sld [smem:$0x0];
	_ =	sdelay $0x2  }
0xb7: {  	s31 =	sshll.u32 s1, $0xD;
	s1 =	sshrl.u32 s1, $0x2  }
0xb8: {  	s3 =	sand.u32 $0x4000, s31;
	s1 =	sadd.s32 s1, s30  }
0xb9: {  	s0 =	sor.u32 s3, s0;
	s1 =	sshll.u32 s1, $0x11  }
0xba: {  	s0 =	sor.u32 s1, s0  }
0xbb: {  	s0 =	sadd.s32 $0x8F2B, s0  }
0xbc: {  	[sflag:s0] =	ssyncadd.remote.s32 $0x1  }
0xbd: {  	_ =	sfence.sel $0xFFFF  }
0xbe: {  	[dreg:$0x0] =	wrdreg $0xFFFFFFFF;
	(pc) =	sbr.abs _section_cstart, $3  }
0xbf: {  	[dreg:$0x1] =	wrdreg $0xFFFFFFFF  }
0xc0: {  	_ =	task.clear_ibuf [dreg:s6], $0x2FFFF;
	_ =	strace $0x9FFFFFFF  }
0xc1: {  	(tm) =	ssettm $0x7FFFFFFF  }
tec
execute0_lowered:
.L_overlay_start_1:
0x0: {  	(tag) =	ssettag $0x1  }
0x1: {  	s7 =	rddreg [dreg:$0x0]  }
0x2: {  	s1 =	srdreg.scid;
	s0 =	rddreg [dreg:$0x1]  }
0x3: {  	_ =	strace $0x80000047;
	s3 =	simm.s32 $0x1;
	s5 =	simm.s32 $0x2  }
0x4: {  	s9 =	simm.s32 $0x3;
	s12 =	simm.s32 $0x0;
	s2 =	sshll.u32 s1, $0x4  }
.Ltmp0:
0x5: {  	s1 =	stileid.u32;
	s4 =	sand.u32 $0x10, s2;
	(pc) =	sbr.rel .LBB2_1-.Ltmp0, $4  }
0x6: {  	s10 =	simm.s32 $0x0;
	[sflag:s3] =	ssyncpa.u1 $0x0;
	s4 =	sor.u32 s1, s4  }
0x7: {  	s6 =	sadd.s32 $0x2000, s7;
	[sflag:s5] =	ssyncpa.u1 $0x0;
	s4 =	smul.u32 $0x30, s4  }
0x8: {  	s2 =	sadd.s32 $0x2200, s7;
	s7 =	sadd.s32 $0x8200, s7;
	[sflag:s9] =	ssyncpa.u1 $0x0  }
0x9: {  	v0 =	vimm.s32 $0x0;
	vm0 =	vmmov $0xff;
	vm1 =	vcmask $0x3F20;
	s9 =	simm.s32 $0x30;
	s8 =	sadd.s32 $0x30, s4;
	s11 =	smov.u32 s4  }
.LBB2_10:
0xa: {  	s12 =	sshrl.u32 s11, $0x3  }
0xb: {  	s13 =	sand.u32 $0x7, s11;
	s12 =	sadd.s32 s6, s12  }
0xc: {  	[tilespmem:s9], [sflag:$0x2] =	stream.linear.gather [hbm4b:s12+s13], $0x30, $0x38;
	[tilespmem:$0x3060] =	vst v63  }
.LBB2_8:
0xd: {  	s12 =	sadd.s32 $0x30, s11  }
0xe: {  	s13 =	smov.u32 s4;
	p0 =	slt.s32 s12, s8  }
0xf: {  	s13 =	smov.u32 @p0 s12  }
0x10: {  	s10 =	sadd.s32 $0x1, s10;
	s12 =	smov.u32 s11;
	s11 =	smov.u32 s13  }
.LBB2_1:
0x11: {  	p0 =	seq.s32 s10, $0x0  }
.Ltmp1:
0x12: {  	_ = 	snop;
	(pc) =	sbr.rel @p0 .LBB2_10-.Ltmp1, $1  }
0x13: {  	_ =	sdelay $0x3  }
0x14: {  	p0 =	seq.s32 s10, $0x1  }
.Ltmp2:
0x15: {  	_ = 	snop;
	(pc) =	sbr.rel @!p0 .LBB2_9-.Ltmp2, $1  }
0x16: {  	_ =	sdelay $0x3  }
0x17: {  	_ =	swait.ge [sflag:s5], $0x30  }
0x18: {  	[sflag:s5] =	ssyncset.done $0x0  }
0x19: {  	s13 =	simm.s32 $0x0;
	[sflag:s5] =	ssyncadd.s32 $0xFFFFFFD0  }
0x1a: {  	v1 =	vld.msk [tilespmem:s13+$0x30 ss:$0x1], $0xffff;
	_ =	sdelay $0x4  }
0x1b: {  	v2 =	vand.u32 $0x1, v1;
	v3 =	vshll.u32 v1, $0x6  }
0x1c: {  	vm2 =	veq.s32 v1, $0x80000000;
	vm3 =	veq.s32 v2, $0x1;
	v1 =	vand.u32 $0x1FF80, v3  }
0x1d: {  	v2 =	vsel vm3, $0x18000, v0;
	v1 =	vsel vm2, $0xFFFFFF80, v1  }
0x1e: {  	v2 =	vsel vm2, $0xFFFE8000, v2;
	v3 =	vand.u32 $0xFFFFFC00, v1  }
0x1f: {  	v1 =	vand.u32 $0x380, v1;
	v2 =	vadd.s32 v2, v3  }
0x20: {  	v1 =	vor.u32 v1, v2  }
0x21: {  	v1 =	vshrl.u32 v1, $0x3;
	_ =	sdelay $0x2  }
0x22: {  	s31 =	simm.s32 $0x1860  }
0x23: {  	s15 =	simm.s32 $0x1C60;
	s14 =	simm.s32 $0x2060;
	s13 =	simm.s32 $0x40  }
0x24: {  	[tilespmem:s31], [sflag:$0x1] =	stream.indirect_vreg.gather [hbm:s2], $0x80, v1, vm0, $0x38;
	[tilespmem:$0x3060] =	vst v63  }
.LBB2_4:
0x25: {  	[tilespmem:s15], [sflag:$0x1] =	stream.indirect_vreg.gather [hbm:s2], $0x80, v1, vm1, $0x38;
	[tilespmem:$0x3060] =	vst v63  }
0x26: {  	s15 =	sshra.s32 s13, $0x2;
	p0 =	sne.s32 s13, $0x80;
	s13 =	sadd.s32 $0x40, s13  }
0x27: {  	v1 =	vld.msk [tilespmem:s15+$0x30 ss:$0x1], $0xffff;
	_ =	sdelay $0x5  }
0x28: {  	v2 =	vand.u32 $0x1, v1;
	v3 =	vshll.u32 v1, $0x6  }
0x29: {  	vm2 =	veq.s32 v1, $0x80000000;
	vm3 =	veq.s32 v2, $0x1;
	v1 =	vand.u32 $0x1FF80, v3  }
0x2a: {  	v2 =	vsel vm3, $0x18000, v0;
	v1 =	vsel vm2, $0xFFFFFF80, v1  }
0x2b: {  	v2 =	vsel vm2, $0xFFFE8000, v2;
	v3 =	vand.u32 $0xFFFFFC00, v1  }
0x2c: {  	v1 =	vand.u32 $0x380, v1;
	v2 =	vadd.s32 v2, v3  }
0x2d: {  	v1 =	vor.u32 v1, v2  }
0x2e: {  	v1 =	vshrl.u32 v1, $0x3;
	_ =	sdelay $0x1  }
.Ltmp3:
0x2f: {  	(pc) =	sbr.rel @p0 .LBB2_4-.Ltmp3, $3  }
0x30: {  	_ =	sdelay $0x1  }
0x31: {  	[tilespmem:s14], [sflag:$0x1] =	stream.indirect_vreg.gather [hbm:s2], $0x80, v1, vm0, $0x38;
	[tilespmem:$0x3060] =	vst v63  }
0x32: {  	s15 =	sadd.s32 $0x400, s14;
	s14 =	sadd.s32 $0x800, s14  }
0x33: {  	_ =	sdelay $0x3  }
0x34: {  	[tilespmem:s15], [sflag:$0x1] =	stream.indirect_vreg.gather [hbm:s2], $0x80, v1, vm1, $0x38;
	[tilespmem:$0x3060] =	vst v63  }
0x35: {  	s12 =	sshll.u32 s12, $0x4;
	s13 =	simm.s32 $0x1860;
	_ =	swait.ge [sflag:s3], $0x1800  }
0x36: {  	s14 =	simm.s32 $0x80;
	s12 =	sadd.s32 s12, s7;
	[sflag:s3] =	ssyncset.done $0x0  }
0x37: {  	s15 =	simm.s32 $0x1C60;
	s16 =	sadd.s32 $0x0, s12;
	[sflag:s3] =	ssyncadd.s32 $0xFFFFE800  }
.LBB2_6:
0x38: {  	[hbm:s16] =	stream.linear.scatter [tilespmem:s13], [sflag:$0x3], $0x400, $0x38;
	[tilespmem:$0x3060] =	vst v63  }
0x39: {  	s16 =	smov.u32 s14;
	s13 =	smov.u32 s15;
	p0 =	seq.s32 s14, $0x280  }
.Ltmp4:
0x3a: {  	s14 =	sadd.s32 $0x80, s14;
	(pc) =	sbr.rel @!p0 .LBB2_6-.Ltmp4, $2  }
0x3b: {  	_ =	sdelay $0x2  }
0x3c: {  	s15 =	sadd.s32 $0x400, s15;
	s16 =	sadd.s32 s16, s12  }
.Ltmp5:
0x3d: {  	(pc) =	sbr.rel .LBB2_8-.Ltmp5, $2  }
0x3e: {  	_ =	sdelay $0x2  }
0x3f: {  	[hbm:s16] =	stream.linear.scatter [tilespmem:s13], [sflag:$0x3], $0x400, $0x38;
	[tilespmem:$0x3060] =	vst v63  }
.LBB2_9:
0x40: {  	s2 =	simm.s32 $0x3  }
0x41: {  	_ =	swait.ge [sflag:s2], $0x1800  }
0x42: {  	[sflag:s2] =	ssyncset.done $0x0  }
0x43: {  	[sflag:s2] =	ssyncadd.s32 $0xFFFFE800  }
0x44: {  	_ =	sfence.sel $0x180000  }
0x45: {  	s3 =	simm.s32 $0x2;
	[bflag:$0x0] =	sbarrier.arrive $0xFFFF  }
0x46: {  	[sflag:s3] =	ssyncpa.u1 $0x1  }
0x47: {  	s31 =	simm.s32 $0x1;
	[sflag:s2] =	ssyncpa.u1 $0x1  }
0x48: {  	[sflag:s31] =	ssyncpa.u1 $0x1  }
0x49: {  	p0 =	sne.s32 s1, $0x0;
	_ =	strace $0x90000047  }
0x4a: {  	s0 =	sadd.s32 @!p0 $0x100000, s0;
	[bflag:$0x2] =	sbarrier.arrive $0xFFFF  }
0x4b: {  	[sflag:s0] =	ssyncadd.tile.s32 @!p0 $0x1;
	_ =	shalt  }
.Lfunc_end2:
_tile_overlayer_lowered:
.L_overlay_start_2:
0x4c: {  	(tag) =	ssettag $0x2  }
0x4d: {  	s0 =	rddreg [dreg:$0x0];
	s2 =	stileid.u32  }
0x4e: {  	s1 =	rddreg [dreg:$0x1];
	p0 =	sne.s32 s2, $0x0  }
0x4f: {  	s3 =	rddreg [dreg:$0x2];
	[bflag:$0x3] =	sbarrier.arrive $0xFFFF;
	s2 =	simm.s32 @!p0 $0x1C01  }
0x50: {  	[timem:s3], [sflag:s2] =	dma.local @!p0 [hbm:s0], s1  }
0x51: {  	s0 =	simm.s32 @!p0 $0x1  }
0x52: {  	_ =	swait.ge @!p0 [sflag:s0], s1  }
0x53: {  	s1 =	ssub.s32 @!p0 $0x0, s1;
	[sflag:s0] =	ssyncset.done @!p0 $0x0  }
0x54: {  	[sflag:s0] =	ssyncadd.s32 @!p0 s1  }
0x55: {  	[bflag:$0x3] =	sbarrier.arrive $0xFFFF  }
0x56: {  	_ =	shalt  }

// kernel: gather_offload_async_start.6
scs
__scs_entry_jumppad:
0x0: {  	(pc) =	sbr.rel $0x88, $3  }
0x1: {  	(tag) =	ssettag $0x0;
	lr =	simm.s32 $0x1  }
0x2: {  	[smem:$0x3F96] =	sst lr;
	_ =	strace $0xD0000000  }
0x3: {  	_ = 	snop  }
0x4: {  	_ = 	snop  }
0x5: {  	_ = 	snop  }
0x6: {  	_ = 	snop  }
0x7: {  	_ = 	snop  }
__scs_overlays_trampoline_lowered:
0x8: {  	[smem:$0x3FA5] =	sst s0  }
0x9: {  	[smem:$0x3FA6] =	sst s1  }
0xa: {  	[smem:$0x3FA7] =	sst s2  }
0xb: {  	[smem:$0x3FA8] =	sst s3  }
0xc: {  	[smem:$0x3FA9] =	sst s4  }
0xd: {  	[smem:$0x3FAA] =	sst s5  }
0xe: {  	[smem:$0x3FAB] =	sst s6  }
0xf: {  	[smem:$0x3FAC] =	sst s7  }
0x10: {  	[smem:$0x3FAD] =	sst s8  }
0x11: {  	[smem:$0x3FAE] =	sst s9;
	s0 =	simm.s32 @!p0 $0x0  }
0x12: {  	s1 =	sld [smem:$0x3F94];
	s0 =	simm.s32 @p0 $0x1  }
0x13: {  	[smem:$0x3FAF] =	sst s0;
	s0 =	simm.s32 @!p1 $0x0  }
0x14: {  	s2 =	sld [smem:$0x3F93];
	s0 =	simm.s32 @p1 $0x1  }
0x15: {  	[smem:$0x3FB0] =	sst s0;
	s0 =	simm.s32 @!p2 $0x0  }
0x16: {  	s3 =	sld [smem:$0x3FDB];
	s0 =	simm.s32 @p2 $0x1  }
0x17: {  	s4 =	simm.s32 $0x1BF5;
	[smem:$0x3FB2] =	sst s0  }
0x18: {  	s0 =	sld [smem:$0x3F95];
	_ =	swait.ge [sflag:s4], $0x0  }
0x19: {  	s7 =	sld [smem:$0x3F96]  }
0x1a: {  	s8 =	sadd.s32 $0xFFFFE003, lr  }
0x1b: {  	s9 =	sadd.s32 $0xFFFFFEF7, lr;
	s5 =	simm.s32 $0xFFFFFFFF;
	p2 =	slt.u32 s8, $0xFFFFF086  }
0x1c: {  	p1 =	slt.u32 s9, $0xF7A;
	s5 =	simm.s32 @!p2 $0x0  }
0x1d: {  	s5 =	simm.s32 @p1 $0x1;
	p0 =	seq.s32 s7, s2  }
0x1e: {  	s7 =	smul.u32 @!p0 $0xF7A, s2;
	p2 =	seq.s32 @!p0 s5, $0x0  }
0x1f: {  	s9 =	smul.u32 $0xF7A, s1;
	s8 =	simm.s32 @!p0 $0x1BF5;
	p2 =	por !p2, p0  }
0x20: {  	[sflag:s8] =	ssyncset.s32 @!p0 $0xFFFFF086;
	s6 =	sadd.s32 @!p0 s3, s7;
	s7 =	simm.s32 @!p0 $0x108  }
0x21: {  	s3 =	sadd.s32 s3, s9;
	s6 =	sadd.s32 @!p0 $0x88, s6;
	s7 =	simm.s32 @p2 $0x1082  }
0x22: {  	[simem:s7], [sflag:s8] =	dma.local @!p0 [hbm:s6], $0xF7A  }
0x23: {  	s9 =	sor.u32 $0xD0000000, s2;
	s6 =	simm.s32 $0x108;
	_ =	swait.ge @!p0 [sflag:s8], $0x0  }
0x24: {  	s3 =	sadd.s32 $0x88, s3;
	s6 =	simm.s32 @!p1 $0x1082;
	[sflag:s4] =	ssyncset.s32 $0xFFFFF086  }
0x25: {  	[simem:s6], [sflag:s4] =	dma.local [hbm:s3], $0xF7A  }
0x26: {  	[smem:$0x3F96] =	sst s1;
	(tag) =	ssettag s2;
	_ =	strace s9  }
0x27: {  	s1 =	sld [smem:$0x3FA6]  }
0x28: {  	s2 =	sld [smem:$0x3FA7]  }
0x29: {  	s4 =	sld [smem:$0x3FA9]  }
0x2a: {  	p0 =	seq.s32 s5, $0x0;
	s5 =	sld [smem:$0x3FAA]  }
0x2b: {  	s6 =	sld [smem:$0x3FAB]  }
0x2c: {  	s7 =	sld [smem:$0x3FAC]  }
0x2d: {  	s3 =	simm.s32 $0x108;
	s8 =	sld [smem:$0x3FAD]  }
0x2e: {  	s3 =	simm.s32 @!p0 $0x1082;
	s9 =	sld [smem:$0x3FAE]  }
0x2f: {  	lr =	sadd.s32 s0, s3;
	s0 =	sld [smem:$0x3FA5]  }
0x30: {  	s3 =	sld [smem:$0x3FA8]  }
0x31: {  	[smem:$0x3FB1] =	sst s10  }
0x32: {  	s10 =	sld [smem:$0x3FAF];
	_ =	sdelay $0x3  }
0x33: {  	p0 =	seq.s32 s10, $0x1;
	s10 =	sld [smem:$0x3FB1];
	_ =	sdelay $0x3  }
0x34: {  	[smem:$0x3FB1] =	sst s10  }
0x35: {  	s10 =	sld [smem:$0x3FB0];
	_ =	sdelay $0x3  }
0x36: {  	p1 =	seq.s32 s10, $0x1;
	s10 =	sld [smem:$0x3FB1];
	_ =	sdelay $0x3  }
0x37: {  	[smem:$0x3FB1] =	sst s10  }
0x38: {  	s10 =	sld [smem:$0x3FB2]  }
0x39: {  	_ = 	snop;
	(pc) =	sbr.ind lr, $3  }
0x3a: {  	_ = 	snop  }
0x3b: {  	_ = 	snop  }
0x3c: {  	p2 =	seq.s32 s10, $0x1;
	s10 =	sld [smem:$0x3FB1]  }
0x3d: {  	_ =	shalt  }
0x3e: {  	_ =	shalt  }
0x3f: {  	_ =	shalt  }
0x40: {  	_ =	shalt  }
0x41: {  	_ =	shalt  }
0x42: {  	_ =	shalt  }
0x43: {  	_ =	shalt  }
0x44: {  	_ =	shalt  }
0x45: {  	_ =	shalt  }
0x46: {  	_ =	shalt  }
0x47: {  	_ =	shalt  }
0x48: {  	_ =	shalt  }
0x49: {  	_ =	shalt  }
0x4a: {  	_ =	shalt  }
0x4b: {  	_ =	shalt  }
0x4c: {  	_ =	shalt  }
0x4d: {  	_ =	shalt  }
0x4e: {  	_ =	shalt  }
0x4f: {  	_ =	shalt  }
0x50: {  	_ =	shalt  }
0x51: {  	_ =	shalt  }
0x52: {  	_ =	shalt  }
0x53: {  	_ =	shalt  }
0x54: {  	_ =	shalt  }
0x55: {  	_ =	shalt  }
0x56: {  	_ =	shalt  }
0x57: {  	_ =	shalt  }
0x58: {  	_ =	shalt  }
0x59: {  	_ =	shalt  }
0x5a: {  	_ =	shalt  }
0x5b: {  	_ =	shalt  }
0x5c: {  	_ =	shalt  }
0x5d: {  	_ =	shalt  }
0x5e: {  	_ =	shalt  }
0x5f: {  	_ =	shalt  }
0x60: {  	_ =	shalt  }
0x61: {  	_ =	shalt  }
0x62: {  	_ =	shalt  }
0x63: {  	_ =	shalt  }
0x64: {  	_ =	shalt  }
0x65: {  	_ =	shalt  }
0x66: {  	_ =	shalt  }
0x67: {  	_ =	shalt  }
0x68: {  	_ =	shalt  }
0x69: {  	_ =	shalt  }
0x6a: {  	_ =	shalt  }
0x6b: {  	_ =	shalt  }
0x6c: {  	_ =	shalt  }
0x6d: {  	_ =	shalt  }
0x6e: {  	_ =	shalt  }
0x6f: {  	_ =	shalt  }
0x70: {  	_ =	shalt  }
0x71: {  	_ =	shalt  }
0x72: {  	_ =	shalt  }
0x73: {  	_ =	shalt  }
0x74: {  	_ =	shalt  }
0x75: {  	_ =	shalt  }
0x76: {  	_ =	shalt  }
0x77: {  	_ =	shalt  }
0x78: {  	_ =	shalt  }
0x79: {  	_ =	shalt  }
0x7a: {  	_ =	shalt  }
0x7b: {  	_ =	shalt  }
0x7c: {  	_ =	shalt  }
0x7d: {  	_ =	shalt  }
0x7e: {  	_ =	shalt  }
0x7f: {  	_ =	shalt  }
0x80: {  	_ =	shalt  }
0x81: {  	_ =	shalt  }
0x82: {  	_ =	shalt  }
0x83: {  	_ =	shalt  }
0x84: {  	_ =	shalt  }
0x85: {  	_ =	shalt  }
0x86: {  	_ =	shalt  }
0x87: {  	_ =	shalt  }
.Lfunc_end0:
.L_simem_size_0:
called_computation.6_lowered:
.L_overlay_start_0:
0x88: {  	s0 =	sld [smem:$0x3FD9]  }
0x89: {  	s1 =	sld [smem:$0x3FFE];
	_ =	sdelay $0x3  }
0x8a: {  	s0 =	sadd.s32 s1, s0  }
0x8b: {  	[smem:$0x3FBD] =	sst s0  }
0x8c: {  	_ = 	snop  }
0x8d: {  	s0 =	sld [smem:$0x3FD0];
	_ =	sdelay $0x2  }
0x8e: {  	s13 =	simm.s32 $0xB;
	s2 =	simm.s32 $0x10  }
0x8f: {  	[smem:s2], [sflag:s13] =	dma.local [hbm:s0], $0x1  }
0x90: {  	_ =	swait.eq [sflag:s13], $0x1  }
0x91: {  	[sflag:s13] =	ssyncset.done $0x0  }
0x92: {  	[sflag:s13] =	ssyncadd.s32 $0xFFFFFFFF  }
0x93: {  	s14 =	sld [smem:$0x10];
	(tm) =	ssettm $0x1  }
0x94: {  	s15 =	sld [smem:$0x3FFB];
	_ =	sdelay $0x3  }
0x95: {  	_ =	strace s15  }
0x96: {  	s1 =	sld [smem:$0x3FFC];
	_ =	sdelay $0x3  }
0x97: {  	_ =	strace s1  }
0x98: {  	s1 =	sld [smem:$0x3FFD];
	_ =	sdelay $0x3  }
0x99: {  	_ =	strace s1  }
0x9a: {  	_ =	strace $0x8FFFFFFF  }
0x9b: {  	s16 =	sld [smem:$0x3FDB];
	_ =	sdelay $0x1  }
0x9c: {  	s17 =	simm.s32 $_scs_section_size  }
0x9d: {  	s3 =	simm.s32 $_size__tile_overlayer_lowered;
	s4 =	simm.s32 $_tile_overlayer_lowered  }
0x9e: {  	s20 =	simm.s32 $0x1BFF;
	s19 =	sshll.u32 s4, $0x1;
	s1 =	sadd.s32 s17, s16  }
0x9f: {  	s5 =	simm.s32 $0x0;
	s18 =	sshll.u32 s3, $0x1;
	s3 =	sadd.s32 s19, s1  }
0xa0: {  	[timem:s5], [sflag:s20] =	dma.local [hbm:s3], s18  }
0xa1: {  	_ =	swait.ge [sflag:s20], s18  }
0xa2: {  	s2 =	ssub.s32 $0x0, s18;
	[sflag:s20] =	ssyncset.done $0x0  }
0xa3: {  	[sflag:s20] =	ssyncadd.s32 s2;
	_ =	sdelay $0x1  }
0xa4: {  	s21 =	simm.s32 $0x1B8B  }
0xa5: {  	_ =	swait.ge [sflag:s21], $0x1  }
0xa6: {  	[sflag:s21] =	ssyncset.done $0x0  }
0xa7: {  	s23 =	simm.s32 $0x1B8E;
	s22 =	sld [smem:$0x3FFE];
	[sflag:s21] =	ssyncadd.s32 $0xFFFFFFFF  }
0xa8: {  	s24 =	simm.s32 $execute0_lowered;
	[smem:$0x3FD2] =	sst s23  }
0xa9: {  	s3 =	sshll.u32 s24, $0x1;
	_ =	strace $0x80000058;
	[dreg:$0x1] =	wrdreg $0xFFFFFFFF  }
0xaa: {  	s25 =	simm.s32 $_size_execute0_lowered;
	s1 =	sadd.s32 s1, s3;
	[dreg:$0x0] =	wrdreg $0x0  }
0xab: {  	s3 =	sshll.u32 s25, $0x1;
	[dreg:$0x2] =	wrdreg s1  }
0xac: {  	[dreg:$0x3] =	wrdreg s3  }
0xad: {  	[dreg:$0x4] =	wrdreg $0xC0  }
0xae: {  	_ =	task [dreg:s5], $0x5FFFF  }
0xaf: {  	[dreg:$0x1] =	wrdreg $0xFFFFFFFF  }
0xb0: {  	[dreg:$0x0] =	wrdreg $0x60  }
0xb1: {  	[dreg:$0x2] =	wrdreg s22  }
0xb2: {  	[dreg:$0x3] =	wrdreg s14  }
0xb3: {  	[dreg:$0x4] =	wrdreg $0x9  }
0xb4: {  	_ =	task.clear_ibuf [dreg:s5], $0x5FFFF;
	_ =	strace $0x90000058  }
0xb5: {  	s26 =	simm.s32 $0x9;
	_ =	strace $0x8000005A  }
0xb6: {  	_ =	swait.ge [sflag:s26], $0x1  }
0xb7: {  	[sflag:s26] =	ssyncadd.s32 $0xFFFFFFFF  }
0xb8: {  	_ =	strace $0x9000005A  }
0xb9: {  	_ =	sfence  }
0xba: {  	s28 =	sld [smem:$0x0];
	_ =	sdelay $0x1  }
0xbb: {  	s29 =	srdreg.scid  }
0xbc: {  	s30 =	sshll.u32 s29, $0xD;
	s31 =	sshrl.u32 s29, $0x2  }
0xbd: {  	s2 =	sand.u32 $0x4000, s30;
	s1 =	sand.u32 $0x1, s29;
	s0 =	sadd.s32 s31, s28  }
0xbe: {  	s1 =	sor.u32 s2, s1;
	s0 =	sshll.u32 s0, $0x11  }
0xbf: {  	s0 =	sor.u32 s0, s1  }
0xc0: {  	s0 =	sadd.s32 $0x8F2B, s0  }
0xc1: {  	[sflag:s0] =	ssyncadd.remote.s32 $0x1  }
0xc2: {  	_ =	sfence.sel $0xFFFF  }
0xc3: {  	[dreg:$0x0] =	wrdreg $0xFFFFFFFF;
	(pc) =	sbr.abs _section_cstart, $3  }
0xc4: {  	[dreg:$0x1] =	wrdreg $0xFFFFFFFF  }
0xc5: {  	_ =	task.clear_ibuf [dreg:s5], $0x2FFFF;
	_ =	strace $0x9FFFFFFF  }
0xc6: {  	(tm) =	ssettm $0x7FFFFFFF  }
0xc7: {  	_ =	shalt  }
tec
execute0_lowered:
.L_overlay_start_1:
0x0: {  	(tag) =	ssettag $0x1  }
0x1: {  	s0 =	stileid.u32  }
0x2: {  	s1 =	smin.u32 s0, $0x9  }
0x3: {  	s1 =	sadd.s32 s0, s1  }
0x4: {  	s2 =	simm.s32 $0xA0;
	p0 =	slt.u32 s0, $0x9;
	s1 =	smul.u32 $0x50, s1  }
0x5: {  	s2 =	simm.s32 @!p0 $0x50  }
0x6: {  	s2 =	sadd.s32 s2, s1  }
0x7: {  	s3 =	smin.u32 s2, $0x7D0  }
0x8: {  	s7 =	ssub.s32 s3, s1  }
0x9: {  	p0 =	sgt.s32 s7, $0x0  }
0xa: {  	s7 =	simm.s32 @!p0 $0x0  }
0xb: {  	s4 =	rddreg [dreg:$0x0];
	s31 =	smul.u32 $0xCCCD, s7  }
0xc: {  	s5 =	rddreg [dreg:$0x1]  }
0xd: {  	s6 =	simm.s32 $0x1;
	s10 =	simm.s32 $0x3;
	s8 =	sshrl.u32 s31, $0x16  }
0xe: {  	s13 =	simm.s32 $0x0;
	s12 =	simm.s32 $0x0;
	s9 =	smul.u32 $0x50, s8  }
.Ltmp0:
0xf: {  	s11 =	smov.u32 s1;
	s2 =	rddreg [dreg:$0x2];
	(pc) =	sbr.rel .LBB2_1-.Ltmp0, $4  }
0x10: {  	_ =	strace $0x80000059;
	p0 =	sne.s32 s7, s9;
	s9 =	simm.s32 $0x1  }
0x11: {  	[sflag:s6] =	ssyncpa.u1 $0x0;
	s7 =	simm.s32 $0x2;
	s9 =	simm.s32 @!p0 $0x0  }
0x12: {  	[sflag:s7] =	ssyncpa.u1 $0x0;
	p0 =	por $0x0, $0x0;
	s8 =	sadd.s32 s8, s9  }
0x13: {  	v0 =	vimm.s32 $0x0;
	vm0 =	vmmov $0xff;
	vm1 =	vcmask $0x3F20;
	s9 =	sadd.s32 $0x7E000, s4;
	[sflag:s10] =	ssyncpa.u1 $0x0;
	s10 =	sadd.s32 $0x1, s8  }
.LBB2_6:
0x14: {  	[hbm:s17] =	stream.linear.scatter [tilespmem:s14], [sflag:$0x3], $0x400, $0x38;
	[tilespmem:$0x50A0] =	vst v63  }
.LBB2_7:
0x15: {  	s13 =	sadd.s32 $0x50, s11  }
0x16: {  	s15 =	smov.u32 s1;
	p2 =	slt.s32 s13, s3  }
0x17: {  	s15 =	smov.u32 @p2 s13;
	p2 =	sne.s32 s12, s10  }
.Ltmp1:
0x18: {  	p1 =	slt.u32 s12, $0x2;
	(pc) =	sbr.rel @!p2 .LBB2_8-.Ltmp1, $4  }
0x19: {  	s14 =	simm.s32 @!p1 $0x3  }
0x1a: {  	s16 =	sadd.s32 $0x1, s12;
	_ =	swait.ge @!p1 [sflag:s14], $0x2800  }
0x1b: {  	p0 =	por !p0, !p0;
	s13 =	smov.u32 s11;
	[sflag:s14] =	ssyncset.done @!p1 $0x0  }
0x1c: {  	s12 =	smov.u32 s16;
	s11 =	smov.u32 s15;
	[sflag:s14] =	ssyncadd.s32 @!p1 $0xFFFFD800  }
.LBB2_1:
0x1d: {  	p1 =	sge.u32 s12, s8  }
0x1e: {  	s14 =	sxor.u32 @!p1 $0xFFFFFFFF, s12  }
0x1f: {  	s14 =	sand.u32 @!p1 $0x1, s14  }
0x20: {  	s14 =	smul.u32 @!p1 $0x140, s14  }
0x21: {  	s31 =	sadd.s32 $0xFFFFFFFF, s12;
	s15 =	sshrl.u32 @!p1 s11, $0x3  }
0x22: {  	s16 =	sand.u32 @!p1 $0x7, s11;
	s15 =	sadd.s32 @!p1 s5, s15;
	s14 =	sshrl.u32 @!p1 s14, $0x2  }
0x23: {  	[tilespmem:s14], [sflag:$0x2] =	stream.linear.gather @!p1 [hbm4b:s15+s16], $0x50, $0x38;
	[tilespmem:$0x50A0] =	vst v63  }
0x24: {  	p1 =	sge.u32 s31, s8  }
.Ltmp2:
0x25: {  	_ = 	snop;
	(pc) =	sbr.rel @p1 .LBB2_7-.Ltmp2, $1  }
0x26: {  	_ =	sdelay $0x3  }
0x27: {  	s14 =	simm.s32 $0x1  }
0x28: {  	s14 =	simm.s32 @!p0 $0x0  }
0x29: {  	s15 =	smul.u32 $0x140, s14  }
0x2a: {  	_ =	swait.ge [sflag:s7], $0x50  }
0x2b: {  	[sflag:s7] =	ssyncset.done $0x0;
	s16 =	sshrl.u32 s15, $0x2  }
0x2c: {  	[sflag:s7] =	ssyncadd.s32 $0xFFFFFFB0;
	s15 =	sadd.s32 $0x0, s16  }
0x2d: {  	v1 =	vld.msk [tilespmem:s15+$0x0 ss:$0x1], $0xffff;
	_ =	sdelay $0x4  }
0x2e: {  	v2 =	vand.u32 $0x1, v1;
	v3 =	vshll.u32 v1, $0x6  }
0x2f: {  	vm2 =	veq.s32 v1, $0x80000000;
	vm3 =	veq.s32 v2, $0x1;
	v1 =	vand.u32 $0x1FFF80, v3  }
0x30: {  	v2 =	vsel vm3, $0x1F8000, v0;
	v1 =	vsel vm2, $0xFFFFFF80, v1  }
0x31: {  	v2 =	vsel vm2, $0xFFE08000, v2;
	v3 =	vand.u32 $0xFFFFFC00, v1  }
0x32: {  	v1 =	vand.u32 $0x380, v1;
	v2 =	vadd.s32 v2, v3  }
0x33: {  	v1 =	vor.u32 v1, v2  }
0x34: {  	v1 =	vshrl.u32 v1, $0x3  }
0x35: {  	s14 =	smul.u32 $0xA000, s14;
	_ =	sdelay $0x1  }
0x36: {  	s14 =	sshrl.u32 s14, $0x2  }
0x37: {  	s14 =	sor.u32 $0xA0, s14  }
0x38: {  	[tilespmem:s14], [sflag:$0x1] =	stream.indirect_vreg.gather [hbm:s4], $0x80, v1, vm0, $0x38;
	[tilespmem:$0x50A0] =	vst v63  }
0x39: {  	s17 =	sadd.s32 $0x10, s16;
	s15 =	sadd.s32 $0x400, s14  }
0x3a: {  	[tilespmem:s15], [sflag:$0x1] =	stream.indirect_vreg.gather [hbm:s4], $0x80, v1, vm1, $0x38;
	[tilespmem:$0x50A0] =	vst v63  }
0x3b: {  	s18 =	simm.s32 $0x80;
	v1 =	vld.msk [tilespmem:s17+$0x0 ss:$0x1], $0xffff;
	s17 =	smov.u32 s14  }
.LBB2_3:
0x3c: {  	p1 =	sne.s32 s18, $0x100;
	_ =	sdelay $0x4  }
0x3d: {  	v2 =	vand.u32 $0x1, v1;
	v3 =	vshll.u32 v1, $0x6  }
0x3e: {  	vm2 =	veq.s32 v1, $0x80000000;
	vm3 =	veq.s32 v2, $0x1;
	v1 =	vand.u32 $0x1FFF80, v3  }
0x3f: {  	v2 =	vsel vm3, $0x1F8000, v0;
	v1 =	vsel vm2, $0xFFFFFF80, v1  }
0x40: {  	v2 =	vsel vm2, $0xFFE08000, v2;
	v3 =	vand.u32 $0xFFFFFC00, v1  }
0x41: {  	v1 =	vand.u32 $0x380, v1;
	v2 =	vadd.s32 v2, v3  }
0x42: {  	v1 =	vor.u32 v1, v2  }
0x43: {  	v1 =	vshrl.u32 v1, $0x3;
	_ =	sdelay $0x3  }
.Ltmp3:
0x44: {  	s19 =	sshra.s32 s18, $0x2;
	s17 =	sadd.s32 $0x800, s17;
	(pc) =	sbr.rel @p1 .LBB2_3-.Ltmp3, $4  }
0x45: {  	[tilespmem:s17], [sflag:$0x1] =	stream.indirect_vreg.gather [hbm:s4], $0x80, v1, vm0, $0x38;
	[tilespmem:$0x50A0] =	vst v63  }
0x46: {  	s19 =	sadd.s32 s19, s16;
	s20 =	sadd.s32 $0x400, s17  }
0x47: {  	[tilespmem:s20], [sflag:$0x1] =	stream.indirect_vreg.gather [hbm:s4], $0x80, v1, vm1, $0x38;
	[tilespmem:$0x50A0] =	vst v63  }
0x48: {  	s18 =	sadd.s32 $0x40, s18;
	v1 =	vld.msk [tilespmem:s19+$0x0 ss:$0x1], $0xffff  }
0x49: {  	_ =	sdelay $0x3  }
0x4a: {  	v2 =	vand.u32 $0x1, v1;
	v3 =	vshll.u32 v1, $0x6  }
0x4b: {  	vm2 =	veq.s32 v1, $0x80000000;
	vm3 =	veq.s32 v2, $0x1;
	v1 =	vand.u32 $0x1FFF80, v3  }
0x4c: {  	v2 =	vsel vm3, $0x1F8000, v0;
	v1 =	vsel vm2, $0xFFFFFF80, v1  }
0x4d: {  	v2 =	vsel vm2, $0xFFE08000, v2;
	v3 =	vand.u32 $0xFFFFFC00, v1  }
0x4e: {  	v1 =	vand.u32 $0x380, v1;
	v2 =	vadd.s32 v2, v3  }
0x4f: {  	v1 =	vor.u32 v1, v2  }
0x50: {  	v1 =	vshrl.u32 v1, $0x3;
	_ =	sdelay $0x3  }
0x51: {  	s16 =	sadd.s32 $0x800, s17  }
0x52: {  	[tilespmem:s16], [sflag:$0x1] =	stream.indirect_vreg.gather [hbm:s4], $0x80, v1, vm0, $0x38;
	[tilespmem:$0x50A0] =	vst v63  }
0x53: {  	s16 =	sadd.s32 $0x400, s16  }
0x54: {  	[tilespmem:s16], [sflag:$0x1] =	stream.indirect_vreg.gather [hbm:s4], $0x80, v1, vm1, $0x38;
	[tilespmem:$0x50A0] =	vst v63  }
0x55: {  	s13 =	sshll.u32 s13, $0x4;
	_ =	swait.ge [sflag:s6], $0x2800  }
0x56: {  	s13 =	sadd.s32 s13, s9;
	[sflag:s6] =	ssyncset.done $0x0  }
0x57: {  	s17 =	sadd.s32 $0x0, s13;
	s16 =	simm.s32 $0x80;
	[sflag:s6] =	ssyncadd.s32 $0xFFFFD800  }
.LBB2_5:
0x58: {  	[hbm:s17] =	stream.linear.scatter [tilespmem:s14], [sflag:$0x3], $0x400, $0x38;
	[tilespmem:$0x50A0] =	vst v63  }
0x59: {  	s17 =	smov.u32 s16;
	s14 =	smov.u32 s15;
	p1 =	sne.s32 s16, $0x480  }
.Ltmp4:
0x5a: {  	s16 =	sadd.s32 $0x80, s16;
	(pc) =	sbr.rel @p1 .LBB2_5-.Ltmp4, $2  }
0x5b: {  	_ =	sdelay $0x2  }
0x5c: {  	s15 =	sadd.s32 $0x400, s15;
	s17 =	sadd.s32 s17, s13  }
.Ltmp5:
0x5d: {  	_ = 	snop;
	(pc) =	sbr.rel .LBB2_6-.Ltmp5, $1  }
0x5e: {  	_ =	sdelay $0x3  }
.LBB2_8:
0x5f: {  	_ =	sfence.sel $0x180000  }
0x60: {  	s1 =	simm.s32 $0x2;
	[bflag:$0x0] =	sbarrier.arrive $0xFFFF  }
0x61: {  	s30 =	simm.s32 $0x3;
	[sflag:s1] =	ssyncpa.u1 $0x1  }
0x62: {  	s31 =	simm.s32 $0x1;
	[sflag:s30] =	ssyncpa.u1 $0x1  }
0x63: {  	[sflag:s31] =	ssyncpa.u1 $0x1  }
0x64: {  	p0 =	sne.s32 s0, $0x0;
	_ =	strace $0x90000059  }
0x65: {  	s0 =	sadd.s32 @!p0 $0x100000, s2;
	[bflag:$0x2] =	sbarrier.arrive $0xFFFF  }
0x66: {  	[sflag:s0] =	ssyncadd.tile.s32 @!p0 $0x1;
	_ =	shalt  }
.Lfunc_end2:
_tile_overlayer_lowered:
.L_overlay_start_2:
0x67: {  	(tag) =	ssettag $0x2  }
0x68: {  	s0 =	rddreg [dreg:$0x0];
	s2 =	stileid.u32  }
0x69: {  	s1 =	rddreg [dreg:$0x1];
	p0 =	sne.s32 s2, $0x0  }
0x6a: {  	s3 =	rddreg [dreg:$0x2];
	[bflag:$0x3] =	sbarrier.arrive $0xFFFF;
	s2 =	simm.s32 @!p0 $0x1C01  }
0x6b: {  	[timem:s3], [sflag:s2] =	dma.local @!p0 [hbm:s0], s1  }
0x6c: {  	s0 =	simm.s32 @!p0 $0x1  }
0x6d: {  	_ =	swait.ge @!p0 [sflag:s0], s1  }
0x6e: {  	s1 =	ssub.s32 @!p0 $0x0, s1;
	[sflag:s0] =	ssyncset.done @!p0 $0x0  }
0x6f: {  	[sflag:s0] =	ssyncadd.s32 @!p0 s1  }
0x70: {  	[bflag:$0x3] =	sbarrier.arrive $0xFFFF  }
0x71: {  	_ =	shalt  }

// kernel: gather_offload_async_start
scs
__scs_entry_jumppad:
0x0: {  	(pc) =	sbr.rel $0x88, $3  }
0x1: {  	(tag) =	ssettag $0x0;
	lr =	simm.s32 $0x1  }
0x2: {  	[smem:$0x3F96] =	sst lr;
	_ =	strace $0xD0000000  }
0x3: {  	_ = 	snop  }
0x4: {  	_ = 	snop  }
0x5: {  	_ = 	snop  }
0x6: {  	_ = 	snop  }
0x7: {  	_ = 	snop  }
__scs_overlays_trampoline_lowered:
0x8: {  	[smem:$0x3FA5] =	sst s0  }
0x9: {  	[smem:$0x3FA6] =	sst s1  }
0xa: {  	[smem:$0x3FA7] =	sst s2  }
0xb: {  	[smem:$0x3FA8] =	sst s3  }
0xc: {  	[smem:$0x3FA9] =	sst s4  }
0xd: {  	[smem:$0x3FAA] =	sst s5  }
0xe: {  	[smem:$0x3FAB] =	sst s6  }
0xf: {  	[smem:$0x3FAC] =	sst s7  }
0x10: {  	[smem:$0x3FAD] =	sst s8  }
0x11: {  	[smem:$0x3FAE] =	sst s9;
	s0 =	simm.s32 @!p0 $0x0  }
0x12: {  	s1 =	sld [smem:$0x3F94];
	s0 =	simm.s32 @p0 $0x1  }
0x13: {  	[smem:$0x3FAF] =	sst s0;
	s0 =	simm.s32 @!p1 $0x0  }
0x14: {  	s2 =	sld [smem:$0x3F93];
	s0 =	simm.s32 @p1 $0x1  }
0x15: {  	[smem:$0x3FB0] =	sst s0;
	s0 =	simm.s32 @!p2 $0x0  }
0x16: {  	s3 =	sld [smem:$0x3FDB];
	s0 =	simm.s32 @p2 $0x1  }
0x17: {  	s4 =	simm.s32 $0x1BF5;
	[smem:$0x3FB2] =	sst s0  }
0x18: {  	s0 =	sld [smem:$0x3F95];
	_ =	swait.ge [sflag:s4], $0x0  }
0x19: {  	s7 =	sld [smem:$0x3F96]  }
0x1a: {  	s8 =	sadd.s32 $0xFFFFE003, lr  }
0x1b: {  	s9 =	sadd.s32 $0xFFFFFEF7, lr;
	s5 =	simm.s32 $0xFFFFFFFF;
	p2 =	slt.u32 s8, $0xFFFFF086  }
0x1c: {  	p1 =	slt.u32 s9, $0xF7A;
	s5 =	simm.s32 @!p2 $0x0  }
0x1d: {  	s5 =	simm.s32 @p1 $0x1;
	p0 =	seq.s32 s7, s2  }
0x1e: {  	s7 =	smul.u32 @!p0 $0xF7A, s2;
	p2 =	seq.s32 @!p0 s5, $0x0  }
0x1f: {  	s9 =	smul.u32 $0xF7A, s1;
	s8 =	simm.s32 @!p0 $0x1BF5;
	p2 =	por !p2, p0  }
0x20: {  	[sflag:s8] =	ssyncset.s32 @!p0 $0xFFFFF086;
	s6 =	sadd.s32 @!p0 s3, s7;
	s7 =	simm.s32 @!p0 $0x108  }
0x21: {  	s3 =	sadd.s32 s3, s9;
	s6 =	sadd.s32 @!p0 $0x88, s6;
	s7 =	simm.s32 @p2 $0x1082  }
0x22: {  	[simem:s7], [sflag:s8] =	dma.local @!p0 [hbm:s6], $0xF7A  }
0x23: {  	s9 =	sor.u32 $0xD0000000, s2;
	s6 =	simm.s32 $0x108;
	_ =	swait.ge @!p0 [sflag:s8], $0x0  }
0x24: {  	s3 =	sadd.s32 $0x88, s3;
	s6 =	simm.s32 @!p1 $0x1082;
	[sflag:s4] =	ssyncset.s32 $0xFFFFF086  }
0x25: {  	[simem:s6], [sflag:s4] =	dma.local [hbm:s3], $0xF7A  }
0x26: {  	[smem:$0x3F96] =	sst s1;
	(tag) =	ssettag s2;
	_ =	strace s9  }
0x27: {  	s1 =	sld [smem:$0x3FA6]  }
0x28: {  	s2 =	sld [smem:$0x3FA7]  }
0x29: {  	s4 =	sld [smem:$0x3FA9]  }
0x2a: {  	p0 =	seq.s32 s5, $0x0;
	s5 =	sld [smem:$0x3FAA]  }
0x2b: {  	s6 =	sld [smem:$0x3FAB]  }
0x2c: {  	s7 =	sld [smem:$0x3FAC]  }
0x2d: {  	s3 =	simm.s32 $0x108;
	s8 =	sld [smem:$0x3FAD]  }
0x2e: {  	s3 =	simm.s32 @!p0 $0x1082;
	s9 =	sld [smem:$0x3FAE]  }
0x2f: {  	lr =	sadd.s32 s0, s3;
	s0 =	sld [smem:$0x3FA5]  }
0x30: {  	s3 =	sld [smem:$0x3FA8]  }
0x31: {  	[smem:$0x3FB1] =	sst s10  }
0x32: {  	s10 =	sld [smem:$0x3FAF];
	_ =	sdelay $0x3  }
0x33: {  	p0 =	seq.s32 s10, $0x1;
	s10 =	sld [smem:$0x3FB1];
	_ =	sdelay $0x3  }
0x34: {  	[smem:$0x3FB1] =	sst s10  }
0x35: {  	s10 =	sld [smem:$0x3FB0];
	_ =	sdelay $0x3  }
0x36: {  	p1 =	seq.s32 s10, $0x1;
	s10 =	sld [smem:$0x3FB1];
	_ =	sdelay $0x3  }
0x37: {  	[smem:$0x3FB1] =	sst s10  }
0x38: {  	s10 =	sld [smem:$0x3FB2]  }
0x39: {  	_ = 	snop;
	(pc) =	sbr.ind lr, $3  }
0x3a: {  	_ = 	snop  }
0x3b: {  	_ = 	snop  }
0x3c: {  	p2 =	seq.s32 s10, $0x1;
	s10 =	sld [smem:$0x3FB1]  }
0x3d: {  	_ =	shalt  }
0x3e: {  	_ =	shalt  }
0x3f: {  	_ =	shalt  }
0x40: {  	_ =	shalt  }
0x41: {  	_ =	shalt  }
0x42: {  	_ =	shalt  }
0x43: {  	_ =	shalt  }
0x44: {  	_ =	shalt  }
0x45: {  	_ =	shalt  }
0x46: {  	_ =	shalt  }
0x47: {  	_ =	shalt  }
0x48: {  	_ =	shalt  }
0x49: {  	_ =	shalt  }
0x4a: {  	_ =	shalt  }
0x4b: {  	_ =	shalt  }
0x4c: {  	_ =	shalt  }
0x4d: {  	_ =	shalt  }
0x4e: {  	_ =	shalt  }
0x4f: {  	_ =	shalt  }
0x50: {  	_ =	shalt  }
0x51: {  	_ =	shalt  }
0x52: {  	_ =	shalt  }
0x53: {  	_ =	shalt  }
0x54: {  	_ =	shalt  }
0x55: {  	_ =	shalt  }
0x56: {  	_ =	shalt  }
0x57: {  	_ =	shalt  }
0x58: {  	_ =	shalt  }
0x59: {  	_ =	shalt  }
0x5a: {  	_ =	shalt  }
0x5b: {  	_ =	shalt  }
0x5c: {  	_ =	shalt  }
0x5d: {  	_ =	shalt  }
0x5e: {  	_ =	shalt  }
0x5f: {  	_ =	shalt  }
0x60: {  	_ =	shalt  }
0x61: {  	_ =	shalt  }
0x62: {  	_ =	shalt  }
0x63: {  	_ =	shalt  }
0x64: {  	_ =	shalt  }
0x65: {  	_ =	shalt  }
0x66: {  	_ =	shalt  }
0x67: {  	_ =	shalt  }
0x68: {  	_ =	shalt  }
0x69: {  	_ =	shalt  }
0x6a: {  	_ =	shalt  }
0x6b: {  	_ =	shalt  }
0x6c: {  	_ =	shalt  }
0x6d: {  	_ =	shalt  }
0x6e: {  	_ =	shalt  }
0x6f: {  	_ =	shalt  }
0x70: {  	_ =	shalt  }
0x71: {  	_ =	shalt  }
0x72: {  	_ =	shalt  }
0x73: {  	_ =	shalt  }
0x74: {  	_ =	shalt  }
0x75: {  	_ =	shalt  }
0x76: {  	_ =	shalt  }
0x77: {  	_ =	shalt  }
0x78: {  	_ =	shalt  }
0x79: {  	_ =	shalt  }
0x7a: {  	_ =	shalt  }
0x7b: {  	_ =	shalt  }
0x7c: {  	_ =	shalt  }
0x7d: {  	_ =	shalt  }
0x7e: {  	_ =	shalt  }
0x7f: {  	_ =	shalt  }
0x80: {  	_ =	shalt  }
0x81: {  	_ =	shalt  }
0x82: {  	_ =	shalt  }
0x83: {  	_ =	shalt  }
0x84: {  	_ =	shalt  }
0x85: {  	_ =	shalt  }
0x86: {  	_ =	shalt  }
0x87: {  	_ =	shalt  }
.Lfunc_end0:
.L_simem_size_0:
called_computation_lowered:
.L_overlay_start_0:
0x88: {  	s2 =	sld [smem:$0x3FD9]  }
0x89: {  	s3 =	sld [smem:$0x3FFE];
	_ =	sdelay $0x1  }
0x8a: {  	s1 =	srdreg.scid  }
0x8b: {  	s0 =	sand.u32 $0x1, s1  }
0x8c: {  	s16 =	sshll.u32 s0, $0xA;
	s2 =	sadd.s32 s3, s2  }
0x8d: {  	s2 =	sadd.s32 s2, s16  }
0x8e: {  	[smem:$0x3FBD] =	sst s2  }
0x8f: {  	_ = 	snop  }
0x90: {  	(tm) =	ssettm $0x1  }
0x91: {  	s17 =	sld [smem:$0x3FFB];
	_ =	sdelay $0x3  }
0x92: {  	_ =	strace s17  }
0x93: {  	s2 =	sld [smem:$0x3FFC];
	_ =	sdelay $0x3  }
0x94: {  	_ =	strace s2  }
0x95: {  	s2 =	sld [smem:$0x3FFD];
	_ =	sdelay $0x3  }
0x96: {  	_ =	strace s2  }
0x97: {  	_ =	strace $0x8FFFFFFF  }
0x98: {  	s18 =	sld [smem:$0x3FDB];
	_ =	sdelay $0x1  }
0x99: {  	s19 =	simm.s32 $_scs_section_size  }
0x9a: {  	s4 =	simm.s32 $_size__tile_overlayer_lowered;
	s5 =	simm.s32 $_tile_overlayer_lowered  }
0x9b: {  	s22 =	simm.s32 $0x1BFF;
	s21 =	sshll.u32 s5, $0x1;
	s2 =	sadd.s32 s19, s18  }
0x9c: {  	s6 =	simm.s32 $0x0;
	s20 =	sshll.u32 s4, $0x1;
	s4 =	sadd.s32 s21, s2  }
0x9d: {  	[timem:s6], [sflag:s22] =	dma.local [hbm:s4], s20  }
0x9e: {  	_ =	swait.ge [sflag:s22], s20  }
0x9f: {  	s3 =	ssub.s32 $0x0, s20;
	[sflag:s22] =	ssyncset.done $0x0  }
0xa0: {  	[sflag:s22] =	ssyncadd.s32 s3;
	_ =	sdelay $0x1  }
0xa1: {  	s23 =	simm.s32 $0x1B8B  }
0xa2: {  	_ =	swait.ge [sflag:s23], $0x1  }
0xa3: {  	[sflag:s23] =	ssyncset.done $0x0  }
0xa4: {  	s25 =	simm.s32 $0x1B8E;
	s24 =	sld [smem:$0x3FFE];
	[sflag:s23] =	ssyncadd.s32 $0xFFFFFFFF  }
0xa5: {  	s26 =	simm.s32 $execute0_lowered;
	[smem:$0x3FD2] =	sst s25  }
0xa6: {  	s4 =	sshll.u32 s26, $0x1;
	_ =	strace $0x8000004C;
	[dreg:$0x1] =	wrdreg $0xFFFFFFFF  }
0xa7: {  	s28 =	simm.s32 $_size_execute0_lowered;
	s2 =	sadd.s32 s2, s4;
	[dreg:$0x0] =	wrdreg $0x0  }
0xa8: {  	s4 =	sshll.u32 s28, $0x1;
	[dreg:$0x2] =	wrdreg s2  }
0xa9: {  	[dreg:$0x3] =	wrdreg s4  }
0xaa: {  	[dreg:$0x4] =	wrdreg $0xC0  }
0xab: {  	_ =	task [dreg:s6], $0x5FFFF  }
0xac: {  	[dreg:$0x1] =	wrdreg $0xFFFFFFFF  }
0xad: {  	[dreg:$0x0] =	wrdreg $0x60  }
0xae: {  	[dreg:$0x2] =	wrdreg s24  }
0xaf: {  	[dreg:$0x3] =	wrdreg $0xA  }
0xb0: {  	_ =	task.clear_ibuf [dreg:s6], $0x4FFFF;
	_ =	strace $0x9000004C  }
0xb1: {  	s29 =	simm.s32 $0xA;
	_ =	strace $0x8000004E  }
0xb2: {  	_ =	swait.ge [sflag:s29], $0x1  }
0xb3: {  	[sflag:s29] =	ssyncadd.s32 $0xFFFFFFFF  }
0xb4: {  	_ =	strace $0x9000004E  }
0xb5: {  	_ =	sfence  }
0xb6: {  	s30 =	sld [smem:$0x0];
	_ =	sdelay $0x2  }
0xb7: {  	s31 =	sshll.u32 s1, $0xD;
	s1 =	sshrl.u32 s1, $0x2  }
0xb8: {  	s3 =	sand.u32 $0x4000, s31;
	s1 =	sadd.s32 s1, s30  }
0xb9: {  	s0 =	sor.u32 s3, s0;
	s1 =	sshll.u32 s1, $0x11  }
0xba: {  	s0 =	sor.u32 s1, s0  }
0xbb: {  	s0 =	sadd.s32 $0x8F2B, s0  }
0xbc: {  	[sflag:s0] =	ssyncadd.remote.s32 $0x1  }
0xbd: {  	_ =	sfence.sel $0xFFFF  }
0xbe: {  	[dreg:$0x0] =	wrdreg $0xFFFFFFFF;
	(pc) =	sbr.abs _section_cstart, $3  }
0xbf: {  	[dreg:$0x1] =	wrdreg $0xFFFFFFFF  }
0xc0: {  	_ =	task.clear_ibuf [dreg:s6], $0x2FFFF;
	_ =	strace $0x9FFFFFFF  }
0xc1: {  	(tm) =	ssettm $0x7FFFFFFF  }
tec
execute0_lowered:
.L_overlay_start_1:
0x0: {  	(tag) =	ssettag $0x1  }
0x1: {  	s0 =	srdreg.scid  }
0x2: {  	s1 =	sshll.u32 s0, $0x4  }
0x3: {  	s0 =	stileid.u32;
	s1 =	sand.u32 $0x10, s1  }
0x4: {  	s2 =	sor.u32 s0, s1  }
0x5: {  	s1 =	smin.u32 s2, $0x1C  }
0x6: {  	s1 =	sadd.s32 s2, s1  }
0x7: {  	p0 =	slt.u32 s2, $0x1C;
	s2 =	simm.s32 $0x190;
	s1 =	smul.u32 $0xC8, s1  }
0x8: {  	s2 =	simm.s32 @!p0 $0xC8  }
0x9: {  	s2 =	sadd.s32 s2, s1  }
0xa: {  	s3 =	smin.u32 s2, $0x2EE0  }
0xb: {  	s7 =	ssub.s32 s3, s1  }
0xc: {  	p0 =	sgt.s32 s7, $0x0  }
0xd: {  	s7 =	simm.s32 @!p0 $0x0  }
0xe: {  	s31 =	sand.u32 $0xFFF8, s7  }
0xf: {  	s2 =	sshrl.u32 s31, $0x3  }
0x10: {  	s2 =	smul.u32 $0x147B, s2  }
0x11: {  	s9 =	rddreg [dreg:$0x0];
	s6 =	simm.s32 $0x1;
	s11 =	simm.s32 $0x3  }
0x12: {  	s13 =	simm.s32 $0x0;
	s12 =	simm.s32 $0x0;
	s8 =	sshrl.u32 s2, $0x11  }
0x13: {  	s4 =	sadd.s32 $0x83400, s9;
	s5 =	sadd.s32 $0x1400, s9;
	s10 =	smul.u32 $0xC8, s8  }
.Ltmp0:
0x14: {  	s9 =	sadd.s32 $0x143400, s9;
	s2 =	rddreg [dreg:$0x1];
	(pc) =	sbr.rel .LBB2_1-.Ltmp0, $4  }
0x15: {  	_ =	strace $0x8000004D;
	p0 =	sne.s32 s7, s10;
	s10 =	simm.s32 $0x1  }
0x16: {  	[sflag:s6] =	ssyncpa.u1 $0x0;
	s7 =	simm.s32 $0x2;
	s10 =	simm.s32 @!p0 $0x0  }
0x17: {  	[sflag:s7] =	ssyncpa.u1 $0x0;
	p0 =	por $0x0, $0x0;
	s8 =	sadd.s32 s8, s10  }
0x18: {  	vm0 =	vmmov $0xff;
	vm1 =	vcmask $0x3F20;
	[sflag:s11] =	ssyncpa.u1 $0x0;
	s11 =	smov.u32 s1;
	s10 =	sadd.s32 $0x1, s8  }
.LBB2_6:
0x19: {  	[hbm:s17] =	stream.linear.scatter [tilespmem:s14], [sflag:$0x3], $0x400, $0x38;
	[tilespmem:$0xC990] =	vst v63  }
.LBB2_7:
0x1a: {  	s13 =	sadd.s32 $0xC8, s11  }
0x1b: {  	s15 =	smov.u32 s1;
	p2 =	slt.s32 s13, s3  }
0x1c: {  	s15 =	smov.u32 @p2 s13;
	p2 =	sne.s32 s12, s10  }
.Ltmp1:
0x1d: {  	p1 =	slt.u32 s12, $0x2;
	(pc) =	sbr.rel @!p2 .LBB2_8-.Ltmp1, $4  }
0x1e: {  	s14 =	simm.s32 @!p1 $0x3  }
0x1f: {  	s16 =	sadd.s32 $0x1, s12;
	_ =	swait.ge @!p1 [sflag:s14], $0x6400  }
0x20: {  	p0 =	por !p0, !p0;
	s13 =	smov.u32 s11;
	[sflag:s14] =	ssyncset.done @!p1 $0x0  }
0x21: {  	s12 =	smov.u32 s16;
	s11 =	smov.u32 s15;
	[sflag:s14] =	ssyncadd.s32 @!p1 $0xFFFF9C00  }
.LBB2_1:
0x22: {  	p1 =	sge.u32 s12, s8  }
0x23: {  	s14 =	sxor.u32 @!p1 $0xFFFFFFFF, s12  }
0x24: {  	s14 =	sand.u32 @!p1 $0x1, s14  }
0x25: {  	s14 =	smul.u32 @!p1 $0x320, s14  }
0x26: {  	s31 =	sadd.s32 $0xFFFFFFFF, s12;
	s15 =	sshrl.u32 @!p1 s11, $0x3  }
0x27: {  	s16 =	sand.u32 @!p1 $0x7, s11;
	s15 =	sadd.s32 @!p1 s5, s15;
	s14 =	sshrl.u32 @!p1 s14, $0x2  }
0x28: {  	[tilespmem:s14], [sflag:$0x2] =	stream.linear.gather @!p1 [hbm4b:s15+s16], $0xC8, $0x38;
	[tilespmem:$0xC990] =	vst v63  }
0x29: {  	p1 =	sge.u32 s31, s8  }
.Ltmp2:
0x2a: {  	_ = 	snop;
	(pc) =	sbr.rel @p1 .LBB2_7-.Ltmp2, $1  }
0x2b: {  	_ =	sdelay $0x3  }
0x2c: {  	s14 =	simm.s32 $0x1  }
0x2d: {  	s14 =	simm.s32 @!p0 $0x0  }
0x2e: {  	s15 =	smul.u32 $0x320, s14  }
0x2f: {  	_ =	swait.ge [sflag:s7], $0xC8  }
0x30: {  	[sflag:s7] =	ssyncset.done $0x0;
	s16 =	sshrl.u32 s15, $0x2  }
0x31: {  	[sflag:s7] =	ssyncadd.s32 $0xFFFFFF38;
	s15 =	sadd.s32 $0x0, s16  }
0x32: {  	v0 =	vld.msk [tilespmem:s15+$0x0 ss:$0x1], $0xffff;
	_ =	sdelay $0x4  }
0x33: {  	vm2 =	vgt.s32 v0, $0x0  }
0x34: {  	v0 =	vnsel vm2, $0x0, v0  }
0x35: {  	v0 =	vmin.u32 v0, $0xBFFF  }
0x36: {  	v0 =	vshll.u32 v0, $0x4  }
0x37: {  	s14 =	smul.u32 $0x19000, s14  }
0x38: {  	s31 =	sand.u32 $0x1, s12  }
0x39: {  	s17 =	smul.u32 $0x320, s31;
	s14 =	sshrl.u32 s14, $0x2  }
0x3a: {  	s19 =	smul.u32 $0x19000, s31;
	s14 =	sor.u32 $0x190, s14  }
0x3b: {  	[tilespmem:s14], [sflag:$0x1] =	stream.indirect_vreg.gather [hbm:s4], $0x80, v0, vm0, $0x38;
	[tilespmem:$0xC990] =	vst v63  }
0x3c: {  	s18 =	sshrl.u32 s17, $0x2;
	s20 =	sadd.s32 $0x10, s16;
	s15 =	sadd.s32 $0x400, s14  }
0x3d: {  	[tilespmem:s15], [sflag:$0x1] =	stream.indirect_vreg.gather [hbm:s4], $0x80, v0, vm1, $0x38;
	[tilespmem:$0xC990] =	vst v63  }
0x3e: {  	s17 =	sshrl.u32 s19, $0x2;
	s19 =	smov.u32 s14;
	v0 =	vld.msk [tilespmem:s20+$0x0 ss:$0x1], $0xffff;
	s20 =	simm.s32 $0x80  }
.LBB2_3:
0x3f: {  	p1 =	sne.s32 s20, $0x2C0;
	_ =	sdelay $0x4  }
0x40: {  	vm2 =	vgt.s32 v0, $0x0  }
0x41: {  	v0 =	vnsel vm2, $0x0, v0  }
0x42: {  	v0 =	vmin.u32 v0, $0xBFFF  }
0x43: {  	v0 =	vshll.u32 v0, $0x4;
	_ =	sdelay $0x3  }
.Ltmp3:
0x44: {  	s21 =	sshra.s32 s20, $0x2;
	s19 =	sadd.s32 $0x800, s19;
	(pc) =	sbr.rel @p1 .LBB2_3-.Ltmp3, $4  }
0x45: {  	[tilespmem:s19], [sflag:$0x1] =	stream.indirect_vreg.gather [hbm:s4], $0x80, v0, vm0, $0x38;
	[tilespmem:$0xC990] =	vst v63  }
0x46: {  	s21 =	sadd.s32 s21, s16;
	s22 =	sadd.s32 $0x400, s19  }
0x47: {  	[tilespmem:s22], [sflag:$0x1] =	stream.indirect_vreg.gather [hbm:s4], $0x80, v0, vm1, $0x38;
	[tilespmem:$0xC990] =	vst v63  }
0x48: {  	s20 =	sadd.s32 $0x40, s20;
	v0 =	vld.msk [tilespmem:s21+$0x0 ss:$0x1], $0xffff  }
0x49: {  	_ =	sdelay $0x3  }
0x4a: {  	vm2 =	vgt.s32 v0, $0x0  }
0x4b: {  	v0 =	vnsel vm2, $0x0, v0  }
0x4c: {  	v0 =	vmin.u32 v0, $0xBFFF  }
0x4d: {  	v0 =	vshll.u32 v0, $0x4;
	_ =	sdelay $0x3  }
0x4e: {  	s16 =	sadd.s32 $0x800, s19  }
0x4f: {  	[tilespmem:s16], [sflag:$0x1] =	stream.indirect_vreg.gather [hbm:s4], $0x80, v0, vm0, $0x38;
	[tilespmem:$0xC990] =	vst v63  }
0x50: {  	s16 =	sadd.s32 $0x400, s16  }
0x51: {  	[tilespmem:s16], [sflag:$0x1] =	stream.indirect_vreg.gather [hbm:s4], $0x80, v0, vm1, $0x38;
	[tilespmem:$0xC990] =	vst v63  }
0x52: {  	v0 =	vld.msk [tilespmem:s18+$0xC0 ss:$0x1], $0xff;
	_ =	sdelay $0x4  }
0x53: {  	vm2 =	vgt.s32 v0, $0x0  }
0x54: {  	v0 =	vnsel vm2, $0x0, v0  }
0x55: {  	v0 =	vmin.u32 v0, $0xBFFF  }
0x56: {  	v0 =	vshll.u32 v0, $0x4;
	_ =	sdelay $0x3  }
0x57: {  	s31 =	sadd.s32 $0x6190, s17  }
0x58: {  	[tilespmem:s31], [sflag:$0x1] =	stream.indirect_vreg.gather [hbm:s4], $0x80, v0, vm0, $0x38;
	[tilespmem:$0xC990] =	vst v63  }
0x59: {  	s13 =	sshll.u32 s13, $0x4;
	_ =	swait.ge [sflag:s6], $0x6400  }
0x5a: {  	s13 =	sadd.s32 s13, s9;
	[sflag:s6] =	ssyncset.done $0x0  }
0x5b: {  	s17 =	sadd.s32 $0x0, s13;
	s16 =	simm.s32 $0x80;
	[sflag:s6] =	ssyncadd.s32 $0xFFFF9C00  }
.LBB2_5:
0x5c: {  	[hbm:s17] =	stream.linear.scatter [tilespmem:s14], [sflag:$0x3], $0x400, $0x38;
	[tilespmem:$0xC990] =	vst v63  }
0x5d: {  	s17 =	smov.u32 s16;
	s14 =	smov.u32 s15;
	p1 =	sne.s32 s16, $0xC00  }
.Ltmp4:
0x5e: {  	s16 =	sadd.s32 $0x80, s16;
	(pc) =	sbr.rel @p1 .LBB2_5-.Ltmp4, $2  }
0x5f: {  	_ =	sdelay $0x2  }
0x60: {  	s15 =	sadd.s32 $0x400, s15;
	s17 =	sadd.s32 s17, s13  }
.Ltmp5:
0x61: {  	_ = 	snop;
	(pc) =	sbr.rel .LBB2_6-.Ltmp5, $1  }
0x62: {  	_ =	sdelay $0x3  }
.LBB2_8:
0x63: {  	_ =	sfence.sel $0x180000  }
0x64: {  	s1 =	simm.s32 $0x2;
	[bflag:$0x0] =	sbarrier.arrive $0xFFFF  }
0x65: {  	s30 =	simm.s32 $0x3;
	[sflag:s1] =	ssyncpa.u1 $0x1  }
0x66: {  	s31 =	simm.s32 $0x1;
	[sflag:s30] =	ssyncpa.u1 $0x1  }
0x67: {  	[sflag:s31] =	ssyncpa.u1 $0x1  }
0x68: {  	p0 =	sne.s32 s0, $0x0;
	_ =	strace $0x9000004D  }
0x69: {  	s0 =	sadd.s32 @!p0 $0x100000, s2;
	[bflag:$0x2] =	sbarrier.arrive $0xFFFF  }
0x6a: {  	[sflag:s0] =	ssyncadd.tile.s32 @!p0 $0x1;
	_ =	shalt  }
.Lfunc_end2:
_tile_overlayer_lowered:
.L_overlay_start_2:
0x6b: {  	(tag) =	ssettag $0x2  }
0x6c: {  	s0 =	rddreg [dreg:$0x0];
	s2 =	stileid.u32  }
0x6d: {  	s1 =	rddreg [dreg:$0x1];
	p0 =	sne.s32 s2, $0x0  }
0x6e: {  	s3 =	rddreg [dreg:$0x2];
	[bflag:$0x3] =	sbarrier.arrive $0xFFFF;
	s2 =	simm.s32 @!p0 $0x1C01  }
0x6f: {  	[timem:s3], [sflag:s2] =	dma.local @!p0 [hbm:s0], s1  }
0x70: {  	s0 =	simm.s32 @!p0 $0x1  }
0x71: {  	_ =	swait.ge @!p0 [sflag:s0], s1  }
0x72: {  	s1 =	ssub.s32 @!p0 $0x0, s1;
	[sflag:s0] =	ssyncset.done @!p0 $0x0  }
0x73: {  	[sflag:s0] =	ssyncadd.s32 @!p0 s1  }
0x74: {  	[bflag:$0x3] =	sbarrier.arrive $0xFFFF  }
0x75: {  	_ =	shalt  }

</sc_bundles>
